<compile_context>
chip_gen: v7x
topology: tpu7x:2x2x1
jax: 0.10.2.dev20260603
libtpu: 0.0.44.dev20260713+nightly
codegen_flags: <defaults>
</compile_context>

<pallas_src>
import jax
import jax.numpy as jnp
from jax import lax
from jax.experimental import pallas as pl
from jax.experimental.pallas import tpu as pltpu
from jax.experimental.pallas import tpu_sc as plsc

N = 10000
E = 320000
NC = 2
NS = 16
NW = NC * NS
CH = 128
NCH = 80
E_PAD = NW * NCH * CH
NROWS = 10240
RPW = NROWS // NS

_MESH = dict(core_axis_name="c", subcore_axis_name="s", num_cores=NC,
             num_subcores=NS)


def _scatter_rows(width, stage_table=True):

    def body(table, srcs, dsts, zeros, out, src_v, dst_v, rows_v, acc,
             *rest):
        if stage_table:
            tab_sh, *sems = rest
        else:
            tab_sh, sems = table, list(rest)
        gs = sems[:4]
        ss = sems[4:]
        c = lax.axis_index("c")
        s = lax.axis_index("s")
        wid = c * NS + s
        if stage_table:
            pltpu.sync_copy(table.at[pl.ds(s * RPW, RPW)],
                            tab_sh.at[pl.ds(s * RPW, RPW)])
        pltpu.sync_copy(zeros, acc.at[pl.ds(s * RPW, RPW)])
        pltpu.sync_copy(srcs.at[wid], src_v)
        pltpu.sync_copy(dsts.at[wid], dst_v)
        plsc.subcore_barrier()

        def g_start(j, b):
            pltpu.async_copy(tab_sh.at[src_v.at[j]], rows_v.at[b], gs[b])

        def g_wait(j, b):
            pltpu.make_async_copy(tab_sh.at[src_v.at[j]], rows_v.at[b],
                                  gs[b]).wait()

        def s_start(j, b):
            pltpu.async_copy(rows_v.at[b], acc.at[dst_v.at[j]], ss[b],
                             add=True)

        def s_wait(j, b):
            pltpu.make_async_copy(rows_v.at[b], acc.at[dst_v.at[j]],
                                  ss[b]).wait()

        g_start(0, 0)
        g_start(1, 1)

        def outer(k, carry):
            for u in range(4):
                j = 4 * k + u
                b2 = (u + 2) % 4
                g_wait(j, u)
                s_start(j, u)

                @pl.when(j >= 2)
                def _():
                    s_wait(j - 2, b2)

                @pl.when(j + 2 < NCH)
                def _():
                    g_start(j + 2, b2)
            return carry

        lax.fori_loop(0, NCH // 4, outer, 0)
        s_wait(NCH - 2, (NCH - 2) % 4)
        s_wait(NCH - 1, (NCH - 1) % 4)
        plsc.subcore_barrier()
        pltpu.sync_copy(acc.at[pl.ds(s * RPW, RPW)],
                        out.at[c, pl.ds(s * RPW, RPW)])

    return pl.kernel(
        body,
        out_type=jax.ShapeDtypeStruct((NC, NROWS, width), jnp.float32),
        mesh=plsc.VectorSubcoreMesh(**_MESH),
        compiler_params=pltpu.CompilerParams(use_tc_tiling_on_sc=False),
        scratch_types=[
            pltpu.VMEM((NCH, CH), jnp.int32),
            pltpu.VMEM((NCH, CH), jnp.int32),
            pltpu.VMEM((4, CH, width), jnp.float32),
            pltpu.VMEM_SHARED((NROWS, width), jnp.float32),
        ] + ([pltpu.VMEM_SHARED((NROWS, width), jnp.float32)]
             if stage_table else []) + [
            pltpu.SemaphoreType.DMA,
            pltpu.SemaphoreType.DMA,
            pltpu.SemaphoreType.DMA,
            pltpu.SemaphoreType.DMA,
            pltpu.SemaphoreType.DMA,
            pltpu.SemaphoreType.DMA,
            pltpu.SemaphoreType.DMA,
            pltpu.SemaphoreType.DMA,
        ],
    )


def _degree_hist():
    width = 16

    def body(dsts, ones, zeros, out, dst_v, rows_v, acc, s0, s1, s2, s3):
        ss = [s0, s1, s2, s3]
        c = lax.axis_index("c")
        s = lax.axis_index("s")
        wid = c * NS + s
        pltpu.sync_copy(zeros, acc.at[pl.ds(s * RPW, RPW)])
        pltpu.sync_copy(dsts.at[wid], dst_v)
        pltpu.sync_copy(ones, rows_v)
        plsc.subcore_barrier()

        def s_wait(j, b):
            pltpu.make_async_copy(rows_v, acc.at[dst_v.at[j]], ss[b]).wait()

        def outer(k, carry):
            for u in range(4):
                j = 4 * k + u

                @pl.when(j >= 4)
                def _():
                    s_wait(j - 4, u)

                pltpu.async_copy(rows_v, acc.at[dst_v.at[j]], ss[u],
                                 add=True)
            return carry

        lax.fori_loop(0, NCH // 4, outer, 0)
        for u in range(4):
            s_wait(NCH - 4 + u, u)
        plsc.subcore_barrier()
        pltpu.sync_copy(acc.at[pl.ds(s * RPW, RPW)],
                        out.at[c, pl.ds(s * RPW, RPW)])

    return pl.kernel(
        body,
        out_type=jax.ShapeDtypeStruct((NC, NROWS, width), jnp.float32),
        mesh=plsc.VectorSubcoreMesh(**_MESH),
        compiler_params=pltpu.CompilerParams(use_tc_tiling_on_sc=False),
        scratch_types=[
            pltpu.VMEM((NCH, CH), jnp.int32),
            pltpu.VMEM((CH, width), jnp.float32),
            pltpu.VMEM_SHARED((NROWS, width), jnp.float32),
            pltpu.SemaphoreType.DMA,
            pltpu.SemaphoreType.DMA,
            pltpu.SemaphoreType.DMA,
            pltpu.SemaphoreType.DMA,
        ],
    )


NP2 = N // 2
NR2 = NROWS // 2
NP4 = N // 4
NR4 = NROWS // 4


def _tc_deg(degp_ref, disrep_ref):
    deg = degp_ref[: NROWS * 16 // 128] + degp_ref[NROWS * 16 // 128:] + 1.0
    disrep_ref[...] = lax.rsqrt(deg)


def _tc_g1(xp_ref, w_ref, dis_ref, g_ref):
    hp = jnp.dot(xp_ref[...], w_ref[...], preferred_element_type=jnp.float32)
    g_ref[...] = jnp.concatenate(
        [dis_ref[...] * hp, jnp.zeros((NR2 - NP2, 128), jnp.float32)])


def _tc_mid(sp_ref, g_ref, dis_ref, b_ref, w_ref, gout_ref):
    s = sp_ref[:NR2][:NP2] + sp_ref[NR2:][:NP2] + g_ref[:NP2]
    dis = dis_ref[...]
    h = jnp.maximum(dis * s + b_ref[...], 0.0)
    gout_ref[...] = jnp.concatenate(
        [dis * jnp.dot(h, w_ref[...], preferred_element_type=jnp.float32),
         jnp.zeros((NR2 - NP2, 128), jnp.float32)])


def _tc_l3(sp_ref, g_ref, dis_ref, dis232_ref, b_ref, w_ref, gout_ref):
    s = sp_ref[:NR2][:NP2] + sp_ref[NR2:][:NP2] + g_ref[:NP2]
    h = jnp.maximum(dis_ref[...] * s + b_ref[...], 0.0)
    t = jnp.dot(h, w_ref[...], preferred_element_type=jnp.float32)
    gout_ref[...] = dis232_ref[...] * t


def _tc_last(sp_ref, g_ref, dis4_ref, b_ref, wc_ref, bc_ref, out_ref):
    s = sp_ref[0:NP4] + sp_ref[NR4:NR4 + NP4] + g_ref[0:NP4]
    h = jnp.maximum(dis4_ref[...] * s + b_ref[...], 0.0)
    out_ref[...] = jnp.dot(h, wc_ref[...],
                           preferred_element_type=jnp.float32) + bc_ref[...]


def _tc_call(body, out_shapes):
    return pl.pallas_call(body, out_shape=out_shapes)


def _blockdiag(w, k):
    return jax.scipy.linalg.block_diag(*([w] * k))


def kernel(x, edge_index, W1, b1, W2, b2, W3, b3, Wc, bc):
    src = edge_index[0].astype(jnp.int32)
    dst = edge_index[1].astype(jnp.int32)
    pad = E_PAD - E
    src_p = jnp.concatenate([src, jnp.arange(pad, dtype=jnp.int32) % N])
    trash = N + jnp.arange(pad, dtype=jnp.int32) % (NROWS - N)
    dst_p = jnp.concatenate([dst, trash])
    srcs = src_p.reshape(NW, NCH, CH)
    dsts = dst_p.reshape(NW, NCH, CH)

    ones16 = jnp.ones((CH, 16), jnp.float32)
    z16 = jnp.zeros((RPW, 16), jnp.float32)
    z64 = jnp.zeros((RPW, 64), jnp.float32)
    z32 = jnp.zeros((RPW, 32), jnp.float32)

    degp = _degree_hist()(dsts, ones16, z16)

    scat64 = _scatter_rows(64, stage_table=False)
    scat32 = _scatter_rows(32, stage_table=False)

    disrep = _tc_call(_tc_deg, jax.ShapeDtypeStruct(
        (NROWS * 16 // 128, 128), jnp.float32))(degp.reshape(-1, 128))
    dis_flat = disrep.reshape(NROWS, 16)[:N, 0]
    dis2 = jnp.repeat(dis_flat.reshape(NP2, 2), 64, axis=1)
    dis232 = jnp.repeat(dis_flat.reshape(NP2, 2), 32, axis=1)
    dis4 = jnp.repeat(dis_flat.reshape(NP4, 4), 32, axis=1)

    W1b = _blockdiag(W1, 2)
    W2b = _blockdiag(W2, 2)
    W3b = _blockdiag(W3, 2)
    Wcb = _blockdiag(Wc, 4)
    b1x = jnp.tile(b1, 2).reshape(1, 128)
    b2x = jnp.tile(b2, 2).reshape(1, 128)
    b3x = jnp.tile(b3, 4).reshape(1, 128)
    bcx = jnp.tile(bc, 4).reshape(1, 4)

    xp = x.reshape(NP2, 256)
    g1 = _tc_call(_tc_g1, jax.ShapeDtypeStruct((NR2, 128), jnp.float32))(
        xp, W1b, dis2)

    s1 = scat64(g1.reshape(NROWS, 64), srcs, dsts, z64)
    g2 = _tc_call(_tc_mid, jax.ShapeDtypeStruct((NR2, 128), jnp.float32))(
        s1.reshape(-1, 128), g1, dis2, b1x, W2b)

    s2 = scat64(g2.reshape(NROWS, 64), srcs, dsts, z64)
    g3 = _tc_call(_tc_l3, jax.ShapeDtypeStruct((NP2, 64), jnp.float32))(
        s2.reshape(-1, 128), g2, dis2, dis232, b2x, W3b)

    g3tab = g3.reshape(N, 32)
    s3 = scat32(g3tab, srcs, dsts, z32)
    out = _tc_call(_tc_last, jax.ShapeDtypeStruct((NP4, 4), jnp.float32))(
        s3.reshape(-1, 128), g3tab.reshape(NP4, 128), dis4, b3x, Wcb, bcx)
    return out.reshape(N, 1)

# --- scband reference (transcript-rebuilt; emitter-appended) ---
"""Pipeline reference for scband-city-agglomeration-gnn-5909874999694 (READ-ONLY COPY).

The authoritative reference and input builder live on the scoring server;
editing this copy changes nothing except your own understanding.
"""

import jax, jax.numpy as jnp
import numpy as np

N_NODES = 10000
N_EDGES = 320000


def gcn_conv(x, W, b, edge_index):
    n = x.shape[0]
    loop = jnp.arange(n, dtype=edge_index.dtype)
    src = jnp.concatenate([edge_index[0], loop])
    dst = jnp.concatenate([edge_index[1], loop])
    deg = jax.ops.segment_sum(jnp.ones(src.shape[0], dtype=x.dtype), dst, num_segments=n)
    dis = jnp.where(deg > 0, jax.lax.rsqrt(jnp.maximum(deg, 1e-12)), 0.0)
    norm = dis[src] * dis[dst]
    h = x @ W
    msg = h[src] * norm[:, None]
    out = jax.ops.segment_sum(msg, dst, num_segments=n)
    return out + b


def setup_inputs(seed: int = 0) -> dict:
    key = jax.random.key(seed)
    ks = jax.random.split(key, 10)
    x = jax.random.normal(ks[0], (N_NODES, 128), dtype=jnp.float32)
    edge_index = jax.random.randint(ks[1], (2, N_EDGES), 0, N_NODES, dtype=jnp.int64)
    W1 = jax.random.normal(ks[2], (128, 64), dtype=jnp.float32) * (1.0 / np.sqrt(128))
    b1 = jnp.zeros((64,), dtype=jnp.float32)
    W2 = jax.random.normal(ks[3], (64, 64), dtype=jnp.float32) * (1.0 / np.sqrt(64))
    b2 = jnp.zeros((64,), dtype=jnp.float32)
    W3 = jax.random.normal(ks[4], (64, 32), dtype=jnp.float32) * (1.0 / np.sqrt(64))
    b3 = jnp.zeros((32,), dtype=jnp.float32)
    Wc = jax.random.normal(ks[5], (32, 1), dtype=jnp.float32) * (1.0 / np.sqrt(32))
    bc = jnp.zeros((1,), dtype=jnp.float32)
    return {"x": x, "edge_index": edge_index, "W1": W1, "b1": b1, "W2": W2, "b2": b2, "W3": W3, "b3": b3, "Wc": Wc, "bc": bc}


def reference(x, edge_index, W1, b1, W2, b2, W3, b3, Wc, bc):
    # Dropout is identity in eval mode.
    h = gcn_conv(x, W1, b1, edge_index)
    h = jax.nn.relu(h)
    h = gcn_conv(h, W2, b2, edge_index)
    h = jax.nn.relu(h)
    h = gcn_conv(h, W3, b3, edge_index)
    h = jax.nn.relu(h)
    out = h @ Wc + bc
    return out

if __name__ == "__main__":
    import jax
    _d = setup_inputs()
    print(jax.jit(kernel)(*tuple(_d.values())))

</pallas_src>

<mosaic_0001>
#map = affine_map<(d0, d1) -> (0, 0, 0)>
#map1 = affine_map<(d0, d1) -> (0, 0)>
module attributes {stable_mosaic.version = 14 : i64} {
  func.func @body(%arg0: i32, %arg1: i32, %arg2: memref<32x80x128xi32, #tpu.memory_space<hbm>>, %arg3: memref<128x16xf32, #tpu.memory_space<hbm>>, %arg4: memref<640x16xf32, #tpu.memory_space<hbm>>, %arg5: memref<2x10240x16xf32, #tpu.memory_space<hbm>>, %arg6: memref<80x128xi32, #tpu.memory_space<vmem>>, %arg7: memref<128x16xf32, #tpu.memory_space<vmem>>, %arg8: memref<10240x16xf32, #tpu.memory_space<vmem_shared>>, %arg9: memref<!tpu.dma_semaphore, #tpu.memory_space<semaphore_mem>>, %arg10: memref<!tpu.dma_semaphore, #tpu.memory_space<semaphore_mem>>, %arg11: memref<!tpu.dma_semaphore, #tpu.memory_space<semaphore_mem>>, %arg12: memref<!tpu.dma_semaphore, #tpu.memory_space<semaphore_mem>>) attributes {dimension_semantics = [#tpu.dimension_semantics<core_parallel>, #tpu.dimension_semantics<subcore_parallel>], iteration_bounds = array<i64: 2, 16>, scalar_prefetch = 0 : i64, scratch_operands = 7 : i64, tpu.core_type = #tpu.core_type<sc_vector_subcore>, window_params = [{transform_indices = #map}, {transform_indices = #map1}, {transform_indices = #map1}, {transform_indices = #map}]} {
    %mul3A = arith.constant 16 : i32
    %mul3A_0 = arith.muli %arg0, %mul3A : i32
    %add3A = arith.addi %mul3A_0, %arg1 : i32
    %mul3A_1 = arith.constant 640 : i32
    %mul3A_2 = arith.muli %arg1, %mul3A_1 : i32
    "tpu.region"() ({
      %run_scoped3A = tpu.sem_alloc : memref<!tpu.dma_semaphore, #tpu.memory_space<semaphore_mem>>
      %dma_start3A = arith.constant 0 : i32
      %dma_start3A_40 = tpu.memref_slice %arg8[%mul3A_2, %dma_start3A] : memref<10240x16xf32, #tpu.memory_space<vmem_shared>> -> memref<640x16xf32, #tpu.memory_space<vmem_shared>>
      tpu.enqueue_dma source(%arg4 : memref<640x16xf32, #tpu.memory_space<hbm>>) target(%dma_start3A_40 : memref<640x16xf32, #tpu.memory_space<vmem_shared>>) target_semaphore(%run_scoped3A : memref<!tpu.dma_semaphore, #tpu.memory_space<semaphore_mem>>)
      %dma_wait3A_41 = arith.constant 0 : i32
      %dma_wait3A_42 = tpu.memref_slice %arg8[%mul3A_2, %dma_wait3A_41] : memref<10240x16xf32, #tpu.memory_space<vmem_shared>> -> memref<640x16xf32, #tpu.memory_space<vmem_shared>>
      tpu.wait_dma2 semaphore(%run_scoped3A : memref<!tpu.dma_semaphore, #tpu.memory_space<semaphore_mem>>) src(%arg4 : memref<640x16xf32, #tpu.memory_space<hbm>>) dst(%dma_wait3A_42 : memref<640x16xf32, #tpu.memory_space<vmem_shared>>)
      tpu.yield
    }) : () -> ()
    "tpu.region"() ({
      %run_scoped3A = tpu.sem_alloc : memref<!tpu.dma_semaphore, #tpu.memory_space<semaphore_mem>>
      %dma_start3A = arith.constant 0 : i32
      %dma_start3A_40 = arith.constant 0 : i32
      %dma_start3A_41 = tpu.memref_slice %arg2[%add3A, %dma_start3A, %dma_start3A_40] : memref<32x80x128xi32, #tpu.memory_space<hbm>> -> memref<1x80x128xi32, #tpu.memory_space<hbm>>
      %dma_start3A_42 = tpu.memref_squeeze %dma_start3A_41 : memref<1x80x128xi32, #tpu.memory_space<hbm>> -> memref<80x128xi32, #tpu.memory_space<hbm>>
      %dma_start3A_43 = arith.constant 0 : i32
      %dma_start3A_44 = arith.constant 0 : i32
      %dma_start3A_45 = tpu.memref_slice %arg2[%add3A, %dma_start3A_43, %dma_start3A_44] : memref<32x80x128xi32, #tpu.memory_space<hbm>> -> memref<1x80x128xi32, #tpu.memory_space<hbm>>
      %dma_start3A_46 = tpu.memref_squeeze %dma_start3A_45 : memref<1x80x128xi32, #tpu.memory_space<hbm>> -> memref<80x128xi32, #tpu.memory_space<hbm>>
      tpu.enqueue_dma source(%dma_start3A_46 : memref<80x128xi32, #tpu.memory_space<hbm>>) target(%arg6 : memref<80x128xi32, #tpu.memory_space<vmem>>) target_semaphore(%run_scoped3A : memref<!tpu.dma_semaphore, #tpu.memory_space<semaphore_mem>>)
      %dma_wait3A_47 = arith.constant 0 : i32
      %dma_wait3A_48 = arith.constant 0 : i32
      %dma_wait3A_49 = tpu.memref_slice %arg2[%add3A, %dma_wait3A_47, %dma_wait3A_48] : memref<32x80x128xi32, #tpu.memory_space<hbm>> -> memref<1x80x128xi32, #tpu.memory_space<hbm>>
      %dma_wait3A_50 = tpu.memref_squeeze %dma_wait3A_49 : memref<1x80x128xi32, #tpu.memory_space<hbm>> -> memref<80x128xi32, #tpu.memory_space<hbm>>
      %dma_wait3A_51 = arith.constant 0 : i32
      %dma_wait3A_52 = arith.constant 0 : i32
      %dma_wait3A_53 = tpu.memref_slice %arg2[%add3A, %dma_wait3A_51, %dma_wait3A_52] : memref<32x80x128xi32, #tpu.memory_space<hbm>> -> memref<1x80x128xi32, #tpu.memory_space<hbm>>
      %dma_wait3A_54 = tpu.memref_squeeze %dma_wait3A_53 : memref<1x80x128xi32, #tpu.memory_space<hbm>> -> memref<80x128xi32, #tpu.memory_space<hbm>>
      tpu.wait_dma2 semaphore(%run_scoped3A : memref<!tpu.dma_semaphore, #tpu.memory_space<semaphore_mem>>) src(%dma_wait3A_54 : memref<80x128xi32, #tpu.memory_space<hbm>>) dst(%arg6 : memref<80x128xi32, #tpu.memory_space<vmem>>)
      tpu.yield
    }) : () -> ()
    "tpu.region"() ({
      %run_scoped3A = tpu.sem_alloc : memref<!tpu.dma_semaphore, #tpu.memory_space<semaphore_mem>>
      tpu.enqueue_dma source(%arg3 : memref<128x16xf32, #tpu.memory_space<hbm>>) target(%arg7 : memref<128x16xf32, #tpu.memory_space<vmem>>) target_semaphore(%run_scoped3A : memref<!tpu.dma_semaphore, #tpu.memory_space<semaphore_mem>>)
      tpu.wait_dma2 semaphore(%run_scoped3A : memref<!tpu.dma_semaphore, #tpu.memory_space<semaphore_mem>>) src(%arg3 : memref<128x16xf32, #tpu.memory_space<hbm>>) dst(%arg7 : memref<128x16xf32, #tpu.memory_space<vmem>>)
      tpu.yield
    }) : () -> ()
    %barrier3A = arith.constant 0 : index
    tpu.barrier barrier_id(%barrier3A)
    %scan3A = arith.constant 0 : i32
    %scan3A_3 = arith.constant 0 : i32
    %scan3A_4 = arith.constant 20 : i32
    %scan3A_5 = arith.addi %scan3A_3, %scan3A_4 : i32
    %scan3A_6 = arith.constant 1 : i32
    scf.for %scan3A_40 = %scan3A_3 to %scan3A_5 step %scan3A_6  : i32 {
      %mul3A_41 = arith.constant 4 : i32
      %mul3A_42 = arith.muli %mul3A_41, %scan3A_40 : i32
      %add3A_43 = arith.constant 0 : i32
      %add3A_44 = arith.addi %mul3A_42, %add3A_43 : i32
      %ge3A = arith.constant 4 : i32
      %ge3A_45 = arith.cmpi sge, %add3A_44, %ge3A : i32
      %convert_element_type3A = arith.extui %ge3A_45 : i1 to i32
      %cond3A = arith.constant 0 : i32
      %cond3A_46 = arith.cmpi ne, %convert_element_type3A, %cond3A : i32
      scf.if %cond3A_46 {
        %sub3A = arith.constant 4 : i32
        %sub3A_97 = arith.subi %add3A_44, %sub3A : i32
        %dma_wait3A_98 = arith.constant 0 : i32
        %dma_wait3A_99 = tpu.memref_slice %arg6[%sub3A_97, %dma_wait3A_98] : memref<80x128xi32, #tpu.memory_space<vmem>> -> memref<1x128xi32, #tpu.memory_space<vmem>>
        %dma_wait3A_100 = tpu.memref_squeeze %dma_wait3A_99 : memref<1x128xi32, #tpu.memory_space<vmem>> -> memref<128xi32, #tpu.memory_space<vmem>>
        %dma_wait3A_101 = arith.constant 0 : i32
        %dma_wait3A_102 = arith.constant 0 : i32
        %dma_wait3A_103 = tpu.memref_slice %arg8[%dma_wait3A_101, %dma_wait3A_102] : memref<10240x16xf32, #tpu.memory_space<vmem_shared>> -> memref<10240x16xf32, #tpu.memory_space<vmem_shared>>
        tpu.wait_indirect_dma semaphore(%arg9 : memref<!tpu.dma_semaphore, #tpu.memory_space<semaphore_mem>>) src(%arg7 : memref<128x16xf32, #tpu.memory_space<vmem>>) dst(%dma_wait3A_103 : memref<10240x16xf32, #tpu.memory_space<vmem_shared>>)
      } else {
      }
      %dma_start3A = arith.constant 0 : i32
      %dma_start3A_47 = tpu.memref_slice %arg6[%add3A_44, %dma_start3A] : memref<80x128xi32, #tpu.memory_space<vmem>> -> memref<1x128xi32, #tpu.memory_space<vmem>>
      %dma_start3A_48 = tpu.memref_squeeze %dma_start3A_47 : memref<1x128xi32, #tpu.memory_space<vmem>> -> memref<128xi32, #tpu.memory_space<vmem>>
      %dma_start3A_49 = arith.constant 0 : i32
      %dma_start3A_50 = arith.constant 0 : i32
      %dma_start3A_51 = tpu.memref_slice %arg8[%dma_start3A_49, %dma_start3A_50] : memref<10240x16xf32, #tpu.memory_space<vmem_shared>> -> memref<10240x16xf32, #tpu.memory_space<vmem_shared>>
      tpu.enqueue_indirect_dma source(%arg7 : memref<128x16xf32, #tpu.memory_space<vmem>>) target(%dma_start3A_51 : memref<10240x16xf32, #tpu.memory_space<vmem_shared>>) offsets(%dma_start3A_48 : memref<128xi32, #tpu.memory_space<vmem>>) semaphore(%arg9 : memref<!tpu.dma_semaphore, #tpu.memory_space<semaphore_mem>>) {add = true}
      %mul3A_52 = arith.constant 4 : i32
      %mul3A_53 = arith.muli %mul3A_52, %scan3A_40 : i32
      %add3A_54 = arith.constant 1 : i32
      %add3A_55 = arith.addi %mul3A_53, %add3A_54 : i32
      %ge3A_56 = arith.constant 4 : i32
      %ge3A_57 = arith.cmpi sge, %add3A_55, %ge3A_56 : i32
      %convert_element_type3A_58 = arith.extui %ge3A_57 : i1 to i32
      %cond3A_59 = arith.constant 0 : i32
      %cond3A_60 = arith.cmpi ne, %convert_element_type3A_58, %cond3A_59 : i32
      scf.if %cond3A_60 {
        %sub3A = arith.constant 4 : i32
        %sub3A_97 = arith.subi %add3A_55, %sub3A : i32
        %dma_wait3A_98 = arith.constant 0 : i32
        %dma_wait3A_99 = tpu.memref_slice %arg6[%sub3A_97, %dma_wait3A_98] : memref<80x128xi32, #tpu.memory_space<vmem>> -> memref<1x128xi32, #tpu.memory_space<vmem>>
        %dma_wait3A_100 = tpu.memref_squeeze %dma_wait3A_99 : memref<1x128xi32, #tpu.memory_space<vmem>> -> memref<128xi32, #tpu.memory_space<vmem>>
        %dma_wait3A_101 = arith.constant 0 : i32
        %dma_wait3A_102 = arith.constant 0 : i32
        %dma_wait3A_103 = tpu.memref_slice %arg8[%dma_wait3A_101, %dma_wait3A_102] : memref<10240x16xf32, #tpu.memory_space<vmem_shared>> -> memref<10240x16xf32, #tpu.memory_space<vmem_shared>>
        tpu.wait_indirect_dma semaphore(%arg10 : memref<!tpu.dma_semaphore, #tpu.memory_space<semaphore_mem>>) src(%arg7 : memref<128x16xf32, #tpu.memory_space<vmem>>) dst(%dma_wait3A_103 : memref<10240x16xf32, #tpu.memory_space<vmem_shared>>)
      } else {
      }
      %dma_start3A_61 = arith.constant 0 : i32
      %dma_start3A_62 = tpu.memref_slice %arg6[%add3A_55, %dma_start3A_61] : memref<80x128xi32, #tpu.memory_space<vmem>> -> memref<1x128xi32, #tpu.memory_space<vmem>>
      %dma_start3A_63 = tpu.memref_squeeze %dma_start3A_62 : memref<1x128xi32, #tpu.memory_space<vmem>> -> memref<128xi32, #tpu.memory_space<vmem>>
      %dma_start3A_64 = arith.constant 0 : i32
      %dma_start3A_65 = arith.constant 0 : i32
      %dma_start3A_66 = tpu.memref_slice %arg8[%dma_start3A_64, %dma_start3A_65] : memref<10240x16xf32, #tpu.memory_space<vmem_shared>> -> memref<10240x16xf32, #tpu.memory_space<vmem_shared>>
      tpu.enqueue_indirect_dma source(%arg7 : memref<128x16xf32, #tpu.memory_space<vmem>>) target(%dma_start3A_66 : memref<10240x16xf32, #tpu.memory_space<vmem_shared>>) offsets(%dma_start3A_63 : memref<128xi32, #tpu.memory_space<vmem>>) semaphore(%arg10 : memref<!tpu.dma_semaphore, #tpu.memory_space<semaphore_mem>>) {add = true}
      %mul3A_67 = arith.constant 4 : i32
      %mul3A_68 = arith.muli %mul3A_67, %scan3A_40 : i32
      %add3A_69 = arith.constant 2 : i32
      %add3A_70 = arith.addi %mul3A_68, %add3A_69 : i32
      %ge3A_71 = arith.constant 4 : i32
      %ge3A_72 = arith.cmpi sge, %add3A_70, %ge3A_71 : i32
      %convert_element_type3A_73 = arith.extui %ge3A_72 : i1 to i32
      %cond3A_74 = arith.constant 0 : i32
      %cond3A_75 = arith.cmpi ne, %convert_element_type3A_73, %cond3A_74 : i32
      scf.if %cond3A_75 {
        %sub3A = arith.constant 4 : i32
        %sub3A_97 = arith.subi %add3A_70, %sub3A : i32
        %dma_wait3A_98 = arith.constant 0 : i32
        %dma_wait3A_99 = tpu.memref_slice %arg6[%sub3A_97, %dma_wait3A_98] : memref<80x128xi32, #tpu.memory_space<vmem>> -> memref<1x128xi32, #tpu.memory_space<vmem>>
        %dma_wait3A_100 = tpu.memref_squeeze %dma_wait3A_99 : memref<1x128xi32, #tpu.memory_space<vmem>> -> memref<128xi32, #tpu.memory_space<vmem>>
        %dma_wait3A_101 = arith.constant 0 : i32
        %dma_wait3A_102 = arith.constant 0 : i32
        %dma_wait3A_103 = tpu.memref_slice %arg8[%dma_wait3A_101, %dma_wait3A_102] : memref<10240x16xf32, #tpu.memory_space<vmem_shared>> -> memref<10240x16xf32, #tpu.memory_space<vmem_shared>>
        tpu.wait_indirect_dma semaphore(%arg11 : memref<!tpu.dma_semaphore, #tpu.memory_space<semaphore_mem>>) src(%arg7 : memref<128x16xf32, #tpu.memory_space<vmem>>) dst(%dma_wait3A_103 : memref<10240x16xf32, #tpu.memory_space<vmem_shared>>)
      } else {
      }
      %dma_start3A_76 = arith.constant 0 : i32
      %dma_start3A_77 = tpu.memref_slice %arg6[%add3A_70, %dma_start3A_76] : memref<80x128xi32, #tpu.memory_space<vmem>> -> memref<1x128xi32, #tpu.memory_space<vmem>>
      %dma_start3A_78 = tpu.memref_squeeze %dma_start3A_77 : memref<1x128xi32, #tpu.memory_space<vmem>> -> memref<128xi32, #tpu.memory_space<vmem>>
      %dma_start3A_79 = arith.constant 0 : i32
      %dma_start3A_80 = arith.constant 0 : i32
      %dma_start3A_81 = tpu.memref_slice %arg8[%dma_start3A_79, %dma_start3A_80] : memref<10240x16xf32, #tpu.memory_space<vmem_shared>> -> memref<10240x16xf32, #tpu.memory_space<vmem_shared>>
      tpu.enqueue_indirect_dma source(%arg7 : memref<128x16xf32, #tpu.memory_space<vmem>>) target(%dma_start3A_81 : memref<10240x16xf32, #tpu.memory_space<vmem_shared>>) offsets(%dma_start3A_78 : memref<128xi32, #tpu.memory_space<vmem>>) semaphore(%arg11 : memref<!tpu.dma_semaphore, #tpu.memory_space<semaphore_mem>>) {add = true}
      %mul3A_82 = arith.constant 4 : i32
      %mul3A_83 = arith.muli %mul3A_82, %scan3A_40 : i32
      %add3A_84 = arith.constant 3 : i32
      %add3A_85 = arith.addi %mul3A_83, %add3A_84 : i32
      %ge3A_86 = arith.constant 4 : i32
      %ge3A_87 = arith.cmpi sge, %add3A_85, %ge3A_86 : i32
      %convert_element_type3A_88 = arith.extui %ge3A_87 : i1 to i32
      %cond3A_89 = arith.constant 0 : i32
      %cond3A_90 = arith.cmpi ne, %convert_element_type3A_88, %cond3A_89 : i32
      scf.if %cond3A_90 {
        %sub3A = arith.constant 4 : i32
        %sub3A_97 = arith.subi %add3A_85, %sub3A : i32
        %dma_wait3A_98 = arith.constant 0 : i32
        %dma_wait3A_99 = tpu.memref_slice %arg6[%sub3A_97, %dma_wait3A_98] : memref<80x128xi32, #tpu.memory_space<vmem>> -> memref<1x128xi32, #tpu.memory_space<vmem>>
        %dma_wait3A_100 = tpu.memref_squeeze %dma_wait3A_99 : memref<1x128xi32, #tpu.memory_space<vmem>> -> memref<128xi32, #tpu.memory_space<vmem>>
        %dma_wait3A_101 = arith.constant 0 : i32
        %dma_wait3A_102 = arith.constant 0 : i32
        %dma_wait3A_103 = tpu.memref_slice %arg8[%dma_wait3A_101, %dma_wait3A_102] : memref<10240x16xf32, #tpu.memory_space<vmem_shared>> -> memref<10240x16xf32, #tpu.memory_space<vmem_shared>>
        tpu.wait_indirect_dma semaphore(%arg12 : memref<!tpu.dma_semaphore, #tpu.memory_space<semaphore_mem>>) src(%arg7 : memref<128x16xf32, #tpu.memory_space<vmem>>) dst(%dma_wait3A_103 : memref<10240x16xf32, #tpu.memory_space<vmem_shared>>)
      } else {
      }
      %dma_start3A_91 = arith.constant 0 : i32
      %dma_start3A_92 = tpu.memref_slice %arg6[%add3A_85, %dma_start3A_91] : memref<80x128xi32, #tpu.memory_space<vmem>> -> memref<1x128xi32, #tpu.memory_space<vmem>>
      %dma_start3A_93 = tpu.memref_squeeze %dma_start3A_92 : memref<1x128xi32, #tpu.memory_space<vmem>> -> memref<128xi32, #tpu.memory_space<vmem>>
      %dma_start3A_94 = arith.constant 0 : i32
      %dma_start3A_95 = arith.constant 0 : i32
      %dma_start3A_96 = tpu.memref_slice %arg8[%dma_start3A_94, %dma_start3A_95] : memref<10240x16xf32, #tpu.memory_space<vmem_shared>> -> memref<10240x16xf32, #tpu.memory_space<vmem_shared>>
      tpu.enqueue_indirect_dma source(%arg7 : memref<128x16xf32, #tpu.memory_space<vmem>>) target(%dma_start3A_96 : memref<10240x16xf32, #tpu.memory_space<vmem_shared>>) offsets(%dma_start3A_93 : memref<128xi32, #tpu.memory_space<vmem>>) semaphore(%arg12 : memref<!tpu.dma_semaphore, #tpu.memory_space<semaphore_mem>>) {add = true}
    }
    %scan3A_7 = arith.constant 20 : i32
    %dma_wait3A = arith.constant 76 : i32
    %dma_wait3A_8 = arith.constant 0 : i32
    %dma_wait3A_9 = tpu.memref_slice %arg6[%dma_wait3A, %dma_wait3A_8] : memref<80x128xi32, #tpu.memory_space<vmem>> -> memref<1x128xi32, #tpu.memory_space<vmem>>
    %dma_wait3A_10 = tpu.memref_squeeze %dma_wait3A_9 : memref<1x128xi32, #tpu.memory_space<vmem>> -> memref<128xi32, #tpu.memory_space<vmem>>
    %dma_wait3A_11 = arith.constant 0 : i32
    %dma_wait3A_12 = arith.constant 0 : i32
    %dma_wait3A_13 = tpu.memref_slice %arg8[%dma_wait3A_11, %dma_wait3A_12] : memref<10240x16xf32, #tpu.memory_space<vmem_shared>> -> memref<10240x16xf32, #tpu.memory_space<vmem_shared>>
    tpu.wait_indirect_dma semaphore(%arg9 : memref<!tpu.dma_semaphore, #tpu.memory_space<semaphore_mem>>) src(%arg7 : memref<128x16xf32, #tpu.memory_space<vmem>>) dst(%dma_wait3A_13 : memref<10240x16xf32, #tpu.memory_space<vmem_shared>>)
    %dma_wait3A_14 = arith.constant 77 : i32
    %dma_wait3A_15 = arith.constant 0 : i32
    %dma_wait3A_16 = tpu.memref_slice %arg6[%dma_wait3A_14, %dma_wait3A_15] : memref<80x128xi32, #tpu.memory_space<vmem>> -> memref<1x128xi32, #tpu.memory_space<vmem>>
    %dma_wait3A_17 = tpu.memref_squeeze %dma_wait3A_16 : memref<1x128xi32, #tpu.memory_space<vmem>> -> memref<128xi32, #tpu.memory_space<vmem>>
    %dma_wait3A_18 = arith.constant 0 : i32
    %dma_wait3A_19 = arith.constant 0 : i32
    %dma_wait3A_20 = tpu.memref_slice %arg8[%dma_wait3A_18, %dma_wait3A_19] : memref<10240x16xf32, #tpu.memory_space<vmem_shared>> -> memref<10240x16xf32, #tpu.memory_space<vmem_shared>>
    tpu.wait_indirect_dma semaphore(%arg10 : memref<!tpu.dma_semaphore, #tpu.memory_space<semaphore_mem>>) src(%arg7 : memref<128x16xf32, #tpu.memory_space<vmem>>) dst(%dma_wait3A_20 : memref<10240x16xf32, #tpu.memory_space<vmem_shared>>)
    %dma_wait3A_21 = arith.constant 78 : i32
    %dma_wait3A_22 = arith.constant 0 : i32
    %dma_wait3A_23 = tpu.memref_slice %arg6[%dma_wait3A_21, %dma_wait3A_22] : memref<80x128xi32, #tpu.memory_space<vmem>> -> memref<1x128xi32, #tpu.memory_space<vmem>>
    %dma_wait3A_24 = tpu.memref_squeeze %dma_wait3A_23 : memref<1x128xi32, #tpu.memory_space<vmem>> -> memref<128xi32, #tpu.memory_space<vmem>>
    %dma_wait3A_25 = arith.constant 0 : i32
    %dma_wait3A_26 = arith.constant 0 : i32
    %dma_wait3A_27 = tpu.memref_slice %arg8[%dma_wait3A_25, %dma_wait3A_26] : memref<10240x16xf32, #tpu.memory_space<vmem_shared>> -> memref<10240x16xf32, #tpu.memory_space<vmem_shared>>
    tpu.wait_indirect_dma semaphore(%arg11 : memref<!tpu.dma_semaphore, #tpu.memory_space<semaphore_mem>>) src(%arg7 : memref<128x16xf32, #tpu.memory_space<vmem>>) dst(%dma_wait3A_27 : memref<10240x16xf32, #tpu.memory_space<vmem_shared>>)
    %dma_wait3A_28 = arith.constant 79 : i32
    %dma_wait3A_29 = arith.constant 0 : i32
    %dma_wait3A_30 = tpu.memref_slice %arg6[%dma_wait3A_28, %dma_wait3A_29] : memref<80x128xi32, #tpu.memory_space<vmem>> -> memref<1x128xi32, #tpu.memory_space<vmem>>
    %dma_wait3A_31 = tpu.memref_squeeze %dma_wait3A_30 : memref<1x128xi32, #tpu.memory_space<vmem>> -> memref<128xi32, #tpu.memory_space<vmem>>
    %dma_wait3A_32 = arith.constant 0 : i32
    %dma_wait3A_33 = arith.constant 0 : i32
    %dma_wait3A_34 = tpu.memref_slice %arg8[%dma_wait3A_32, %dma_wait3A_33] : memref<10240x16xf32, #tpu.memory_space<vmem_shared>> -> memref<10240x16xf32, #tpu.memory_space<vmem_shared>>
    tpu.wait_indirect_dma semaphore(%arg12 : memref<!tpu.dma_semaphore, #tpu.memory_space<semaphore_mem>>) src(%arg7 : memref<128x16xf32, #tpu.memory_space<vmem>>) dst(%dma_wait3A_34 : memref<10240x16xf32, #tpu.memory_space<vmem_shared>>)
    %barrier3A_35 = arith.constant 0 : index
    tpu.barrier barrier_id(%barrier3A_35)
    %mul3A_36 = arith.constant 640 : i32
    %mul3A_37 = arith.muli %arg1, %mul3A_36 : i32
    %mul3A_38 = arith.constant 640 : i32
    %mul3A_39 = arith.muli %arg1, %mul3A_38 : i32
    "tpu.region"() ({
      %run_scoped3A = tpu.sem_alloc : memref<!tpu.dma_semaphore, #tpu.memory_space<semaphore_mem>>
      %dma_start3A = arith.constant 0 : i32
      %dma_start3A_40 = tpu.memref_slice %arg5[%arg0, %mul3A_39, %dma_start3A] : memref<2x10240x16xf32, #tpu.memory_space<hbm>> -> memref<1x640x16xf32, #tpu.memory_space<hbm>>
      %dma_start3A_41 = tpu.memref_squeeze %dma_start3A_40 : memref<1x640x16xf32, #tpu.memory_space<hbm>> -> memref<640x16xf32, #tpu.memory_space<hbm>>
      %dma_start3A_42 = arith.constant 0 : i32
      %dma_start3A_43 = tpu.memref_slice %arg8[%mul3A_37, %dma_start3A_42] : memref<10240x16xf32, #tpu.memory_space<vmem_shared>> -> memref<640x16xf32, #tpu.memory_space<vmem_shared>>
      tpu.enqueue_dma source(%dma_start3A_43 : memref<640x16xf32, #tpu.memory_space<vmem_shared>>) target(%dma_start3A_41 : memref<640x16xf32, #tpu.memory_space<hbm>>) target_semaphore(%run_scoped3A : memref<!tpu.dma_semaphore, #tpu.memory_space<semaphore_mem>>)
      %dma_wait3A_44 = arith.constant 0 : i32
      %dma_wait3A_45 = tpu.memref_slice %arg5[%arg0, %mul3A_39, %dma_wait3A_44] : memref<2x10240x16xf32, #tpu.memory_space<hbm>> -> memref<1x640x16xf32, #tpu.memory_space<hbm>>
      %dma_wait3A_46 = tpu.memref_squeeze %dma_wait3A_45 : memref<1x640x16xf32, #tpu.memory_space<hbm>> -> memref<640x16xf32, #tpu.memory_space<hbm>>
      %dma_wait3A_47 = arith.constant 0 : i32
      %dma_wait3A_48 = tpu.memref_slice %arg8[%mul3A_37, %dma_wait3A_47] : memref<10240x16xf32, #tpu.memory_space<vmem_shared>> -> memref<640x16xf32, #tpu.memory_space<vmem_shared>>
      tpu.wait_dma2 semaphore(%run_scoped3A : memref<!tpu.dma_semaphore, #tpu.memory_space<semaphore_mem>>) src(%dma_wait3A_48 : memref<640x16xf32, #tpu.memory_space<vmem_shared>>) dst(%dma_wait3A_46 : memref<640x16xf32, #tpu.memory_space<hbm>>)
      tpu.yield
    }) : () -> ()
    return
  }
}

#map = affine_map<(d0, d1) -> (0, 0)>
#map1 = affine_map<(d0, d1) -> (0, 0, 0)>
module attributes {stable_mosaic.version = 14 : i64} {
  func.func @body(%arg0: i32, %arg1: i32, %arg2: memref<10240x64xf32, #tpu.memory_space<hbm>>, %arg3: memref<32x80x128xi32, #tpu.memory_space<hbm>>, %arg4: memref<32x80x128xi32, #tpu.memory_space<hbm>>, %arg5: memref<640x64xf32, #tpu.memory_space<hbm>>, %arg6: memref<2x10240x64xf32, #tpu.memory_space<hbm>>, %arg7: memref<80x128xi32, #tpu.memory_space<vmem>>, %arg8: memref<80x128xi32, #tpu.memory_space<vmem>>, %arg9: memref<4x128x64xf32, #tpu.memory_space<vmem>>, %arg10: memref<10240x64xf32, #tpu.memory_space<vmem_shared>>, %arg11: memref<!tpu.dma_semaphore, #tpu.memory_space<semaphore_mem>>, %arg12: memref<!tpu.dma_semaphore, #tpu.memory_space<semaphore_mem>>, %arg13: memref<!tpu.dma_semaphore, #tpu.memory_space<semaphore_mem>>, %arg14: memref<!tpu.dma_semaphore, #tpu.memory_space<semaphore_mem>>, %arg15: memref<!tpu.dma_semaphore, #tpu.memory_space<semaphore_mem>>, %arg16: memref<!tpu.dma_semaphore, #tpu.memory_space<semaphore_mem>>, %arg17: memref<!tpu.dma_semaphore, #tpu.memory_space<semaphore_mem>>, %arg18: memref<!tpu.dma_semaphore, #tpu.memory_space<semaphore_mem>>) attributes {dimension_semantics = [#tpu.dimension_semantics<core_parallel>, #tpu.dimension_semantics<subcore_parallel>], iteration_bounds = array<i64: 2, 16>, scalar_prefetch = 0 : i64, scratch_operands = 12 : i64, tpu.core_type = #tpu.core_type<sc_vector_subcore>, window_params = [{transform_indices = #map}, {transform_indices = #map1}, {transform_indices = #map1}, {transform_indices = #map}, {transform_indices = #map1}]} {
    %mul3A = arith.constant 16 : i32
    %mul3A_0 = arith.muli %arg0, %mul3A : i32
    %add3A = arith.addi %mul3A_0, %arg1 : i32
    %mul3A_1 = arith.constant 640 : i32
    %mul3A_2 = arith.muli %arg1, %mul3A_1 : i32
    "tpu.region"() ({
      %run_scoped3A = tpu.sem_alloc : memref<!tpu.dma_semaphore, #tpu.memory_space<semaphore_mem>>
      %dma_start3A_59 = arith.constant 0 : i32
      %dma_start3A_60 = tpu.memref_slice %arg10[%mul3A_2, %dma_start3A_59] : memref<10240x64xf32, #tpu.memory_space<vmem_shared>> -> memref<640x64xf32, #tpu.memory_space<vmem_shared>>
      tpu.enqueue_dma source(%arg5 : memref<640x64xf32, #tpu.memory_space<hbm>>) target(%dma_start3A_60 : memref<640x64xf32, #tpu.memory_space<vmem_shared>>) target_semaphore(%run_scoped3A : memref<!tpu.dma_semaphore, #tpu.memory_space<semaphore_mem>>)
      %dma_wait3A_61 = arith.constant 0 : i32
      %dma_wait3A_62 = tpu.memref_slice %arg10[%mul3A_2, %dma_wait3A_61] : memref<10240x64xf32, #tpu.memory_space<vmem_shared>> -> memref<640x64xf32, #tpu.memory_space<vmem_shared>>
      tpu.wait_dma2 semaphore(%run_scoped3A : memref<!tpu.dma_semaphore, #tpu.memory_space<semaphore_mem>>) src(%arg5 : memref<640x64xf32, #tpu.memory_space<hbm>>) dst(%dma_wait3A_62 : memref<640x64xf32, #tpu.memory_space<vmem_shared>>)
      tpu.yield
    }) : () -> ()
    "tpu.region"() ({
      %run_scoped3A = tpu.sem_alloc : memref<!tpu.dma_semaphore, #tpu.memory_space<semaphore_mem>>
      %dma_start3A_59 = arith.constant 0 : i32
      %dma_start3A_60 = arith.constant 0 : i32
      %dma_start3A_61 = tpu.memref_slice %arg3[%add3A, %dma_start3A_59, %dma_start3A_60] : memref<32x80x128xi32, #tpu.memory_space<hbm>> -> memref<1x80x128xi32, #tpu.memory_space<hbm>>
      %dma_start3A_62 = tpu.memref_squeeze %dma_start3A_61 : memref<1x80x128xi32, #tpu.memory_space<hbm>> -> memref<80x128xi32, #tpu.memory_space<hbm>>
      %dma_start3A_63 = arith.constant 0 : i32
      %dma_start3A_64 = arith.constant 0 : i32
      %dma_start3A_65 = tpu.memref_slice %arg3[%add3A, %dma_start3A_63, %dma_start3A_64] : memref<32x80x128xi32, #tpu.memory_space<hbm>> -> memref<1x80x128xi32, #tpu.memory_space<hbm>>
      %dma_start3A_66 = tpu.memref_squeeze %dma_start3A_65 : memref<1x80x128xi32, #tpu.memory_space<hbm>> -> memref<80x128xi32, #tpu.memory_space<hbm>>
      tpu.enqueue_dma source(%dma_start3A_66 : memref<80x128xi32, #tpu.memory_space<hbm>>) target(%arg7 : memref<80x128xi32, #tpu.memory_space<vmem>>) target_semaphore(%run_scoped3A : memref<!tpu.dma_semaphore, #tpu.memory_space<semaphore_mem>>)
      %dma_wait3A_67 = arith.constant 0 : i32
      %dma_wait3A_68 = arith.constant 0 : i32
      %dma_wait3A_69 = tpu.memref_slice %arg3[%add3A, %dma_wait3A_67, %dma_wait3A_68] : memref<32x80x128xi32, #tpu.memory_space<hbm>> -> memref<1x80x128xi32, #tpu.memory_space<hbm>>
      %dma_wait3A_70 = tpu.memref_squeeze %dma_wait3A_69 : memref<1x80x128xi32, #tpu.memory_space<hbm>> -> memref<80x128xi32, #tpu.memory_space<hbm>>
      %dma_wait3A_71 = arith.constant 0 : i32
      %dma_wait3A_72 = arith.constant 0 : i32
      %dma_wait3A_73 = tpu.memref_slice %arg3[%add3A, %dma_wait3A_71, %dma_wait3A_72] : memref<32x80x128xi32, #tpu.memory_space<hbm>> -> memref<1x80x128xi32, #tpu.memory_space<hbm>>
      %dma_wait3A_74 = tpu.memref_squeeze %dma_wait3A_73 : memref<1x80x128xi32, #tpu.memory_space<hbm>> -> memref<80x128xi32, #tpu.memory_space<hbm>>
      tpu.wait_dma2 semaphore(%run_scoped3A : memref<!tpu.dma_semaphore, #tpu.memory_space<semaphore_mem>>) src(%dma_wait3A_74 : memref<80x128xi32, #tpu.memory_space<hbm>>) dst(%arg7 : memref<80x128xi32, #tpu.memory_space<vmem>>)
      tpu.yield
    }) : () -> ()
    "tpu.region"() ({
      %run_scoped3A = tpu.sem_alloc : memref<!tpu.dma_semaphore, #tpu.memory_space<semaphore_mem>>
      %dma_start3A_59 = arith.constant 0 : i32
      %dma_start3A_60 = arith.constant 0 : i32
      %dma_start3A_61 = tpu.memref_slice %arg4[%add3A, %dma_start3A_59, %dma_start3A_60] : memref<32x80x128xi32, #tpu.memory_space<hbm>> -> memref<1x80x128xi32, #tpu.memory_space<hbm>>
      %dma_start3A_62 = tpu.memref_squeeze %dma_start3A_61 : memref<1x80x128xi32, #tpu.memory_space<hbm>> -> memref<80x128xi32, #tpu.memory_space<hbm>>
      %dma_start3A_63 = arith.constant 0 : i32
      %dma_start3A_64 = arith.constant 0 : i32
      %dma_start3A_65 = tpu.memref_slice %arg4[%add3A, %dma_start3A_63, %dma_start3A_64] : memref<32x80x128xi32, #tpu.memory_space<hbm>> -> memref<1x80x128xi32, #tpu.memory_space<hbm>>
      %dma_start3A_66 = tpu.memref_squeeze %dma_start3A_65 : memref<1x80x128xi32, #tpu.memory_space<hbm>> -> memref<80x128xi32, #tpu.memory_space<hbm>>
      tpu.enqueue_dma source(%dma_start3A_66 : memref<80x128xi32, #tpu.memory_space<hbm>>) target(%arg8 : memref<80x128xi32, #tpu.memory_space<vmem>>) target_semaphore(%run_scoped3A : memref<!tpu.dma_semaphore, #tpu.memory_space<semaphore_mem>>)
      %dma_wait3A_67 = arith.constant 0 : i32
      %dma_wait3A_68 = arith.constant 0 : i32
      %dma_wait3A_69 = tpu.memref_slice %arg4[%add3A, %dma_wait3A_67, %dma_wait3A_68] : memref<32x80x128xi32, #tpu.memory_space<hbm>> -> memref<1x80x128xi32, #tpu.memory_space<hbm>>
      %dma_wait3A_70 = tpu.memref_squeeze %dma_wait3A_69 : memref<1x80x128xi32, #tpu.memory_space<hbm>> -> memref<80x128xi32, #tpu.memory_space<hbm>>
      %dma_wait3A_71 = arith.constant 0 : i32
      %dma_wait3A_72 = arith.constant 0 : i32
      %dma_wait3A_73 = tpu.memref_slice %arg4[%add3A, %dma_wait3A_71, %dma_wait3A_72] : memref<32x80x128xi32, #tpu.memory_space<hbm>> -> memref<1x80x128xi32, #tpu.memory_space<hbm>>
      %dma_wait3A_74 = tpu.memref_squeeze %dma_wait3A_73 : memref<1x80x128xi32, #tpu.memory_space<hbm>> -> memref<80x128xi32, #tpu.memory_space<hbm>>
      tpu.wait_dma2 semaphore(%run_scoped3A : memref<!tpu.dma_semaphore, #tpu.memory_space<semaphore_mem>>) src(%dma_wait3A_74 : memref<80x128xi32, #tpu.memory_space<hbm>>) dst(%arg8 : memref<80x128xi32, #tpu.memory_space<vmem>>)
      tpu.yield
    }) : () -> ()
    %barrier3A = arith.constant 0 : index
    tpu.barrier barrier_id(%barrier3A)
    %dma_start3A = arith.constant 0 : i32
    %dma_start3A_3 = arith.constant 0 : i32
    %dma_start3A_4 = arith.constant 0 : i32
    %dma_start3A_5 = arith.constant 0 : i32
    %dma_start3A_6 = tpu.memref_slice %arg9[%dma_start3A_3, %dma_start3A_4, %dma_start3A_5] : memref<4x128x64xf32, #tpu.memory_space<vmem>> -> memref<1x128x64xf32, #tpu.memory_space<vmem>>
    %dma_start3A_7 = tpu.memref_squeeze %dma_start3A_6 : memref<1x128x64xf32, #tpu.memory_space<vmem>> -> memref<128x64xf32, #tpu.memory_space<vmem>>
    %dma_start3A_8 = arith.constant 0 : i32
    %dma_start3A_9 = tpu.memref_slice %arg7[%dma_start3A, %dma_start3A_8] : memref<80x128xi32, #tpu.memory_space<vmem>> -> memref<1x128xi32, #tpu.memory_space<vmem>>
    %dma_start3A_10 = tpu.memref_squeeze %dma_start3A_9 : memref<1x128xi32, #tpu.memory_space<vmem>> -> memref<128xi32, #tpu.memory_space<vmem>>
    %dma_start3A_11 = arith.constant 0 : i32
    %dma_start3A_12 = arith.constant 0 : i32
    %dma_start3A_13 = tpu.memref_slice %arg2[%dma_start3A_11, %dma_start3A_12] : memref<10240x64xf32, #tpu.memory_space<hbm>> -> memref<10240x64xf32, #tpu.memory_space<hbm>>
    tpu.enqueue_indirect_dma source(%dma_start3A_13 : memref<10240x64xf32, #tpu.memory_space<hbm>>) target(%dma_start3A_7 : memref<128x64xf32, #tpu.memory_space<vmem>>) offsets(%dma_start3A_10 : memref<128xi32, #tpu.memory_space<vmem>>) semaphore(%arg11 : memref<!tpu.dma_semaphore, #tpu.memory_space<semaphore_mem>>)
    %dma_start3A_14 = arith.constant 1 : i32
    %dma_start3A_15 = arith.constant 1 : i32
    %dma_start3A_16 = arith.constant 0 : i32
    %dma_start3A_17 = arith.constant 0 : i32
    %dma_start3A_18 = tpu.memref_slice %arg9[%dma_start3A_15, %dma_start3A_16, %dma_start3A_17] : memref<4x128x64xf32, #tpu.memory_space<vmem>> -> memref<1x128x64xf32, #tpu.memory_space<vmem>>
    %dma_start3A_19 = tpu.memref_squeeze %dma_start3A_18 : memref<1x128x64xf32, #tpu.memory_space<vmem>> -> memref<128x64xf32, #tpu.memory_space<vmem>>
    %dma_start3A_20 = arith.constant 0 : i32
    %dma_start3A_21 = tpu.memref_slice %arg7[%dma_start3A_14, %dma_start3A_20] : memref<80x128xi32, #tpu.memory_space<vmem>> -> memref<1x128xi32, #tpu.memory_space<vmem>>
    %dma_start3A_22 = tpu.memref_squeeze %dma_start3A_21 : memref<1x128xi32, #tpu.memory_space<vmem>> -> memref<128xi32, #tpu.memory_space<vmem>>
    %dma_start3A_23 = arith.constant 0 : i32
    %dma_start3A_24 = arith.constant 0 : i32
    %dma_start3A_25 = tpu.memref_slice %arg2[%dma_start3A_23, %dma_start3A_24] : memref<10240x64xf32, #tpu.memory_space<hbm>> -> memref<10240x64xf32, #tpu.memory_space<hbm>>
    tpu.enqueue_indirect_dma source(%dma_start3A_25 : memref<10240x64xf32, #tpu.memory_space<hbm>>) target(%dma_start3A_19 : memref<128x64xf32, #tpu.memory_space<vmem>>) offsets(%dma_start3A_22 : memref<128xi32, #tpu.memory_space<vmem>>) semaphore(%arg12 : memref<!tpu.dma_semaphore, #tpu.memory_space<semaphore_mem>>)
    %scan3A = arith.constant 0 : i32
    %scan3A_26 = arith.constant 0 : i32
    %scan3A_27 = arith.constant 20 : i32
    %scan3A_28 = arith.addi %scan3A_26, %scan3A_27 : i32
    %scan3A_29 = arith.constant 1 : i32
    scf.for %scan3A_59 = %scan3A_26 to %scan3A_28 step %scan3A_29  : i32 {
      %mul3A_60 = arith.constant 4 : i32
      %mul3A_61 = arith.muli %mul3A_60, %scan3A_59 : i32
      %add3A_62 = arith.constant 0 : i32
      %add3A_63 = arith.addi %mul3A_61, %add3A_62 : i32
      %dma_wait3A_64 = arith.constant 0 : i32
      %dma_wait3A_65 = arith.constant 0 : i32
      %dma_wait3A_66 = arith.constant 0 : i32
      %dma_wait3A_67 = tpu.memref_slice %arg9[%dma_wait3A_64, %dma_wait3A_65, %dma_wait3A_66] : memref<4x128x64xf32, #tpu.memory_space<vmem>> -> memref<1x128x64xf32, #tpu.memory_space<vmem>>
      %dma_wait3A_68 = tpu.memref_squeeze %dma_wait3A_67 : memref<1x128x64xf32, #tpu.memory_space<vmem>> -> memref<128x64xf32, #tpu.memory_space<vmem>>
      %dma_wait3A_69 = arith.constant 0 : i32
      %dma_wait3A_70 = tpu.memref_slice %arg7[%add3A_63, %dma_wait3A_69] : memref<80x128xi32, #tpu.memory_space<vmem>> -> memref<1x128xi32, #tpu.memory_space<vmem>>
      %dma_wait3A_71 = tpu.memref_squeeze %dma_wait3A_70 : memref<1x128xi32, #tpu.memory_space<vmem>> -> memref<128xi32, #tpu.memory_space<vmem>>
      %dma_wait3A_72 = arith.constant 0 : i32
      %dma_wait3A_73 = arith.constant 0 : i32
      %dma_wait3A_74 = tpu.memref_slice %arg2[%dma_wait3A_72, %dma_wait3A_73] : memref<10240x64xf32, #tpu.memory_space<hbm>> -> memref<10240x64xf32, #tpu.memory_space<hbm>>
      tpu.wait_indirect_dma semaphore(%arg11 : memref<!tpu.dma_semaphore, #tpu.memory_space<semaphore_mem>>) src(%dma_wait3A_74 : memref<10240x64xf32, #tpu.memory_space<hbm>>) dst(%dma_wait3A_68 : memref<128x64xf32, #tpu.memory_space<vmem>>)
      %dma_start3A_75 = arith.constant 0 : i32
      %dma_start3A_76 = arith.constant 0 : i32
      %dma_start3A_77 = arith.constant 0 : i32
      %dma_start3A_78 = tpu.memref_slice %arg9[%dma_start3A_75, %dma_start3A_76, %dma_start3A_77] : memref<4x128x64xf32, #tpu.memory_space<vmem>> -> memref<1x128x64xf32, #tpu.memory_space<vmem>>
      %dma_start3A_79 = tpu.memref_squeeze %dma_start3A_78 : memref<1x128x64xf32, #tpu.memory_space<vmem>> -> memref<128x64xf32, #tpu.memory_space<vmem>>
      %dma_start3A_80 = arith.constant 0 : i32
      %dma_start3A_81 = tpu.memref_slice %arg8[%add3A_63, %dma_start3A_80] : memref<80x128xi32, #tpu.memory_space<vmem>> -> memref<1x128xi32, #tpu.memory_space<vmem>>
      %dma_start3A_82 = tpu.memref_squeeze %dma_start3A_81 : memref<1x128xi32, #tpu.memory_space<vmem>> -> memref<128xi32, #tpu.memory_space<vmem>>
      %dma_start3A_83 = arith.constant 0 : i32
      %dma_start3A_84 = arith.constant 0 : i32
      %dma_start3A_85 = tpu.memref_slice %arg10[%dma_start3A_83, %dma_start3A_84] : memref<10240x64xf32, #tpu.memory_space<vmem_shared>> -> memref<10240x64xf32, #tpu.memory_space<vmem_shared>>
      tpu.enqueue_indirect_dma source(%dma_start3A_79 : memref<128x64xf32, #tpu.memory_space<vmem>>) target(%dma_start3A_85 : memref<10240x64xf32, #tpu.memory_space<vmem_shared>>) offsets(%dma_start3A_82 : memref<128xi32, #tpu.memory_space<vmem>>) semaphore(%arg15 : memref<!tpu.dma_semaphore, #tpu.memory_space<semaphore_mem>>) {add = true}
      %ge3A = arith.constant 2 : i32
      %ge3A_86 = arith.cmpi sge, %add3A_63, %ge3A : i32
      %convert_element_type3A = arith.extui %ge3A_86 : i1 to i32
      %cond3A = arith.constant 0 : i32
      %cond3A_87 = arith.cmpi ne, %convert_element_type3A, %cond3A : i32
      scf.if %cond3A_87 {
        %sub3A = arith.constant 2 : i32
        %sub3A_208 = arith.subi %add3A_63, %sub3A : i32
        %dma_wait3A_209 = arith.constant 2 : i32
        %dma_wait3A_210 = arith.constant 0 : i32
        %dma_wait3A_211 = arith.constant 0 : i32
        %dma_wait3A_212 = tpu.memref_slice %arg9[%dma_wait3A_209, %dma_wait3A_210, %dma_wait3A_211] : memref<4x128x64xf32, #tpu.memory_space<vmem>> -> memref<1x128x64xf32, #tpu.memory_space<vmem>>
        %dma_wait3A_213 = tpu.memref_squeeze %dma_wait3A_212 : memref<1x128x64xf32, #tpu.memory_space<vmem>> -> memref<128x64xf32, #tpu.memory_space<vmem>>
        %dma_wait3A_214 = arith.constant 0 : i32
        %dma_wait3A_215 = tpu.memref_slice %arg8[%sub3A_208, %dma_wait3A_214] : memref<80x128xi32, #tpu.memory_space<vmem>> -> memref<1x128xi32, #tpu.memory_space<vmem>>
        %dma_wait3A_216 = tpu.memref_squeeze %dma_wait3A_215 : memref<1x128xi32, #tpu.memory_space<vmem>> -> memref<128xi32, #tpu.memory_space<vmem>>
        %dma_wait3A_217 = arith.constant 0 : i32
        %dma_wait3A_218 = arith.constant 0 : i32
        %dma_wait3A_219 = tpu.memref_slice %arg10[%dma_wait3A_217, %dma_wait3A_218] : memref<10240x64xf32, #tpu.memory_space<vmem_shared>> -> memref<10240x64xf32, #tpu.memory_space<vmem_shared>>
        tpu.wait_indirect_dma semaphore(%arg17 : memref<!tpu.dma_semaphore, #tpu.memory_space<semaphore_mem>>) src(%dma_wait3A_213 : memref<128x64xf32, #tpu.memory_space<vmem>>) dst(%dma_wait3A_219 : memref<10240x64xf32, #tpu.memory_space<vmem_shared>>)
      } else {
      }
      %add3A_88 = arith.constant 2 : i32
      %add3A_89 = arith.addi %add3A_63, %add3A_88 : i32
      %lt3A = arith.constant 80 : i32
      %lt3A_90 = arith.cmpi slt, %add3A_89, %lt3A : i32
      %convert_element_type3A_91 = arith.extui %lt3A_90 : i1 to i32
      %cond3A_92 = arith.constant 0 : i32
      %cond3A_93 = arith.cmpi ne, %convert_element_type3A_91, %cond3A_92 : i32
      scf.if %cond3A_93 {
        %add3A_208 = arith.constant 2 : i32
        %add3A_209 = arith.addi %add3A_63, %add3A_208 : i32
        %dma_start3A_210 = arith.constant 2 : i32
        %dma_start3A_211 = arith.constant 0 : i32
        %dma_start3A_212 = arith.constant 0 : i32
        %dma_start3A_213 = tpu.memref_slice %arg9[%dma_start3A_210, %dma_start3A_211, %dma_start3A_212] : memref<4x128x64xf32, #tpu.memory_space<vmem>> -> memref<1x128x64xf32, #tpu.memory_space<vmem>>
        %dma_start3A_214 = tpu.memref_squeeze %dma_start3A_213 : memref<1x128x64xf32, #tpu.memory_space<vmem>> -> memref<128x64xf32, #tpu.memory_space<vmem>>
        %dma_start3A_215 = arith.constant 0 : i32
        %dma_start3A_216 = tpu.memref_slice %arg7[%add3A_209, %dma_start3A_215] : memref<80x128xi32, #tpu.memory_space<vmem>> -> memref<1x128xi32, #tpu.memory_space<vmem>>
        %dma_start3A_217 = tpu.memref_squeeze %dma_start3A_216 : memref<1x128xi32, #tpu.memory_space<vmem>> -> memref<128xi32, #tpu.memory_space<vmem>>
        %dma_start3A_218 = arith.constant 0 : i32
        %dma_start3A_219 = arith.constant 0 : i32
        %dma_start3A_220 = tpu.memref_slice %arg2[%dma_start3A_218, %dma_start3A_219] : memref<10240x64xf32, #tpu.memory_space<hbm>> -> memref<10240x64xf32, #tpu.memory_space<hbm>>
        tpu.enqueue_indirect_dma source(%dma_start3A_220 : memref<10240x64xf32, #tpu.memory_space<hbm>>) target(%dma_start3A_214 : memref<128x64xf32, #tpu.memory_space<vmem>>) offsets(%dma_start3A_217 : memref<128xi32, #tpu.memory_space<vmem>>) semaphore(%arg13 : memref<!tpu.dma_semaphore, #tpu.memory_space<semaphore_mem>>)
      } else {
      }
      %mul3A_94 = arith.constant 4 : i32
      %mul3A_95 = arith.muli %mul3A_94, %scan3A_59 : i32
      %add3A_96 = arith.constant 1 : i32
      %add3A_97 = arith.addi %mul3A_95, %add3A_96 : i32
      %dma_wait3A_98 = arith.constant 1 : i32
      %dma_wait3A_99 = arith.constant 0 : i32
      %dma_wait3A_100 = arith.constant 0 : i32
      %dma_wait3A_101 = tpu.memref_slice %arg9[%dma_wait3A_98, %dma_wait3A_99, %dma_wait3A_100] : memref<4x128x64xf32, #tpu.memory_space<vmem>> -> memref<1x128x64xf32, #tpu.memory_space<vmem>>
      %dma_wait3A_102 = tpu.memref_squeeze %dma_wait3A_101 : memref<1x128x64xf32, #tpu.memory_space<vmem>> -> memref<128x64xf32, #tpu.memory_space<vmem>>
      %dma_wait3A_103 = arith.constant 0 : i32
      %dma_wait3A_104 = tpu.memref_slice %arg7[%add3A_97, %dma_wait3A_103] : memref<80x128xi32, #tpu.memory_space<vmem>> -> memref<1x128xi32, #tpu.memory_space<vmem>>
      %dma_wait3A_105 = tpu.memref_squeeze %dma_wait3A_104 : memref<1x128xi32, #tpu.memory_space<vmem>> -> memref<128xi32, #tpu.memory_space<vmem>>
      %dma_wait3A_106 = arith.constant 0 : i32
      %dma_wait3A_107 = arith.constant 0 : i32
      %dma_wait3A_108 = tpu.memref_slice %arg2[%dma_wait3A_106, %dma_wait3A_107] : memref<10240x64xf32, #tpu.memory_space<hbm>> -> memref<10240x64xf32, #tpu.memory_space<hbm>>
      tpu.wait_indirect_dma semaphore(%arg12 : memref<!tpu.dma_semaphore, #tpu.memory_space<semaphore_mem>>) src(%dma_wait3A_108 : memref<10240x64xf32, #tpu.memory_space<hbm>>) dst(%dma_wait3A_102 : memref<128x64xf32, #tpu.memory_space<vmem>>)
      %dma_start3A_109 = arith.constant 1 : i32
      %dma_start3A_110 = arith.constant 0 : i32
      %dma_start3A_111 = arith.constant 0 : i32
      %dma_start3A_112 = tpu.memref_slice %arg9[%dma_start3A_109, %dma_start3A_110, %dma_start3A_111] : memref<4x128x64xf32, #tpu.memory_space<vmem>> -> memref<1x128x64xf32, #tpu.memory_space<vmem>>
      %dma_start3A_113 = tpu.memref_squeeze %dma_start3A_112 : memref<1x128x64xf32, #tpu.memory_space<vmem>> -> memref<128x64xf32, #tpu.memory_space<vmem>>
      %dma_start3A_114 = arith.constant 0 : i32
      %dma_start3A_115 = tpu.memref_slice %arg8[%add3A_97, %dma_start3A_114] : memref<80x128xi32, #tpu.memory_space<vmem>> -> memref<1x128xi32, #tpu.memory_space<vmem>>
      %dma_start3A_116 = tpu.memref_squeeze %dma_start3A_115 : memref<1x128xi32, #tpu.memory_space<vmem>> -> memref<128xi32, #tpu.memory_space<vmem>>
      %dma_start3A_117 = arith.constant 0 : i32
      %dma_start3A_118 = arith.constant 0 : i32
      %dma_start3A_119 = tpu.memref_slice %arg10[%dma_start3A_117, %dma_start3A_118] : memref<10240x64xf32, #tpu.memory_space<vmem_shared>> -> memref<10240x64xf32, #tpu.memory_space<vmem_shared>>
      tpu.enqueue_indirect_dma source(%dma_start3A_113 : memref<128x64xf32, #tpu.memory_space<vmem>>) target(%dma_start3A_119 : memref<10240x64xf32, #tpu.memory_space<vmem_shared>>) offsets(%dma_start3A_116 : memref<128xi32, #tpu.memory_space<vmem>>) semaphore(%arg16 : memref<!tpu.dma_semaphore, #tpu.memory_space<semaphore_mem>>) {add = true}
      %ge3A_120 = arith.constant 2 : i32
      %ge3A_121 = arith.cmpi sge, %add3A_97, %ge3A_120 : i32
      %convert_element_type3A_122 = arith.extui %ge3A_121 : i1 to i32
      %cond3A_123 = arith.constant 0 : i32
      %cond3A_124 = arith.cmpi ne, %convert_element_type3A_122, %cond3A_123 : i32
      scf.if %cond3A_124 {
        %sub3A = arith.constant 2 : i32
        %sub3A_208 = arith.subi %add3A_97, %sub3A : i32
        %dma_wait3A_209 = arith.constant 3 : i32
        %dma_wait3A_210 = arith.constant 0 : i32
        %dma_wait3A_211 = arith.constant 0 : i32
        %dma_wait3A_212 = tpu.memref_slice %arg9[%dma_wait3A_209, %dma_wait3A_210, %dma_wait3A_211] : memref<4x128x64xf32, #tpu.memory_space<vmem>> -> memref<1x128x64xf32, #tpu.memory_space<vmem>>
        %dma_wait3A_213 = tpu.memref_squeeze %dma_wait3A_212 : memref<1x128x64xf32, #tpu.memory_space<vmem>> -> memref<128x64xf32, #tpu.memory_space<vmem>>
        %dma_wait3A_214 = arith.constant 0 : i32
        %dma_wait3A_215 = tpu.memref_slice %arg8[%sub3A_208, %dma_wait3A_214] : memref<80x128xi32, #tpu.memory_space<vmem>> -> memref<1x128xi32, #tpu.memory_space<vmem>>
        %dma_wait3A_216 = tpu.memref_squeeze %dma_wait3A_215 : memref<1x128xi32, #tpu.memory_space<vmem>> -> memref<128xi32, #tpu.memory_space<vmem>>
        %dma_wait3A_217 = arith.constant 0 : i32
        %dma_wait3A_218 = arith.constant 0 : i32
        %dma_wait3A_219 = tpu.memref_slice %arg10[%dma_wait3A_217, %dma_wait3A_218] : memref<10240x64xf32, #tpu.memory_space<vmem_shared>> -> memref<10240x64xf32, #tpu.memory_space<vmem_shared>>
        tpu.wait_indirect_dma semaphore(%arg18 : memref<!tpu.dma_semaphore, #tpu.memory_space<semaphore_mem>>) src(%dma_wait3A_213 : memref<128x64xf32, #tpu.memory_space<vmem>>) dst(%dma_wait3A_219 : memref<10240x64xf32, #tpu.memory_space<vmem_shared>>)
      } else {
      }
      %add3A_125 = arith.constant 2 : i32
      %add3A_126 = arith.addi %add3A_97, %add3A_125 : i32
      %lt3A_127 = arith.constant 80 : i32
      %lt3A_128 = arith.cmpi slt, %add3A_126, %lt3A_127 : i32
      %convert_element_type3A_129 = arith.extui %lt3A_128 : i1 to i32
      %cond3A_130 = arith.constant 0 : i32
      %cond3A_131 = arith.cmpi ne, %convert_element_type3A_129, %cond3A_130 : i32
      scf.if %cond3A_131 {
        %add3A_208 = arith.constant 2 : i32
        %add3A_209 = arith.addi %add3A_97, %add3A_208 : i32
        %dma_start3A_210 = arith.constant 3 : i32
        %dma_start3A_211 = arith.constant 0 : i32
        %dma_start3A_212 = arith.constant 0 : i32
        %dma_start3A_213 = tpu.memref_slice %arg9[%dma_start3A_210, %dma_start3A_211, %dma_start3A_212] : memref<4x128x64xf32, #tpu.memory_space<vmem>> -> memref<1x128x64xf32, #tpu.memory_space<vmem>>
        %dma_start3A_214 = tpu.memref_squeeze %dma_start3A_213 : memref<1x128x64xf32, #tpu.memory_space<vmem>> -> memref<128x64xf32, #tpu.memory_space<vmem>>
        %dma_start3A_215 = arith.constant 0 : i32
        %dma_start3A_216 = tpu.memref_slice %arg7[%add3A_209, %dma_start3A_215] : memref<80x128xi32, #tpu.memory_space<vmem>> -> memref<1x128xi32, #tpu.memory_space<vmem>>
        %dma_start3A_217 = tpu.memref_squeeze %dma_start3A_216 : memref<1x128xi32, #tpu.memory_space<vmem>> -> memref<128xi32, #tpu.memory_space<vmem>>
        %dma_start3A_218 = arith.constant 0 : i32
        %dma_start3A_219 = arith.constant 0 : i32
        %dma_start3A_220 = tpu.memref_slice %arg2[%dma_start3A_218, %dma_start3A_219] : memref<10240x64xf32, #tpu.memory_space<hbm>> -> memref<10240x64xf32, #tpu.memory_space<hbm>>
        tpu.enqueue_indirect_dma source(%dma_start3A_220 : memref<10240x64xf32, #tpu.memory_space<hbm>>) target(%dma_start3A_214 : memref<128x64xf32, #tpu.memory_space<vmem>>) offsets(%dma_start3A_217 : memref<128xi32, #tpu.memory_space<vmem>>) semaphore(%arg14 : memref<!tpu.dma_semaphore, #tpu.memory_space<semaphore_mem>>)
      } else {
      }
      %mul3A_132 = arith.constant 4 : i32
      %mul3A_133 = arith.muli %mul3A_132, %scan3A_59 : i32
      %add3A_134 = arith.constant 2 : i32
      %add3A_135 = arith.addi %mul3A_133, %add3A_134 : i32
      %dma_wait3A_136 = arith.constant 2 : i32
      %dma_wait3A_137 = arith.constant 0 : i32
      %dma_wait3A_138 = arith.constant 0 : i32
      %dma_wait3A_139 = tpu.memref_slice %arg9[%dma_wait3A_136, %dma_wait3A_137, %dma_wait3A_138] : memref<4x128x64xf32, #tpu.memory_space<vmem>> -> memref<1x128x64xf32, #tpu.memory_space<vmem>>
      %dma_wait3A_140 = tpu.memref_squeeze %dma_wait3A_139 : memref<1x128x64xf32, #tpu.memory_space<vmem>> -> memref<128x64xf32, #tpu.memory_space<vmem>>
      %dma_wait3A_141 = arith.constant 0 : i32
      %dma_wait3A_142 = tpu.memref_slice %arg7[%add3A_135, %dma_wait3A_141] : memref<80x128xi32, #tpu.memory_space<vmem>> -> memref<1x128xi32, #tpu.memory_space<vmem>>
      %dma_wait3A_143 = tpu.memref_squeeze %dma_wait3A_142 : memref<1x128xi32, #tpu.memory_space<vmem>> -> memref<128xi32, #tpu.memory_space<vmem>>
      %dma_wait3A_144 = arith.constant 0 : i32
      %dma_wait3A_145 = arith.constant 0 : i32
      %dma_wait3A_146 = tpu.memref_slice %arg2[%dma_wait3A_144, %dma_wait3A_145] : memref<10240x64xf32, #tpu.memory_space<hbm>> -> memref<10240x64xf32, #tpu.memory_space<hbm>>
      tpu.wait_indirect_dma semaphore(%arg13 : memref<!tpu.dma_semaphore, #tpu.memory_space<semaphore_mem>>) src(%dma_wait3A_146 : memref<10240x64xf32, #tpu.memory_space<hbm>>) dst(%dma_wait3A_140 : memref<128x64xf32, #tpu.memory_space<vmem>>)
      %dma_start3A_147 = arith.constant 2 : i32
      %dma_start3A_148 = arith.constant 0 : i32
      %dma_start3A_149 = arith.constant 0 : i32
      %dma_start3A_150 = tpu.memref_slice %arg9[%dma_start3A_147, %dma_start3A_148, %dma_start3A_149] : memref<4x128x64xf32, #tpu.memory_space<vmem>> -> memref<1x128x64xf32, #tpu.memory_space<vmem>>
      %dma_start3A_151 = tpu.memref_squeeze %dma_start3A_150 : memref<1x128x64xf32, #tpu.memory_space<vmem>> -> memref<128x64xf32, #tpu.memory_space<vmem>>
      %dma_start3A_152 = arith.constant 0 : i32
      %dma_start3A_153 = tpu.memref_slice %arg8[%add3A_135, %dma_start3A_152] : memref<80x128xi32, #tpu.memory_space<vmem>> -> memref<1x128xi32, #tpu.memory_space<vmem>>
      %dma_start3A_154 = tpu.memref_squeeze %dma_start3A_153 : memref<1x128xi32, #tpu.memory_space<vmem>> -> memref<128xi32, #tpu.memory_space<vmem>>
      %dma_start3A_155 = arith.constant 0 : i32
      %dma_start3A_156 = arith.constant 0 : i32
      %dma_start3A_157 = tpu.memref_slice %arg10[%dma_start3A_155, %dma_start3A_156] : memref<10240x64xf32, #tpu.memory_space<vmem_shared>> -> memref<10240x64xf32, #tpu.memory_space<vmem_shared>>
      tpu.enqueue_indirect_dma source(%dma_start3A_151 : memref<128x64xf32, #tpu.memory_space<vmem>>) target(%dma_start3A_157 : memref<10240x64xf32, #tpu.memory_space<vmem_shared>>) offsets(%dma_start3A_154 : memref<128xi32, #tpu.memory_space<vmem>>) semaphore(%arg17 : memref<!tpu.dma_semaphore, #tpu.memory_space<semaphore_mem>>) {add = true}
      %ge3A_158 = arith.constant 2 : i32
      %ge3A_159 = arith.cmpi sge, %add3A_135, %ge3A_158 : i32
      %convert_element_type3A_160 = arith.extui %ge3A_159 : i1 to i32
      %cond3A_161 = arith.constant 0 : i32
      %cond3A_162 = arith.cmpi ne, %convert_element_type3A_160, %cond3A_161 : i32
      scf.if %cond3A_162 {
        %sub3A = arith.constant 2 : i32
        %sub3A_208 = arith.subi %add3A_135, %sub3A : i32
        %dma_wait3A_209 = arith.constant 0 : i32
        %dma_wait3A_210 = arith.constant 0 : i32
        %dma_wait3A_211 = arith.constant 0 : i32
        %dma_wait3A_212 = tpu.memref_slice %arg9[%dma_wait3A_209, %dma_wait3A_210, %dma_wait3A_211] : memref<4x128x64xf32, #tpu.memory_space<vmem>> -> memref<1x128x64xf32, #tpu.memory_space<vmem>>
        %dma_wait3A_213 = tpu.memref_squeeze %dma_wait3A_212 : memref<1x128x64xf32, #tpu.memory_space<vmem>> -> memref<128x64xf32, #tpu.memory_space<vmem>>
        %dma_wait3A_214 = arith.constant 0 : i32
        %dma_wait3A_215 = tpu.memref_slice %arg8[%sub3A_208, %dma_wait3A_214] : memref<80x128xi32, #tpu.memory_space<vmem>> -> memref<1x128xi32, #tpu.memory_space<vmem>>
        %dma_wait3A_216 = tpu.memref_squeeze %dma_wait3A_215 : memref<1x128xi32, #tpu.memory_space<vmem>> -> memref<128xi32, #tpu.memory_space<vmem>>
        %dma_wait3A_217 = arith.constant 0 : i32
        %dma_wait3A_218 = arith.constant 0 : i32
        %dma_wait3A_219 = tpu.memref_slice %arg10[%dma_wait3A_217, %dma_wait3A_218] : memref<10240x64xf32, #tpu.memory_space<vmem_shared>> -> memref<10240x64xf32, #tpu.memory_space<vmem_shared>>
        tpu.wait_indirect_dma semaphore(%arg15 : memref<!tpu.dma_semaphore, #tpu.memory_space<semaphore_mem>>) src(%dma_wait3A_213 : memref<128x64xf32, #tpu.memory_space<vmem>>) dst(%dma_wait3A_219 : memref<10240x64xf32, #tpu.memory_space<vmem_shared>>)
      } else {
      }
      %add3A_163 = arith.constant 2 : i32
      %add3A_164 = arith.addi %add3A_135, %add3A_163 : i32
      %lt3A_165 = arith.constant 80 : i32
      %lt3A_166 = arith.cmpi slt, %add3A_164, %lt3A_165 : i32
      %convert_element_type3A_167 = arith.extui %lt3A_166 : i1 to i32
      %cond3A_168 = arith.constant 0 : i32
      %cond3A_169 = arith.cmpi ne, %convert_element_type3A_167, %cond3A_168 : i32
      scf.if %cond3A_169 {
        %add3A_208 = arith.constant 2 : i32
        %add3A_209 = arith.addi %add3A_135, %add3A_208 : i32
        %dma_start3A_210 = arith.constant 0 : i32
        %dma_start3A_211 = arith.constant 0 : i32
        %dma_start3A_212 = arith.constant 0 : i32
        %dma_start3A_213 = tpu.memref_slice %arg9[%dma_start3A_210, %dma_start3A_211, %dma_start3A_212] : memref<4x128x64xf32, #tpu.memory_space<vmem>> -> memref<1x128x64xf32, #tpu.memory_space<vmem>>
        %dma_start3A_214 = tpu.memref_squeeze %dma_start3A_213 : memref<1x128x64xf32, #tpu.memory_space<vmem>> -> memref<128x64xf32, #tpu.memory_space<vmem>>
        %dma_start3A_215 = arith.constant 0 : i32
        %dma_start3A_216 = tpu.memref_slice %arg7[%add3A_209, %dma_start3A_215] : memref<80x128xi32, #tpu.memory_space<vmem>> -> memref<1x128xi32, #tpu.memory_space<vmem>>
        %dma_start3A_217 = tpu.memref_squeeze %dma_start3A_216 : memref<1x128xi32, #tpu.memory_space<vmem>> -> memref<128xi32, #tpu.memory_space<vmem>>
        %dma_start3A_218 = arith.constant 0 : i32
        %dma_start3A_219 = arith.constant 0 : i32
        %dma_start3A_220 = tpu.memref_slice %arg2[%dma_start3A_218, %dma_start3A_219] : memref<10240x64xf32, #tpu.memory_space<hbm>> -> memref<10240x64xf32, #tpu.memory_space<hbm>>
        tpu.enqueue_indirect_dma source(%dma_start3A_220 : memref<10240x64xf32, #tpu.memory_space<hbm>>) target(%dma_start3A_214 : memref<128x64xf32, #tpu.memory_space<vmem>>) offsets(%dma_start3A_217 : memref<128xi32, #tpu.memory_space<vmem>>) semaphore(%arg11 : memref<!tpu.dma_semaphore, #tpu.memory_space<semaphore_mem>>)
      } else {
      }
      %mul3A_170 = arith.constant 4 : i32
      %mul3A_171 = arith.muli %mul3A_170, %scan3A_59 : i32
      %add3A_172 = arith.constant 3 : i32
      %add3A_173 = arith.addi %mul3A_171, %add3A_172 : i32
      %dma_wait3A_174 = arith.constant 3 : i32
      %dma_wait3A_175 = arith.constant 0 : i32
      %dma_wait3A_176 = arith.constant 0 : i32
      %dma_wait3A_177 = tpu.memref_slice %arg9[%dma_wait3A_174, %dma_wait3A_175, %dma_wait3A_176] : memref<4x128x64xf32, #tpu.memory_space<vmem>> -> memref<1x128x64xf32, #tpu.memory_space<vmem>>
      %dma_wait3A_178 = tpu.memref_squeeze %dma_wait3A_177 : memref<1x128x64xf32, #tpu.memory_space<vmem>> -> memref<128x64xf32, #tpu.memory_space<vmem>>
      %dma_wait3A_179 = arith.constant 0 : i32
      %dma_wait3A_180 = tpu.memref_slice %arg7[%add3A_173, %dma_wait3A_179] : memref<80x128xi32, #tpu.memory_space<vmem>> -> memref<1x128xi32, #tpu.memory_space<vmem>>
      %dma_wait3A_181 = tpu.memref_squeeze %dma_wait3A_180 : memref<1x128xi32, #tpu.memory_space<vmem>> -> memref<128xi32, #tpu.memory_space<vmem>>
      %dma_wait3A_182 = arith.constant 0 : i32
      %dma_wait3A_183 = arith.constant 0 : i32
      %dma_wait3A_184 = tpu.memref_slice %arg2[%dma_wait3A_182, %dma_wait3A_183] : memref<10240x64xf32, #tpu.memory_space<hbm>> -> memref<10240x64xf32, #tpu.memory_space<hbm>>
      tpu.wait_indirect_dma semaphore(%arg14 : memref<!tpu.dma_semaphore, #tpu.memory_space<semaphore_mem>>) src(%dma_wait3A_184 : memref<10240x64xf32, #tpu.memory_space<hbm>>) dst(%dma_wait3A_178 : memref<128x64xf32, #tpu.memory_space<vmem>>)
      %dma_start3A_185 = arith.constant 3 : i32
      %dma_start3A_186 = arith.constant 0 : i32
      %dma_start3A_187 = arith.constant 0 : i32
      %dma_start3A_188 = tpu.memref_slice %arg9[%dma_start3A_185, %dma_start3A_186, %dma_start3A_187] : memref<4x128x64xf32, #tpu.memory_space<vmem>> -> memref<1x128x64xf32, #tpu.memory_space<vmem>>
      %dma_start3A_189 = tpu.memref_squeeze %dma_start3A_188 : memref<1x128x64xf32, #tpu.memory_space<vmem>> -> memref<128x64xf32, #tpu.memory_space<vmem>>
      %dma_start3A_190 = arith.constant 0 : i32
      %dma_start3A_191 = tpu.memref_slice %arg8[%add3A_173, %dma_start3A_190] : memref<80x128xi32, #tpu.memory_space<vmem>> -> memref<1x128xi32, #tpu.memory_space<vmem>>
      %dma_start3A_192 = tpu.memref_squeeze %dma_start3A_191 : memref<1x128xi32, #tpu.memory_space<vmem>> -> memref<128xi32, #tpu.memory_space<vmem>>
      %dma_start3A_193 = arith.constant 0 : i32
      %dma_start3A_194 = arith.constant 0 : i32
      %dma_start3A_195 = tpu.memref_slice %arg10[%dma_start3A_193, %dma_start3A_194] : memref<10240x64xf32, #tpu.memory_space<vmem_shared>> -> memref<10240x64xf32, #tpu.memory_space<vmem_shared>>
      tpu.enqueue_indirect_dma source(%dma_start3A_189 : memref<128x64xf32, #tpu.memory_space<vmem>>) target(%dma_start3A_195 : memref<10240x64xf32, #tpu.memory_space<vmem_shared>>) offsets(%dma_start3A_192 : memref<128xi32, #tpu.memory_space<vmem>>) semaphore(%arg18 : memref<!tpu.dma_semaphore, #tpu.memory_space<semaphore_mem>>) {add = true}
      %ge3A_196 = arith.constant 2 : i32
      %ge3A_197 = arith.cmpi sge, %add3A_173, %ge3A_196 : i32
      %convert_element_type3A_198 = arith.extui %ge3A_197 : i1 to i32
      %cond3A_199 = arith.constant 0 : i32
      %cond3A_200 = arith.cmpi ne, %convert_element_type3A_198, %cond3A_199 : i32
      scf.if %cond3A_200 {
        %sub3A = arith.constant 2 : i32
        %sub3A_208 = arith.subi %add3A_173, %sub3A : i32
        %dma_wait3A_209 = arith.constant 1 : i32
        %dma_wait3A_210 = arith.constant 0 : i32
        %dma_wait3A_211 = arith.constant 0 : i32
        %dma_wait3A_212 = tpu.memref_slice %arg9[%dma_wait3A_209, %dma_wait3A_210, %dma_wait3A_211] : memref<4x128x64xf32, #tpu.memory_space<vmem>> -> memref<1x128x64xf32, #tpu.memory_space<vmem>>
        %dma_wait3A_213 = tpu.memref_squeeze %dma_wait3A_212 : memref<1x128x64xf32, #tpu.memory_space<vmem>> -> memref<128x64xf32, #tpu.memory_space<vmem>>
        %dma_wait3A_214 = arith.constant 0 : i32
        %dma_wait3A_215 = tpu.memref_slice %arg8[%sub3A_208, %dma_wait3A_214] : memref<80x128xi32, #tpu.memory_space<vmem>> -> memref<1x128xi32, #tpu.memory_space<vmem>>
        %dma_wait3A_216 = tpu.memref_squeeze %dma_wait3A_215 : memref<1x128xi32, #tpu.memory_space<vmem>> -> memref<128xi32, #tpu.memory_space<vmem>>
        %dma_wait3A_217 = arith.constant 0 : i32
        %dma_wait3A_218 = arith.constant 0 : i32
        %dma_wait3A_219 = tpu.memref_slice %arg10[%dma_wait3A_217, %dma_wait3A_218] : memref<10240x64xf32, #tpu.memory_space<vmem_shared>> -> memref<10240x64xf32, #tpu.memory_space<vmem_shared>>
        tpu.wait_indirect_dma semaphore(%arg16 : memref<!tpu.dma_semaphore, #tpu.memory_space<semaphore_mem>>) src(%dma_wait3A_213 : memref<128x64xf32, #tpu.memory_space<vmem>>) dst(%dma_wait3A_219 : memref<10240x64xf32, #tpu.memory_space<vmem_shared>>)
      } else {
      }
      %add3A_201 = arith.constant 2 : i32
      %add3A_202 = arith.addi %add3A_173, %add3A_201 : i32
      %lt3A_203 = arith.constant 80 : i32
      %lt3A_204 = arith.cmpi slt, %add3A_202, %lt3A_203 : i32
      %convert_element_type3A_205 = arith.extui %lt3A_204 : i1 to i32
      %cond3A_206 = arith.constant 0 : i32
      %cond3A_207 = arith.cmpi ne, %convert_element_type3A_205, %cond3A_206 : i32
      scf.if %cond3A_207 {
        %add3A_208 = arith.constant 2 : i32
        %add3A_209 = arith.addi %add3A_173, %add3A_208 : i32
        %dma_start3A_210 = arith.constant 1 : i32
        %dma_start3A_211 = arith.constant 0 : i32
        %dma_start3A_212 = arith.constant 0 : i32
        %dma_start3A_213 = tpu.memref_slice %arg9[%dma_start3A_210, %dma_start3A_211, %dma_start3A_212] : memref<4x128x64xf32, #tpu.memory_space<vmem>> -> memref<1x128x64xf32, #tpu.memory_space<vmem>>
        %dma_start3A_214 = tpu.memref_squeeze %dma_start3A_213 : memref<1x128x64xf32, #tpu.memory_space<vmem>> -> memref<128x64xf32, #tpu.memory_space<vmem>>
        %dma_start3A_215 = arith.constant 0 : i32
        %dma_start3A_216 = tpu.memref_slice %arg7[%add3A_209, %dma_start3A_215] : memref<80x128xi32, #tpu.memory_space<vmem>> -> memref<1x128xi32, #tpu.memory_space<vmem>>
        %dma_start3A_217 = tpu.memref_squeeze %dma_start3A_216 : memref<1x128xi32, #tpu.memory_space<vmem>> -> memref<128xi32, #tpu.memory_space<vmem>>
        %dma_start3A_218 = arith.constant 0 : i32
        %dma_start3A_219 = arith.constant 0 : i32
        %dma_start3A_220 = tpu.memref_slice %arg2[%dma_start3A_218, %dma_start3A_219] : memref<10240x64xf32, #tpu.memory_space<hbm>> -> memref<10240x64xf32, #tpu.memory_space<hbm>>
        tpu.enqueue_indirect_dma source(%dma_start3A_220 : memref<10240x64xf32, #tpu.memory_space<hbm>>) target(%dma_start3A_214 : memref<128x64xf32, #tpu.memory_space<vmem>>) offsets(%dma_start3A_217 : memref<128xi32, #tpu.memory_space<vmem>>) semaphore(%arg12 : memref<!tpu.dma_semaphore, #tpu.memory_space<semaphore_mem>>)
      } else {
      }
    }
    %scan3A_30 = arith.constant 20 : i32
    %dma_wait3A = arith.constant 2 : i32
    %dma_wait3A_31 = arith.constant 78 : i32
    %dma_wait3A_32 = arith.constant 0 : i32
    %dma_wait3A_33 = arith.constant 0 : i32
    %dma_wait3A_34 = tpu.memref_slice %arg9[%dma_wait3A, %dma_wait3A_32, %dma_wait3A_33] : memref<4x128x64xf32, #tpu.memory_space<vmem>> -> memref<1x128x64xf32, #tpu.memory_space<vmem>>
    %dma_wait3A_35 = tpu.memref_squeeze %dma_wait3A_34 : memref<1x128x64xf32, #tpu.memory_space<vmem>> -> memref<128x64xf32, #tpu.memory_space<vmem>>
    %dma_wait3A_36 = arith.constant 0 : i32
    %dma_wait3A_37 = tpu.memref_slice %arg8[%dma_wait3A_31, %dma_wait3A_36] : memref<80x128xi32, #tpu.memory_space<vmem>> -> memref<1x128xi32, #tpu.memory_space<vmem>>
    %dma_wait3A_38 = tpu.memref_squeeze %dma_wait3A_37 : memref<1x128xi32, #tpu.memory_space<vmem>> -> memref<128xi32, #tpu.memory_space<vmem>>
    %dma_wait3A_39 = arith.constant 0 : i32
    %dma_wait3A_40 = arith.constant 0 : i32
    %dma_wait3A_41 = tpu.memref_slice %arg10[%dma_wait3A_39, %dma_wait3A_40] : memref<10240x64xf32, #tpu.memory_space<vmem_shared>> -> memref<10240x64xf32, #tpu.memory_space<vmem_shared>>
    tpu.wait_indirect_dma semaphore(%arg17 : memref<!tpu.dma_semaphore, #tpu.memory_space<semaphore_mem>>) src(%dma_wait3A_35 : memref<128x64xf32, #tpu.memory_space<vmem>>) dst(%dma_wait3A_41 : memref<10240x64xf32, #tpu.memory_space<vmem_shared>>)
    %dma_wait3A_42 = arith.constant 3 : i32
    %dma_wait3A_43 = arith.constant 79 : i32
    %dma_wait3A_44 = arith.constant 0 : i32
    %dma_wait3A_45 = arith.constant 0 : i32
    %dma_wait3A_46 = tpu.memref_slice %arg9[%dma_wait3A_42, %dma_wait3A_44, %dma_wait3A_45] : memref<4x128x64xf32, #tpu.memory_space<vmem>> -> memref<1x128x64xf32, #tpu.memory_space<vmem>>
    %dma_wait3A_47 = tpu.memref_squeeze %dma_wait3A_46 : memref<1x128x64xf32, #tpu.memory_space<vmem>> -> memref<128x64xf32, #tpu.memory_space<vmem>>
    %dma_wait3A_48 = arith.constant 0 : i32
    %dma_wait3A_49 = tpu.memref_slice %arg8[%dma_wait3A_43, %dma_wait3A_48] : memref<80x128xi32, #tpu.memory_space<vmem>> -> memref<1x128xi32, #tpu.memory_space<vmem>>
    %dma_wait3A_50 = tpu.memref_squeeze %dma_wait3A_49 : memref<1x128xi32, #tpu.memory_space<vmem>> -> memref<128xi32, #tpu.memory_space<vmem>>
    %dma_wait3A_51 = arith.constant 0 : i32
    %dma_wait3A_52 = arith.constant 0 : i32
    %dma_wait3A_53 = tpu.memref_slice %arg10[%dma_wait3A_51, %dma_wait3A_52] : memref<10240x64xf32, #tpu.memory_space<vmem_shared>> -> memref<10240x64xf32, #tpu.memory_space<vmem_shared>>
    tpu.wait_indirect_dma semaphore(%arg18 : memref<!tpu.dma_semaphore, #tpu.memory_space<semaphore_mem>>) src(%dma_wait3A_47 : memref<128x64xf32, #tpu.memory_space<vmem>>) dst(%dma_wait3A_53 : memref<10240x64xf32, #tpu.memory_space<vmem_shared>>)
    %barrier3A_54 = arith.constant 0 : index
    tpu.barrier barrier_id(%barrier3A_54)
    %mul3A_55 = arith.constant 640 : i32
    %mul3A_56 = arith.muli %arg1, %mul3A_55 : i32
    %mul3A_57 = arith.constant 640 : i32
    %mul3A_58 = arith.muli %arg1, %mul3A_57 : i32
    "tpu.region"() ({
      %run_scoped3A = tpu.sem_alloc : memref<!tpu.dma_semaphore, #tpu.memory_space<semaphore_mem>>
      %dma_start3A_59 = arith.constant 0 : i32
      %dma_start3A_60 = tpu.memref_slice %arg6[%arg0, %mul3A_58, %dma_start3A_59] : memref<2x10240x64xf32, #tpu.memory_space<hbm>> -> memref<1x640x64xf32, #tpu.memory_space<hbm>>
      %dma_start3A_61 = tpu.memref_squeeze %dma_start3A_60 : memref<1x640x64xf32, #tpu.memory_space<hbm>> -> memref<640x64xf32, #tpu.memory_space<hbm>>
      %dma_start3A_62 = arith.constant 0 : i32
      %dma_start3A_63 = tpu.memref_slice %arg10[%mul3A_56, %dma_start3A_62] : memref<10240x64xf32, #tpu.memory_space<vmem_shared>> -> memref<640x64xf32, #tpu.memory_space<vmem_shared>>
      tpu.enqueue_dma source(%dma_start3A_63 : memref<640x64xf32, #tpu.memory_space<vmem_shared>>) target(%dma_start3A_61 : memref<640x64xf32, #tpu.memory_space<hbm>>) target_semaphore(%run_scoped3A : memref<!tpu.dma_semaphore, #tpu.memory_space<semaphore_mem>>)
      %dma_wait3A_64 = arith.constant 0 : i32
      %dma_wait3A_65 = tpu.memref_slice %arg6[%arg0, %mul3A_58, %dma_wait3A_64] : memref<2x10240x64xf32, #tpu.memory_space<hbm>> -> memref<1x640x64xf32, #tpu.memory_space<hbm>>
      %dma_wait3A_66 = tpu.memref_squeeze %dma_wait3A_65 : memref<1x640x64xf32, #tpu.memory_space<hbm>> -> memref<640x64xf32, #tpu.memory_space<hbm>>
      %dma_wait3A_67 = arith.constant 0 : i32
      %dma_wait3A_68 = tpu.memref_slice %arg10[%mul3A_56, %dma_wait3A_67] : memref<10240x64xf32, #tpu.memory_space<vmem_shared>> -> memref<640x64xf32, #tpu.memory_space<vmem_shared>>
      tpu.wait_dma2 semaphore(%run_scoped3A : memref<!tpu.dma_semaphore, #tpu.memory_space<semaphore_mem>>) src(%dma_wait3A_68 : memref<640x64xf32, #tpu.memory_space<vmem_shared>>) dst(%dma_wait3A_66 : memref<640x64xf32, #tpu.memory_space<hbm>>)
      tpu.yield
    }) : () -> ()
    return
  }
}

#map = affine_map<(d0, d1) -> (0, 0)>
#map1 = affine_map<(d0, d1) -> (0, 0, 0)>
module attributes {stable_mosaic.version = 14 : i64} {
  func.func @body(%arg0: i32, %arg1: i32, %arg2: memref<10240x64xf32, #tpu.memory_space<hbm>>, %arg3: memref<32x80x128xi32, #tpu.memory_space<hbm>>, %arg4: memref<32x80x128xi32, #tpu.memory_space<hbm>>, %arg5: memref<640x64xf32, #tpu.memory_space<hbm>>, %arg6: memref<2x10240x64xf32, #tpu.memory_space<hbm>>, %arg7: memref<80x128xi32, #tpu.memory_space<vmem>>, %arg8: memref<80x128xi32, #tpu.memory_space<vmem>>, %arg9: memref<4x128x64xf32, #tpu.memory_space<vmem>>, %arg10: memref<10240x64xf32, #tpu.memory_space<vmem_shared>>, %arg11: memref<!tpu.dma_semaphore, #tpu.memory_space<semaphore_mem>>, %arg12: memref<!tpu.dma_semaphore, #tpu.memory_space<semaphore_mem>>, %arg13: memref<!tpu.dma_semaphore, #tpu.memory_space<semaphore_mem>>, %arg14: memref<!tpu.dma_semaphore, #tpu.memory_space<semaphore_mem>>, %arg15: memref<!tpu.dma_semaphore, #tpu.memory_space<semaphore_mem>>, %arg16: memref<!tpu.dma_semaphore, #tpu.memory_space<semaphore_mem>>, %arg17: memref<!tpu.dma_semaphore, #tpu.memory_space<semaphore_mem>>, %arg18: memref<!tpu.dma_semaphore, #tpu.memory_space<semaphore_mem>>) attributes {dimension_semantics = [#tpu.dimension_semantics<core_parallel>, #tpu.dimension_semantics<subcore_parallel>], iteration_bounds = array<i64: 2, 16>, scalar_prefetch = 0 : i64, scratch_operands = 12 : i64, tpu.core_type = #tpu.core_type<sc_vector_subcore>, window_params = [{transform_indices = #map}, {transform_indices = #map1}, {transform_indices = #map1}, {transform_indices = #map}, {transform_indices = #map1}]} {
    %mul3A = arith.constant 16 : i32
    %mul3A_0 = arith.muli %arg0, %mul3A : i32
    %add3A = arith.addi %mul3A_0, %arg1 : i32
    %mul3A_1 = arith.constant 640 : i32
    %mul3A_2 = arith.muli %arg1, %mul3A_1 : i32
    "tpu.region"() ({
      %run_scoped3A = tpu.sem_alloc : memref<!tpu.dma_semaphore, #tpu.memory_space<semaphore_mem>>
      %dma_start3A_59 = arith.constant 0 : i32
      %dma_start3A_60 = tpu.memref_slice %arg10[%mul3A_2, %dma_start3A_59] : memref<10240x64xf32, #tpu.memory_space<vmem_shared>> -> memref<640x64xf32, #tpu.memory_space<vmem_shared>>
      tpu.enqueue_dma source(%arg5 : memref<640x64xf32, #tpu.memory_space<hbm>>) target(%dma_start3A_60 : memref<640x64xf32, #tpu.memory_space<vmem_shared>>) target_semaphore(%run_scoped3A : memref<!tpu.dma_semaphore, #tpu.memory_space<semaphore_mem>>)
      %dma_wait3A_61 = arith.constant 0 : i32
      %dma_wait3A_62 = tpu.memref_slice %arg10[%mul3A_2, %dma_wait3A_61] : memref<10240x64xf32, #tpu.memory_space<vmem_shared>> -> memref<640x64xf32, #tpu.memory_space<vmem_shared>>
      tpu.wait_dma2 semaphore(%run_scoped3A : memref<!tpu.dma_semaphore, #tpu.memory_space<semaphore_mem>>) src(%arg5 : memref<640x64xf32, #tpu.memory_space<hbm>>) dst(%dma_wait3A_62 : memref<640x64xf32, #tpu.memory_space<vmem_shared>>)
      tpu.yield
    }) : () -> ()
    "tpu.region"() ({
      %run_scoped3A = tpu.sem_alloc : memref<!tpu.dma_semaphore, #tpu.memory_space<semaphore_mem>>
      %dma_start3A_59 = arith.constant 0 : i32
      %dma_start3A_60 = arith.constant 0 : i32
      %dma_start3A_61 = tpu.memref_slice %arg3[%add3A, %dma_start3A_59, %dma_start3A_60] : memref<32x80x128xi32, #tpu.memory_space<hbm>> -> memref<1x80x128xi32, #tpu.memory_space<hbm>>
      %dma_start3A_62 = tpu.memref_squeeze %dma_start3A_61 : memref<1x80x128xi32, #tpu.memory_space<hbm>> -> memref<80x128xi32, #tpu.memory_space<hbm>>
      %dma_start3A_63 = arith.constant 0 : i32
      %dma_start3A_64 = arith.constant 0 : i32
      %dma_start3A_65 = tpu.memref_slice %arg3[%add3A, %dma_start3A_63, %dma_start3A_64] : memref<32x80x128xi32, #tpu.memory_space<hbm>> -> memref<1x80x128xi32, #tpu.memory_space<hbm>>
      %dma_start3A_66 = tpu.memref_squeeze %dma_start3A_65 : memref<1x80x128xi32, #tpu.memory_space<hbm>> -> memref<80x128xi32, #tpu.memory_space<hbm>>
      tpu.enqueue_dma source(%dma_start3A_66 : memref<80x128xi32, #tpu.memory_space<hbm>>) target(%arg7 : memref<80x128xi32, #tpu.memory_space<vmem>>) target_semaphore(%run_scoped3A : memref<!tpu.dma_semaphore, #tpu.memory_space<semaphore_mem>>)
      %dma_wait3A_67 = arith.constant 0 : i32
      %dma_wait3A_68 = arith.constant 0 : i32
      %dma_wait3A_69 = tpu.memref_slice %arg3[%add3A, %dma_wait3A_67, %dma_wait3A_68] : memref<32x80x128xi32, #tpu.memory_space<hbm>> -> memref<1x80x128xi32, #tpu.memory_space<hbm>>
      %dma_wait3A_70 = tpu.memref_squeeze %dma_wait3A_69 : memref<1x80x128xi32, #tpu.memory_space<hbm>> -> memref<80x128xi32, #tpu.memory_space<hbm>>
      %dma_wait3A_71 = arith.constant 0 : i32
      %dma_wait3A_72 = arith.constant 0 : i32
      %dma_wait3A_73 = tpu.memref_slice %arg3[%add3A, %dma_wait3A_71, %dma_wait3A_72] : memref<32x80x128xi32, #tpu.memory_space<hbm>> -> memref<1x80x128xi32, #tpu.memory_space<hbm>>
      %dma_wait3A_74 = tpu.memref_squeeze %dma_wait3A_73 : memref<1x80x128xi32, #tpu.memory_space<hbm>> -> memref<80x128xi32, #tpu.memory_space<hbm>>
      tpu.wait_dma2 semaphore(%run_scoped3A : memref<!tpu.dma_semaphore, #tpu.memory_space<semaphore_mem>>) src(%dma_wait3A_74 : memref<80x128xi32, #tpu.memory_space<hbm>>) dst(%arg7 : memref<80x128xi32, #tpu.memory_space<vmem>>)
      tpu.yield
    }) : () -> ()
    "tpu.region"() ({
      %run_scoped3A = tpu.sem_alloc : memref<!tpu.dma_semaphore, #tpu.memory_space<semaphore_mem>>
      %dma_start3A_59 = arith.constant 0 : i32
      %dma_start3A_60 = arith.constant 0 : i32
      %dma_start3A_61 = tpu.memref_slice %arg4[%add3A, %dma_start3A_59, %dma_start3A_60] : memref<32x80x128xi32, #tpu.memory_space<hbm>> -> memref<1x80x128xi32, #tpu.memory_space<hbm>>
      %dma_start3A_62 = tpu.memref_squeeze %dma_start3A_61 : memref<1x80x128xi32, #tpu.memory_space<hbm>> -> memref<80x128xi32, #tpu.memory_space<hbm>>
      %dma_start3A_63 = arith.constant 0 : i32
      %dma_start3A_64 = arith.constant 0 : i32
      %dma_start3A_65 = tpu.memref_slice %arg4[%add3A, %dma_start3A_63, %dma_start3A_64] : memref<32x80x128xi32, #tpu.memory_space<hbm>> -> memref<1x80x128xi32, #tpu.memory_space<hbm>>
      %dma_start3A_66 = tpu.memref_squeeze %dma_start3A_65 : memref<1x80x128xi32, #tpu.memory_space<hbm>> -> memref<80x128xi32, #tpu.memory_space<hbm>>
      tpu.enqueue_dma source(%dma_start3A_66 : memref<80x128xi32, #tpu.memory_space<hbm>>) target(%arg8 : memref<80x128xi32, #tpu.memory_space<vmem>>) target_semaphore(%run_scoped3A : memref<!tpu.dma_semaphore, #tpu.memory_space<semaphore_mem>>)
      %dma_wait3A_67 = arith.constant 0 : i32
      %dma_wait3A_68 = arith.constant 0 : i32
      %dma_wait3A_69 = tpu.memref_slice %arg4[%add3A, %dma_wait3A_67, %dma_wait3A_68] : memref<32x80x128xi32, #tpu.memory_space<hbm>> -> memref<1x80x128xi32, #tpu.memory_space<hbm>>
      %dma_wait3A_70 = tpu.memref_squeeze %dma_wait3A_69 : memref<1x80x128xi32, #tpu.memory_space<hbm>> -> memref<80x128xi32, #tpu.memory_space<hbm>>
      %dma_wait3A_71 = arith.constant 0 : i32
      %dma_wait3A_72 = arith.constant 0 : i32
      %dma_wait3A_73 = tpu.memref_slice %arg4[%add3A, %dma_wait3A_71, %dma_wait3A_72] : memref<32x80x128xi32, #tpu.memory_space<hbm>> -> memref<1x80x128xi32, #tpu.memory_space<hbm>>
      %dma_wait3A_74 = tpu.memref_squeeze %dma_wait3A_73 : memref<1x80x128xi32, #tpu.memory_space<hbm>> -> memref<80x128xi32, #tpu.memory_space<hbm>>
      tpu.wait_dma2 semaphore(%run_scoped3A : memref<!tpu.dma_semaphore, #tpu.memory_space<semaphore_mem>>) src(%dma_wait3A_74 : memref<80x128xi32, #tpu.memory_space<hbm>>) dst(%arg8 : memref<80x128xi32, #tpu.memory_space<vmem>>)
      tpu.yield
    }) : () -> ()
    %barrier3A = arith.constant 0 : index
    tpu.barrier barrier_id(%barrier3A)
    %dma_start3A = arith.constant 0 : i32
    %dma_start3A_3 = arith.constant 0 : i32
    %dma_start3A_4 = arith.constant 0 : i32
    %dma_start3A_5 = arith.constant 0 : i32
    %dma_start3A_6 = tpu.memref_slice %arg9[%dma_start3A_3, %dma_start3A_4, %dma_start3A_5] : memref<4x128x64xf32, #tpu.memory_space<vmem>> -> memref<1x128x64xf32, #tpu.memory_space<vmem>>
    %dma_start3A_7 = tpu.memref_squeeze %dma_start3A_6 : memref<1x128x64xf32, #tpu.memory_space<vmem>> -> memref<128x64xf32, #tpu.memory_space<vmem>>
    %dma_start3A_8 = arith.constant 0 : i32
    %dma_start3A_9 = tpu.memref_slice %arg7[%dma_start3A, %dma_start3A_8] : memref<80x128xi32, #tpu.memory_space<vmem>> -> memref<1x128xi32, #tpu.memory_space<vmem>>
    %dma_start3A_10 = tpu.memref_squeeze %dma_start3A_9 : memref<1x128xi32, #tpu.memory_space<vmem>> -> memref<128xi32, #tpu.memory_space<vmem>>
    %dma_start3A_11 = arith.constant 0 : i32
    %dma_start3A_12 = arith.constant 0 : i32
    %dma_start3A_13 = tpu.memref_slice %arg2[%dma_start3A_11, %dma_start3A_12] : memref<10240x64xf32, #tpu.memory_space<hbm>> -> memref<10240x64xf32, #tpu.memory_space<hbm>>
    tpu.enqueue_indirect_dma source(%dma_start3A_13 : memref<10240x64xf32, #tpu.memory_space<hbm>>) target(%dma_start3A_7 : memref<128x64xf32, #tpu.memory_space<vmem>>) offsets(%dma_start3A_10 : memref<128xi32, #tpu.memory_space<vmem>>) semaphore(%arg11 : memref<!tpu.dma_semaphore, #tpu.memory_space<semaphore_mem>>)
    %dma_start3A_14 = arith.constant 1 : i32
    %dma_start3A_15 = arith.constant 1 : i32
    %dma_start3A_16 = arith.constant 0 : i32
    %dma_start3A_17 = arith.constant 0 : i32
    %dma_start3A_18 = tpu.memref_slice %arg9[%dma_start3A_15, %dma_start3A_16, %dma_start3A_17] : memref<4x128x64xf32, #tpu.memory_space<vmem>> -> memref<1x128x64xf32, #tpu.memory_space<vmem>>
    %dma_start3A_19 = tpu.memref_squeeze %dma_start3A_18 : memref<1x128x64xf32, #tpu.memory_space<vmem>> -> memref<128x64xf32, #tpu.memory_space<vmem>>
    %dma_start3A_20 = arith.constant 0 : i32
    %dma_start3A_21 = tpu.memref_slice %arg7[%dma_start3A_14, %dma_start3A_20] : memref<80x128xi32, #tpu.memory_space<vmem>> -> memref<1x128xi32, #tpu.memory_space<vmem>>
    %dma_start3A_22 = tpu.memref_squeeze %dma_start3A_21 : memref<1x128xi32, #tpu.memory_space<vmem>> -> memref<128xi32, #tpu.memory_space<vmem>>
    %dma_start3A_23 = arith.constant 0 : i32
    %dma_start3A_24 = arith.constant 0 : i32
    %dma_start3A_25 = tpu.memref_slice %arg2[%dma_start3A_23, %dma_start3A_24] : memref<10240x64xf32, #tpu.memory_space<hbm>> -> memref<10240x64xf32, #tpu.memory_space<hbm>>
    tpu.enqueue_indirect_dma source(%dma_start3A_25 : memref<10240x64xf32, #tpu.memory_space<hbm>>) target(%dma_start3A_19 : memref<128x64xf32, #tpu.memory_space<vmem>>) offsets(%dma_start3A_22 : memref<128xi32, #tpu.memory_space<vmem>>) semaphore(%arg12 : memref<!tpu.dma_semaphore, #tpu.memory_space<semaphore_mem>>)
    %scan3A = arith.constant 0 : i32
    %scan3A_26 = arith.constant 0 : i32
    %scan3A_27 = arith.constant 20 : i32
    %scan3A_28 = arith.addi %scan3A_26, %scan3A_27 : i32
    %scan3A_29 = arith.constant 1 : i32
    scf.for %scan3A_59 = %scan3A_26 to %scan3A_28 step %scan3A_29  : i32 {
      %mul3A_60 = arith.constant 4 : i32
      %mul3A_61 = arith.muli %mul3A_60, %scan3A_59 : i32
      %add3A_62 = arith.constant 0 : i32
      %add3A_63 = arith.addi %mul3A_61, %add3A_62 : i32
      %dma_wait3A_64 = arith.constant 0 : i32
      %dma_wait3A_65 = arith.constant 0 : i32
      %dma_wait3A_66 = arith.constant 0 : i32
      %dma_wait3A_67 = tpu.memref_slice %arg9[%dma_wait3A_64, %dma_wait3A_65, %dma_wait3A_66] : memref<4x128x64xf32, #tpu.memory_space<vmem>> -> memref<1x128x64xf32, #tpu.memory_space<vmem>>
      %dma_wait3A_68 = tpu.memref_squeeze %dma_wait3A_67 : memref<1x128x64xf32, #tpu.memory_space<vmem>> -> memref<128x64xf32, #tpu.memory_space<vmem>>
      %dma_wait3A_69 = arith.constant 0 : i32
      %dma_wait3A_70 = tpu.memref_slice %arg7[%add3A_63, %dma_wait3A_69] : memref<80x128xi32, #tpu.memory_space<vmem>> -> memref<1x128xi32, #tpu.memory_space<vmem>>
      %dma_wait3A_71 = tpu.memref_squeeze %dma_wait3A_70 : memref<1x128xi32, #tpu.memory_space<vmem>> -> memref<128xi32, #tpu.memory_space<vmem>>
      %dma_wait3A_72 = arith.constant 0 : i32
      %dma_wait3A_73 = arith.constant 0 : i32
      %dma_wait3A_74 = tpu.memref_slice %arg2[%dma_wait3A_72, %dma_wait3A_73] : memref<10240x64xf32, #tpu.memory_space<hbm>> -> memref<10240x64xf32, #tpu.memory_space<hbm>>
      tpu.wait_indirect_dma semaphore(%arg11 : memref<!tpu.dma_semaphore, #tpu.memory_space<semaphore_mem>>) src(%dma_wait3A_74 : memref<10240x64xf32, #tpu.memory_space<hbm>>) dst(%dma_wait3A_68 : memref<128x64xf32, #tpu.memory_space<vmem>>)
      %dma_start3A_75 = arith.constant 0 : i32
      %dma_start3A_76 = arith.constant 0 : i32
      %dma_start3A_77 = arith.constant 0 : i32
      %dma_start3A_78 = tpu.memref_slice %arg9[%dma_start3A_75, %dma_start3A_76, %dma_start3A_77] : memref<4x128x64xf32, #tpu.memory_space<vmem>> -> memref<1x128x64xf32, #tpu.memory_space<vmem>>
      %dma_start3A_79 = tpu.memref_squeeze %dma_start3A_78 : memref<1x128x64xf32, #tpu.memory_space<vmem>> -> memref<128x64xf32, #tpu.memory_space<vmem>>
      %dma_start3A_80 = arith.constant 0 : i32
      %dma_start3A_81 = tpu.memref_slice %arg8[%add3A_63, %dma_start3A_80] : memref<80x128xi32, #tpu.memory_space<vmem>> -> memref<1x128xi32, #tpu.memory_space<vmem>>
      %dma_start3A_82 = tpu.memref_squeeze %dma_start3A_81 : memref<1x128xi32, #tpu.memory_space<vmem>> -> memref<128xi32, #tpu.memory_space<vmem>>
      %dma_start3A_83 = arith.constant 0 : i32
      %dma_start3A_84 = arith.constant 0 : i32
      %dma_start3A_85 = tpu.memref_slice %arg10[%dma_start3A_83, %dma_start3A_84] : memref<10240x64xf32, #tpu.memory_space<vmem_shared>> -> memref<10240x64xf32, #tpu.memory_space<vmem_shared>>
      tpu.enqueue_indirect_dma source(%dma_start3A_79 : memref<128x64xf32, #tpu.memory_space<vmem>>) target(%dma_start3A_85 : memref<10240x64xf32, #tpu.memory_space<vmem_shared>>) offsets(%dma_start3A_82 : memref<128xi32, #tpu.memory_space<vmem>>) semaphore(%arg15 : memref<!tpu.dma_semaphore, #tpu.memory_space<semaphore_mem>>) {add = true}
      %ge3A = arith.constant 2 : i32
      %ge3A_86 = arith.cmpi sge, %add3A_63, %ge3A : i32
      %convert_element_type3A = arith.extui %ge3A_86 : i1 to i32
      %cond3A = arith.constant 0 : i32
      %cond3A_87 = arith.cmpi ne, %convert_element_type3A, %cond3A : i32
      scf.if %cond3A_87 {
        %sub3A = arith.constant 2 : i32
        %sub3A_208 = arith.subi %add3A_63, %sub3A : i32
        %dma_wait3A_209 = arith.constant 2 : i32
        %dma_wait3A_210 = arith.constant 0 : i32
        %dma_wait3A_211 = arith.constant 0 : i32
        %dma_wait3A_212 = tpu.memref_slice %arg9[%dma_wait3A_209, %dma_wait3A_210, %dma_wait3A_211] : memref<4x128x64xf32, #tpu.memory_space<vmem>> -> memref<1x128x64xf32, #tpu.memory_space<vmem>>
        %dma_wait3A_213 = tpu.memref_squeeze %dma_wait3A_212 : memref<1x128x64xf32, #tpu.memory_space<vmem>> -> memref<128x64xf32, #tpu.memory_space<vmem>>
        %dma_wait3A_214 = arith.constant 0 : i32
        %dma_wait3A_215 = tpu.memref_slice %arg8[%sub3A_208, %dma_wait3A_214] : memref<80x128xi32, #tpu.memory_space<vmem>> -> memref<1x128xi32, #tpu.memory_space<vmem>>
        %dma_wait3A_216 = tpu.memref_squeeze %dma_wait3A_215 : memref<1x128xi32, #tpu.memory_space<vmem>> -> memref<128xi32, #tpu.memory_space<vmem>>
        %dma_wait3A_217 = arith.constant 0 : i32
        %dma_wait3A_218 = arith.constant 0 : i32
        %dma_wait3A_219 = tpu.memref_slice %arg10[%dma_wait3A_217, %dma_wait3A_218] : memref<10240x64xf32, #tpu.memory_space<vmem_shared>> -> memref<10240x64xf32, #tpu.memory_space<vmem_shared>>
        tpu.wait_indirect_dma semaphore(%arg17 : memref<!tpu.dma_semaphore, #tpu.memory_space<semaphore_mem>>) src(%dma_wait3A_213 : memref<128x64xf32, #tpu.memory_space<vmem>>) dst(%dma_wait3A_219 : memref<10240x64xf32, #tpu.memory_space<vmem_shared>>)
      } else {
      }
      %add3A_88 = arith.constant 2 : i32
      %add3A_89 = arith.addi %add3A_63, %add3A_88 : i32
      %lt3A = arith.constant 80 : i32
      %lt3A_90 = arith.cmpi slt, %add3A_89, %lt3A : i32
      %convert_element_type3A_91 = arith.extui %lt3A_90 : i1 to i32
      %cond3A_92 = arith.constant 0 : i32
      %cond3A_93 = arith.cmpi ne, %convert_element_type3A_91, %cond3A_92 : i32
      scf.if %cond3A_93 {
        %add3A_208 = arith.constant 2 : i32
        %add3A_209 = arith.addi %add3A_63, %add3A_208 : i32
        %dma_start3A_210 = arith.constant 2 : i32
        %dma_start3A_211 = arith.constant 0 : i32
        %dma_start3A_212 = arith.constant 0 : i32
        %dma_start3A_213 = tpu.memref_slice %arg9[%dma_start3A_210, %dma_start3A_211, %dma_start3A_212] : memref<4x128x64xf32, #tpu.memory_space<vmem>> -> memref<1x128x64xf32, #tpu.memory_space<vmem>>
        %dma_start3A_214 = tpu.memref_squeeze %dma_start3A_213 : memref<1x128x64xf32, #tpu.memory_space<vmem>> -> memref<128x64xf32, #tpu.memory_space<vmem>>
        %dma_start3A_215 = arith.constant 0 : i32
        %dma_start3A_216 = tpu.memref_slice %arg7[%add3A_209, %dma_start3A_215] : memref<80x128xi32, #tpu.memory_space<vmem>> -> memref<1x128xi32, #tpu.memory_space<vmem>>
        %dma_start3A_217 = tpu.memref_squeeze %dma_start3A_216 : memref<1x128xi32, #tpu.memory_space<vmem>> -> memref<128xi32, #tpu.memory_space<vmem>>
        %dma_start3A_218 = arith.constant 0 : i32
        %dma_start3A_219 = arith.constant 0 : i32
        %dma_start3A_220 = tpu.memref_slice %arg2[%dma_start3A_218, %dma_start3A_219] : memref<10240x64xf32, #tpu.memory_space<hbm>> -> memref<10240x64xf32, #tpu.memory_space<hbm>>
        tpu.enqueue_indirect_dma source(%dma_start3A_220 : memref<10240x64xf32, #tpu.memory_space<hbm>>) target(%dma_start3A_214 : memref<128x64xf32, #tpu.memory_space<vmem>>) offsets(%dma_start3A_217 : memref<128xi32, #tpu.memory_space<vmem>>) semaphore(%arg13 : memref<!tpu.dma_semaphore, #tpu.memory_space<semaphore_mem>>)
      } else {
      }
      %mul3A_94 = arith.constant 4 : i32
      %mul3A_95 = arith.muli %mul3A_94, %scan3A_59 : i32
      %add3A_96 = arith.constant 1 : i32
      %add3A_97 = arith.addi %mul3A_95, %add3A_96 : i32
      %dma_wait3A_98 = arith.constant 1 : i32
      %dma_wait3A_99 = arith.constant 0 : i32
      %dma_wait3A_100 = arith.constant 0 : i32
      %dma_wait3A_101 = tpu.memref_slice %arg9[%dma_wait3A_98, %dma_wait3A_99, %dma_wait3A_100] : memref<4x128x64xf32, #tpu.memory_space<vmem>> -> memref<1x128x64xf32, #tpu.memory_space<vmem>>
      %dma_wait3A_102 = tpu.memref_squeeze %dma_wait3A_101 : memref<1x128x64xf32, #tpu.memory_space<vmem>> -> memref<128x64xf32, #tpu.memory_space<vmem>>
      %dma_wait3A_103 = arith.constant 0 : i32
      %dma_wait3A_104 = tpu.memref_slice %arg7[%add3A_97, %dma_wait3A_103] : memref<80x128xi32, #tpu.memory_space<vmem>> -> memref<1x128xi32, #tpu.memory_space<vmem>>
      %dma_wait3A_105 = tpu.memref_squeeze %dma_wait3A_104 : memref<1x128xi32, #tpu.memory_space<vmem>> -> memref<128xi32, #tpu.memory_space<vmem>>
      %dma_wait3A_106 = arith.constant 0 : i32
      %dma_wait3A_107 = arith.constant 0 : i32
      %dma_wait3A_108 = tpu.memref_slice %arg2[%dma_wait3A_106, %dma_wait3A_107] : memref<10240x64xf32, #tpu.memory_space<hbm>> -> memref<10240x64xf32, #tpu.memory_space<hbm>>
      tpu.wait_indirect_dma semaphore(%arg12 : memref<!tpu.dma_semaphore, #tpu.memory_space<semaphore_mem>>) src(%dma_wait3A_108 : memref<10240x64xf32, #tpu.memory_space<hbm>>) dst(%dma_wait3A_102 : memref<128x64xf32, #tpu.memory_space<vmem>>)
      %dma_start3A_109 = arith.constant 1 : i32
      %dma_start3A_110 = arith.constant 0 : i32
      %dma_start3A_111 = arith.constant 0 : i32
      %dma_start3A_112 = tpu.memref_slice %arg9[%dma_start3A_109, %dma_start3A_110, %dma_start3A_111] : memref<4x128x64xf32, #tpu.memory_space<vmem>> -> memref<1x128x64xf32, #tpu.memory_space<vmem>>
      %dma_start3A_113 = tpu.memref_squeeze %dma_start3A_112 : memref<1x128x64xf32, #tpu.memory_space<vmem>> -> memref<128x64xf32, #tpu.memory_space<vmem>>
      %dma_start3A_114 = arith.constant 0 : i32
      %dma_start3A_115 = tpu.memref_slice %arg8[%add3A_97, %dma_start3A_114] : memref<80x128xi32, #tpu.memory_space<vmem>> -> memref<1x128xi32, #tpu.memory_space<vmem>>
      %dma_start3A_116 = tpu.memref_squeeze %dma_start3A_115 : memref<1x128xi32, #tpu.memory_space<vmem>> -> memref<128xi32, #tpu.memory_space<vmem>>
      %dma_start3A_117 = arith.constant 0 : i32
      %dma_start3A_118 = arith.constant 0 : i32
      %dma_start3A_119 = tpu.memref_slice %arg10[%dma_start3A_117, %dma_start3A_118] : memref<10240x64xf32, #tpu.memory_space<vmem_shared>> -> memref<10240x64xf32, #tpu.memory_space<vmem_shared>>
      tpu.enqueue_indirect_dma source(%dma_start3A_113 : memref<128x64xf32, #tpu.memory_space<vmem>>) target(%dma_start3A_119 : memref<10240x64xf32, #tpu.memory_space<vmem_shared>>) offsets(%dma_start3A_116 : memref<128xi32, #tpu.memory_space<vmem>>) semaphore(%arg16 : memref<!tpu.dma_semaphore, #tpu.memory_space<semaphore_mem>>) {add = true}
      %ge3A_120 = arith.constant 2 : i32
      %ge3A_121 = arith.cmpi sge, %add3A_97, %ge3A_120 : i32
      %convert_element_type3A_122 = arith.extui %ge3A_121 : i1 to i32
      %cond3A_123 = arith.constant 0 : i32
      %cond3A_124 = arith.cmpi ne, %convert_element_type3A_122, %cond3A_123 : i32
      scf.if %cond3A_124 {
        %sub3A = arith.constant 2 : i32
        %sub3A_208 = arith.subi %add3A_97, %sub3A : i32
        %dma_wait3A_209 = arith.constant 3 : i32
        %dma_wait3A_210 = arith.constant 0 : i32
        %dma_wait3A_211 = arith.constant 0 : i32
        %dma_wait3A_212 = tpu.memref_slice %arg9[%dma_wait3A_209, %dma_wait3A_210, %dma_wait3A_211] : memref<4x128x64xf32, #tpu.memory_space<vmem>> -> memref<1x128x64xf32, #tpu.memory_space<vmem>>
        %dma_wait3A_213 = tpu.memref_squeeze %dma_wait3A_212 : memref<1x128x64xf32, #tpu.memory_space<vmem>> -> memref<128x64xf32, #tpu.memory_space<vmem>>
        %dma_wait3A_214 = arith.constant 0 : i32
        %dma_wait3A_215 = tpu.memref_slice %arg8[%sub3A_208, %dma_wait3A_214] : memref<80x128xi32, #tpu.memory_space<vmem>> -> memref<1x128xi32, #tpu.memory_space<vmem>>
        %dma_wait3A_216 = tpu.memref_squeeze %dma_wait3A_215 : memref<1x128xi32, #tpu.memory_space<vmem>> -> memref<128xi32, #tpu.memory_space<vmem>>
        %dma_wait3A_217 = arith.constant 0 : i32
        %dma_wait3A_218 = arith.constant 0 : i32
        %dma_wait3A_219 = tpu.memref_slice %arg10[%dma_wait3A_217, %dma_wait3A_218] : memref<10240x64xf32, #tpu.memory_space<vmem_shared>> -> memref<10240x64xf32, #tpu.memory_space<vmem_shared>>
        tpu.wait_indirect_dma semaphore(%arg18 : memref<!tpu.dma_semaphore, #tpu.memory_space<semaphore_mem>>) src(%dma_wait3A_213 : memref<128x64xf32, #tpu.memory_space<vmem>>) dst(%dma_wait3A_219 : memref<10240x64xf32, #tpu.memory_space<vmem_shared>>)
      } else {
      }
      %add3A_125 = arith.constant 2 : i32
      %add3A_126 = arith.addi %add3A_97, %add3A_125 : i32
      %lt3A_127 = arith.constant 80 : i32
      %lt3A_128 = arith.cmpi slt, %add3A_126, %lt3A_127 : i32
      %convert_element_type3A_129 = arith.extui %lt3A_128 : i1 to i32
      %cond3A_130 = arith.constant 0 : i32
      %cond3A_131 = arith.cmpi ne, %convert_element_type3A_129, %cond3A_130 : i32
      scf.if %cond3A_131 {
        %add3A_208 = arith.constant 2 : i32
        %add3A_209 = arith.addi %add3A_97, %add3A_208 : i32
        %dma_start3A_210 = arith.constant 3 : i32
        %dma_start3A_211 = arith.constant 0 : i32
        %dma_start3A_212 = arith.constant 0 : i32
        %dma_start3A_213 = tpu.memref_slice %arg9[%dma_start3A_210, %dma_start3A_211, %dma_start3A_212] : memref<4x128x64xf32, #tpu.memory_space<vmem>> -> memref<1x128x64xf32, #tpu.memory_space<vmem>>
        %dma_start3A_214 = tpu.memref_squeeze %dma_start3A_213 : memref<1x128x64xf32, #tpu.memory_space<vmem>> -> memref<128x64xf32, #tpu.memory_space<vmem>>
        %dma_start3A_215 = arith.constant 0 : i32
        %dma_start3A_216 = tpu.memref_slice %arg7[%add3A_209, %dma_start3A_215] : memref<80x128xi32, #tpu.memory_space<vmem>> -> memref<1x128xi32, #tpu.memory_space<vmem>>
        %dma_start3A_217 = tpu.memref_squeeze %dma_start3A_216 : memref<1x128xi32, #tpu.memory_space<vmem>> -> memref<128xi32, #tpu.memory_space<vmem>>
        %dma_start3A_218 = arith.constant 0 : i32
        %dma_start3A_219 = arith.constant 0 : i32
        %dma_start3A_220 = tpu.memref_slice %arg2[%dma_start3A_218, %dma_start3A_219] : memref<10240x64xf32, #tpu.memory_space<hbm>> -> memref<10240x64xf32, #tpu.memory_space<hbm>>
        tpu.enqueue_indirect_dma source(%dma_start3A_220 : memref<10240x64xf32, #tpu.memory_space<hbm>>) target(%dma_start3A_214 : memref<128x64xf32, #tpu.memory_space<vmem>>) offsets(%dma_start3A_217 : memref<128xi32, #tpu.memory_space<vmem>>) semaphore(%arg14 : memref<!tpu.dma_semaphore, #tpu.memory_space<semaphore_mem>>)
      } else {
      }
      %mul3A_132 = arith.constant 4 : i32
      %mul3A_133 = arith.muli %mul3A_132, %scan3A_59 : i32
      %add3A_134 = arith.constant 2 : i32
      %add3A_135 = arith.addi %mul3A_133, %add3A_134 : i32
      %dma_wait3A_136 = arith.constant 2 : i32
      %dma_wait3A_137 = arith.constant 0 : i32
      %dma_wait3A_138 = arith.constant 0 : i32
      %dma_wait3A_139 = tpu.memref_slice %arg9[%dma_wait3A_136, %dma_wait3A_137, %dma_wait3A_138] : memref<4x128x64xf32, #tpu.memory_space<vmem>> -> memref<1x128x64xf32, #tpu.memory_space<vmem>>
      %dma_wait3A_140 = tpu.memref_squeeze %dma_wait3A_139 : memref<1x128x64xf32, #tpu.memory_space<vmem>> -> memref<128x64xf32, #tpu.memory_space<vmem>>
      %dma_wait3A_141 = arith.constant 0 : i32
      %dma_wait3A_142 = tpu.memref_slice %arg7[%add3A_135, %dma_wait3A_141] : memref<80x128xi32, #tpu.memory_space<vmem>> -> memref<1x128xi32, #tpu.memory_space<vmem>>
      %dma_wait3A_143 = tpu.memref_squeeze %dma_wait3A_142 : memref<1x128xi32, #tpu.memory_space<vmem>> -> memref<128xi32, #tpu.memory_space<vmem>>
      %dma_wait3A_144 = arith.constant 0 : i32
      %dma_wait3A_145 = arith.constant 0 : i32
      %dma_wait3A_146 = tpu.memref_slice %arg2[%dma_wait3A_144, %dma_wait3A_145] : memref<10240x64xf32, #tpu.memory_space<hbm>> -> memref<10240x64xf32, #tpu.memory_space<hbm>>
      tpu.wait_indirect_dma semaphore(%arg13 : memref<!tpu.dma_semaphore, #tpu.memory_space<semaphore_mem>>) src(%dma_wait3A_146 : memref<10240x64xf32, #tpu.memory_space<hbm>>) dst(%dma_wait3A_140 : memref<128x64xf32, #tpu.memory_space<vmem>>)
      %dma_start3A_147 = arith.constant 2 : i32
      %dma_start3A_148 = arith.constant 0 : i32
      %dma_start3A_149 = arith.constant 0 : i32
      %dma_start3A_150 = tpu.memref_slice %arg9[%dma_start3A_147, %dma_start3A_148, %dma_start3A_149] : memref<4x128x64xf32, #tpu.memory_space<vmem>> -> memref<1x128x64xf32, #tpu.memory_space<vmem>>
      %dma_start3A_151 = tpu.memref_squeeze %dma_start3A_150 : memref<1x128x64xf32, #tpu.memory_space<vmem>> -> memref<128x64xf32, #tpu.memory_space<vmem>>
      %dma_start3A_152 = arith.constant 0 : i32
      %dma_start3A_153 = tpu.memref_slice %arg8[%add3A_135, %dma_start3A_152] : memref<80x128xi32, #tpu.memory_space<vmem>> -> memref<1x128xi32, #tpu.memory_space<vmem>>
      %dma_start3A_154 = tpu.memref_squeeze %dma_start3A_153 : memref<1x128xi32, #tpu.memory_space<vmem>> -> memref<128xi32, #tpu.memory_space<vmem>>
      %dma_start3A_155 = arith.constant 0 : i32
      %dma_start3A_156 = arith.constant 0 : i32
      %dma_start3A_157 = tpu.memref_slice %arg10[%dma_start3A_155, %dma_start3A_156] : memref<10240x64xf32, #tpu.memory_space<vmem_shared>> -> memref<10240x64xf32, #tpu.memory_space<vmem_shared>>
      tpu.enqueue_indirect_dma source(%dma_start3A_151 : memref<128x64xf32, #tpu.memory_space<vmem>>) target(%dma_start3A_157 : memref<10240x64xf32, #tpu.memory_space<vmem_shared>>) offsets(%dma_start3A_154 : memref<128xi32, #tpu.memory_space<vmem>>) semaphore(%arg17 : memref<!tpu.dma_semaphore, #tpu.memory_space<semaphore_mem>>) {add = true}
      %ge3A_158 = arith.constant 2 : i32
      %ge3A_159 = arith.cmpi sge, %add3A_135, %ge3A_158 : i32
      %convert_element_type3A_160 = arith.extui %ge3A_159 : i1 to i32
      %cond3A_161 = arith.constant 0 : i32
      %cond3A_162 = arith.cmpi ne, %convert_element_type3A_160, %cond3A_161 : i32
      scf.if %cond3A_162 {
        %sub3A = arith.constant 2 : i32
        %sub3A_208 = arith.subi %add3A_135, %sub3A : i32
        %dma_wait3A_209 = arith.constant 0 : i32
        %dma_wait3A_210 = arith.constant 0 : i32
        %dma_wait3A_211 = arith.constant 0 : i32
        %dma_wait3A_212 = tpu.memref_slice %arg9[%dma_wait3A_209, %dma_wait3A_210, %dma_wait3A_211] : memref<4x128x64xf32, #tpu.memory_space<vmem>> -> memref<1x128x64xf32, #tpu.memory_space<vmem>>
        %dma_wait3A_213 = tpu.memref_squeeze %dma_wait3A_212 : memref<1x128x64xf32, #tpu.memory_space<vmem>> -> memref<128x64xf32, #tpu.memory_space<vmem>>
        %dma_wait3A_214 = arith.constant 0 : i32
        %dma_wait3A_215 = tpu.memref_slice %arg8[%sub3A_208, %dma_wait3A_214] : memref<80x128xi32, #tpu.memory_space<vmem>> -> memref<1x128xi32, #tpu.memory_space<vmem>>
        %dma_wait3A_216 = tpu.memref_squeeze %dma_wait3A_215 : memref<1x128xi32, #tpu.memory_space<vmem>> -> memref<128xi32, #tpu.memory_space<vmem>>
        %dma_wait3A_217 = arith.constant 0 : i32
        %dma_wait3A_218 = arith.constant 0 : i32
        %dma_wait3A_219 = tpu.memref_slice %arg10[%dma_wait3A_217, %dma_wait3A_218] : memref<10240x64xf32, #tpu.memory_space<vmem_shared>> -> memref<10240x64xf32, #tpu.memory_space<vmem_shared>>
        tpu.wait_indirect_dma semaphore(%arg15 : memref<!tpu.dma_semaphore, #tpu.memory_space<semaphore_mem>>) src(%dma_wait3A_213 : memref<128x64xf32, #tpu.memory_space<vmem>>) dst(%dma_wait3A_219 : memref<10240x64xf32, #tpu.memory_space<vmem_shared>>)
      } else {
      }
      %add3A_163 = arith.constant 2 : i32
      %add3A_164 = arith.addi %add3A_135, %add3A_163 : i32
      %lt3A_165 = arith.constant 80 : i32
      %lt3A_166 = arith.cmpi slt, %add3A_164, %lt3A_165 : i32
      %convert_element_type3A_167 = arith.extui %lt3A_166 : i1 to i32
      %cond3A_168 = arith.constant 0 : i32
      %cond3A_169 = arith.cmpi ne, %convert_element_type3A_167, %cond3A_168 : i32
      scf.if %cond3A_169 {
        %add3A_208 = arith.constant 2 : i32
        %add3A_209 = arith.addi %add3A_135, %add3A_208 : i32
        %dma_start3A_210 = arith.constant 0 : i32
        %dma_start3A_211 = arith.constant 0 : i32
        %dma_start3A_212 = arith.constant 0 : i32
        %dma_start3A_213 = tpu.memref_slice %arg9[%dma_start3A_210, %dma_start3A_211, %dma_start3A_212] : memref<4x128x64xf32, #tpu.memory_space<vmem>> -> memref<1x128x64xf32, #tpu.memory_space<vmem>>
        %dma_start3A_214 = tpu.memref_squeeze %dma_start3A_213 : memref<1x128x64xf32, #tpu.memory_space<vmem>> -> memref<128x64xf32, #tpu.memory_space<vmem>>
        %dma_start3A_215 = arith.constant 0 : i32
        %dma_start3A_216 = tpu.memref_slice %arg7[%add3A_209, %dma_start3A_215] : memref<80x128xi32, #tpu.memory_space<vmem>> -> memref<1x128xi32, #tpu.memory_space<vmem>>
        %dma_start3A_217 = tpu.memref_squeeze %dma_start3A_216 : memref<1x128xi32, #tpu.memory_space<vmem>> -> memref<128xi32, #tpu.memory_space<vmem>>
        %dma_start3A_218 = arith.constant 0 : i32
        %dma_start3A_219 = arith.constant 0 : i32
        %dma_start3A_220 = tpu.memref_slice %arg2[%dma_start3A_218, %dma_start3A_219] : memref<10240x64xf32, #tpu.memory_space<hbm>> -> memref<10240x64xf32, #tpu.memory_space<hbm>>
        tpu.enqueue_indirect_dma source(%dma_start3A_220 : memref<10240x64xf32, #tpu.memory_space<hbm>>) target(%dma_start3A_214 : memref<128x64xf32, #tpu.memory_space<vmem>>) offsets(%dma_start3A_217 : memref<128xi32, #tpu.memory_space<vmem>>) semaphore(%arg11 : memref<!tpu.dma_semaphore, #tpu.memory_space<semaphore_mem>>)
      } else {
      }
      %mul3A_170 = arith.constant 4 : i32
      %mul3A_171 = arith.muli %mul3A_170, %scan3A_59 : i32
      %add3A_172 = arith.constant 3 : i32
      %add3A_173 = arith.addi %mul3A_171, %add3A_172 : i32
      %dma_wait3A_174 = arith.constant 3 : i32
      %dma_wait3A_175 = arith.constant 0 : i32
      %dma_wait3A_176 = arith.constant 0 : i32
      %dma_wait3A_177 = tpu.memref_slice %arg9[%dma_wait3A_174, %dma_wait3A_175, %dma_wait3A_176] : memref<4x128x64xf32, #tpu.memory_space<vmem>> -> memref<1x128x64xf32, #tpu.memory_space<vmem>>
      %dma_wait3A_178 = tpu.memref_squeeze %dma_wait3A_177 : memref<1x128x64xf32, #tpu.memory_space<vmem>> -> memref<128x64xf32, #tpu.memory_space<vmem>>
      %dma_wait3A_179 = arith.constant 0 : i32
      %dma_wait3A_180 = tpu.memref_slice %arg7[%add3A_173, %dma_wait3A_179] : memref<80x128xi32, #tpu.memory_space<vmem>> -> memref<1x128xi32, #tpu.memory_space<vmem>>
      %dma_wait3A_181 = tpu.memref_squeeze %dma_wait3A_180 : memref<1x128xi32, #tpu.memory_space<vmem>> -> memref<128xi32, #tpu.memory_space<vmem>>
      %dma_wait3A_182 = arith.constant 0 : i32
      %dma_wait3A_183 = arith.constant 0 : i32
      %dma_wait3A_184 = tpu.memref_slice %arg2[%dma_wait3A_182, %dma_wait3A_183] : memref<10240x64xf32, #tpu.memory_space<hbm>> -> memref<10240x64xf32, #tpu.memory_space<hbm>>
      tpu.wait_indirect_dma semaphore(%arg14 : memref<!tpu.dma_semaphore, #tpu.memory_space<semaphore_mem>>) src(%dma_wait3A_184 : memref<10240x64xf32, #tpu.memory_space<hbm>>) dst(%dma_wait3A_178 : memref<128x64xf32, #tpu.memory_space<vmem>>)
      %dma_start3A_185 = arith.constant 3 : i32
      %dma_start3A_186 = arith.constant 0 : i32
      %dma_start3A_187 = arith.constant 0 : i32
      %dma_start3A_188 = tpu.memref_slice %arg9[%dma_start3A_185, %dma_start3A_186, %dma_start3A_187] : memref<4x128x64xf32, #tpu.memory_space<vmem>> -> memref<1x128x64xf32, #tpu.memory_space<vmem>>
      %dma_start3A_189 = tpu.memref_squeeze %dma_start3A_188 : memref<1x128x64xf32, #tpu.memory_space<vmem>> -> memref<128x64xf32, #tpu.memory_space<vmem>>
      %dma_start3A_190 = arith.constant 0 : i32
      %dma_start3A_191 = tpu.memref_slice %arg8[%add3A_173, %dma_start3A_190] : memref<80x128xi32, #tpu.memory_space<vmem>> -> memref<1x128xi32, #tpu.memory_space<vmem>>
      %dma_start3A_192 = tpu.memref_squeeze %dma_start3A_191 : memref<1x128xi32, #tpu.memory_space<vmem>> -> memref<128xi32, #tpu.memory_space<vmem>>
      %dma_start3A_193 = arith.constant 0 : i32
      %dma_start3A_194 = arith.constant 0 : i32
      %dma_start3A_195 = tpu.memref_slice %arg10[%dma_start3A_193, %dma_start3A_194] : memref<10240x64xf32, #tpu.memory_space<vmem_shared>> -> memref<10240x64xf32, #tpu.memory_space<vmem_shared>>
      tpu.enqueue_indirect_dma source(%dma_start3A_189 : memref<128x64xf32, #tpu.memory_space<vmem>>) target(%dma_start3A_195 : memref<10240x64xf32, #tpu.memory_space<vmem_shared>>) offsets(%dma_start3A_192 : memref<128xi32, #tpu.memory_space<vmem>>) semaphore(%arg18 : memref<!tpu.dma_semaphore, #tpu.memory_space<semaphore_mem>>) {add = true}
      %ge3A_196 = arith.constant 2 : i32
      %ge3A_197 = arith.cmpi sge, %add3A_173, %ge3A_196 : i32
      %convert_element_type3A_198 = arith.extui %ge3A_197 : i1 to i32
      %cond3A_199 = arith.constant 0 : i32
      %cond3A_200 = arith.cmpi ne, %convert_element_type3A_198, %cond3A_199 : i32
      scf.if %cond3A_200 {
        %sub3A = arith.constant 2 : i32
        %sub3A_208 = arith.subi %add3A_173, %sub3A : i32
        %dma_wait3A_209 = arith.constant 1 : i32
        %dma_wait3A_210 = arith.constant 0 : i32
        %dma_wait3A_211 = arith.constant 0 : i32
        %dma_wait3A_212 = tpu.memref_slice %arg9[%dma_wait3A_209, %dma_wait3A_210, %dma_wait3A_211] : memref<4x128x64xf32, #tpu.memory_space<vmem>> -> memref<1x128x64xf32, #tpu.memory_space<vmem>>
        %dma_wait3A_213 = tpu.memref_squeeze %dma_wait3A_212 : memref<1x128x64xf32, #tpu.memory_space<vmem>> -> memref<128x64xf32, #tpu.memory_space<vmem>>
        %dma_wait3A_214 = arith.constant 0 : i32
        %dma_wait3A_215 = tpu.memref_slice %arg8[%sub3A_208, %dma_wait3A_214] : memref<80x128xi32, #tpu.memory_space<vmem>> -> memref<1x128xi32, #tpu.memory_space<vmem>>
        %dma_wait3A_216 = tpu.memref_squeeze %dma_wait3A_215 : memref<1x128xi32, #tpu.memory_space<vmem>> -> memref<128xi32, #tpu.memory_space<vmem>>
        %dma_wait3A_217 = arith.constant 0 : i32
        %dma_wait3A_218 = arith.constant 0 : i32
        %dma_wait3A_219 = tpu.memref_slice %arg10[%dma_wait3A_217, %dma_wait3A_218] : memref<10240x64xf32, #tpu.memory_space<vmem_shared>> -> memref<10240x64xf32, #tpu.memory_space<vmem_shared>>
        tpu.wait_indirect_dma semaphore(%arg16 : memref<!tpu.dma_semaphore, #tpu.memory_space<semaphore_mem>>) src(%dma_wait3A_213 : memref<128x64xf32, #tpu.memory_space<vmem>>) dst(%dma_wait3A_219 : memref<10240x64xf32, #tpu.memory_space<vmem_shared>>)
      } else {
      }
      %add3A_201 = arith.constant 2 : i32
      %add3A_202 = arith.addi %add3A_173, %add3A_201 : i32
      %lt3A_203 = arith.constant 80 : i32
      %lt3A_204 = arith.cmpi slt, %add3A_202, %lt3A_203 : i32
      %convert_element_type3A_205 = arith.extui %lt3A_204 : i1 to i32
      %cond3A_206 = arith.constant 0 : i32
      %cond3A_207 = arith.cmpi ne, %convert_element_type3A_205, %cond3A_206 : i32
      scf.if %cond3A_207 {
        %add3A_208 = arith.constant 2 : i32
        %add3A_209 = arith.addi %add3A_173, %add3A_208 : i32
        %dma_start3A_210 = arith.constant 1 : i32
        %dma_start3A_211 = arith.constant 0 : i32
        %dma_start3A_212 = arith.constant 0 : i32
        %dma_start3A_213 = tpu.memref_slice %arg9[%dma_start3A_210, %dma_start3A_211, %dma_start3A_212] : memref<4x128x64xf32, #tpu.memory_space<vmem>> -> memref<1x128x64xf32, #tpu.memory_space<vmem>>
        %dma_start3A_214 = tpu.memref_squeeze %dma_start3A_213 : memref<1x128x64xf32, #tpu.memory_space<vmem>> -> memref<128x64xf32, #tpu.memory_space<vmem>>
        %dma_start3A_215 = arith.constant 0 : i32
        %dma_start3A_216 = tpu.memref_slice %arg7[%add3A_209, %dma_start3A_215] : memref<80x128xi32, #tpu.memory_space<vmem>> -> memref<1x128xi32, #tpu.memory_space<vmem>>
        %dma_start3A_217 = tpu.memref_squeeze %dma_start3A_216 : memref<1x128xi32, #tpu.memory_space<vmem>> -> memref<128xi32, #tpu.memory_space<vmem>>
        %dma_start3A_218 = arith.constant 0 : i32
        %dma_start3A_219 = arith.constant 0 : i32
        %dma_start3A_220 = tpu.memref_slice %arg2[%dma_start3A_218, %dma_start3A_219] : memref<10240x64xf32, #tpu.memory_space<hbm>> -> memref<10240x64xf32, #tpu.memory_space<hbm>>
        tpu.enqueue_indirect_dma source(%dma_start3A_220 : memref<10240x64xf32, #tpu.memory_space<hbm>>) target(%dma_start3A_214 : memref<128x64xf32, #tpu.memory_space<vmem>>) offsets(%dma_start3A_217 : memref<128xi32, #tpu.memory_space<vmem>>) semaphore(%arg12 : memref<!tpu.dma_semaphore, #tpu.memory_space<semaphore_mem>>)
      } else {
      }
    }
    %scan3A_30 = arith.constant 20 : i32
    %dma_wait3A = arith.constant 2 : i32
    %dma_wait3A_31 = arith.constant 78 : i32
    %dma_wait3A_32 = arith.constant 0 : i32
    %dma_wait3A_33 = arith.constant 0 : i32
    %dma_wait3A_34 = tpu.memref_slice %arg9[%dma_wait3A, %dma_wait3A_32, %dma_wait3A_33] : memref<4x128x64xf32, #tpu.memory_space<vmem>> -> memref<1x128x64xf32, #tpu.memory_space<vmem>>
    %dma_wait3A_35 = tpu.memref_squeeze %dma_wait3A_34 : memref<1x128x64xf32, #tpu.memory_space<vmem>> -> memref<128x64xf32, #tpu.memory_space<vmem>>
    %dma_wait3A_36 = arith.constant 0 : i32
    %dma_wait3A_37 = tpu.memref_slice %arg8[%dma_wait3A_31, %dma_wait3A_36] : memref<80x128xi32, #tpu.memory_space<vmem>> -> memref<1x128xi32, #tpu.memory_space<vmem>>
    %dma_wait3A_38 = tpu.memref_squeeze %dma_wait3A_37 : memref<1x128xi32, #tpu.memory_space<vmem>> -> memref<128xi32, #tpu.memory_space<vmem>>
    %dma_wait3A_39 = arith.constant 0 : i32
    %dma_wait3A_40 = arith.constant 0 : i32
    %dma_wait3A_41 = tpu.memref_slice %arg10[%dma_wait3A_39, %dma_wait3A_40] : memref<10240x64xf32, #tpu.memory_space<vmem_shared>> -> memref<10240x64xf32, #tpu.memory_space<vmem_shared>>
    tpu.wait_indirect_dma semaphore(%arg17 : memref<!tpu.dma_semaphore, #tpu.memory_space<semaphore_mem>>) src(%dma_wait3A_35 : memref<128x64xf32, #tpu.memory_space<vmem>>) dst(%dma_wait3A_41 : memref<10240x64xf32, #tpu.memory_space<vmem_shared>>)
    %dma_wait3A_42 = arith.constant 3 : i32
    %dma_wait3A_43 = arith.constant 79 : i32
    %dma_wait3A_44 = arith.constant 0 : i32
    %dma_wait3A_45 = arith.constant 0 : i32
    %dma_wait3A_46 = tpu.memref_slice %arg9[%dma_wait3A_42, %dma_wait3A_44, %dma_wait3A_45] : memref<4x128x64xf32, #tpu.memory_space<vmem>> -> memref<1x128x64xf32, #tpu.memory_space<vmem>>
    %dma_wait3A_47 = tpu.memref_squeeze %dma_wait3A_46 : memref<1x128x64xf32, #tpu.memory_space<vmem>> -> memref<128x64xf32, #tpu.memory_space<vmem>>
    %dma_wait3A_48 = arith.constant 0 : i32
    %dma_wait3A_49 = tpu.memref_slice %arg8[%dma_wait3A_43, %dma_wait3A_48] : memref<80x128xi32, #tpu.memory_space<vmem>> -> memref<1x128xi32, #tpu.memory_space<vmem>>
    %dma_wait3A_50 = tpu.memref_squeeze %dma_wait3A_49 : memref<1x128xi32, #tpu.memory_space<vmem>> -> memref<128xi32, #tpu.memory_space<vmem>>
    %dma_wait3A_51 = arith.constant 0 : i32
    %dma_wait3A_52 = arith.constant 0 : i32
    %dma_wait3A_53 = tpu.memref_slice %arg10[%dma_wait3A_51, %dma_wait3A_52] : memref<10240x64xf32, #tpu.memory_space<vmem_shared>> -> memref<10240x64xf32, #tpu.memory_space<vmem_shared>>
    tpu.wait_indirect_dma semaphore(%arg18 : memref<!tpu.dma_semaphore, #tpu.memory_space<semaphore_mem>>) src(%dma_wait3A_47 : memref<128x64xf32, #tpu.memory_space<vmem>>) dst(%dma_wait3A_53 : memref<10240x64xf32, #tpu.memory_space<vmem_shared>>)
    %barrier3A_54 = arith.constant 0 : index
    tpu.barrier barrier_id(%barrier3A_54)
    %mul3A_55 = arith.constant 640 : i32
    %mul3A_56 = arith.muli %arg1, %mul3A_55 : i32
    %mul3A_57 = arith.constant 640 : i32
    %mul3A_58 = arith.muli %arg1, %mul3A_57 : i32
    "tpu.region"() ({
      %run_scoped3A = tpu.sem_alloc : memref<!tpu.dma_semaphore, #tpu.memory_space<semaphore_mem>>
      %dma_start3A_59 = arith.constant 0 : i32
      %dma_start3A_60 = tpu.memref_slice %arg6[%arg0, %mul3A_58, %dma_start3A_59] : memref<2x10240x64xf32, #tpu.memory_space<hbm>> -> memref<1x640x64xf32, #tpu.memory_space<hbm>>
      %dma_start3A_61 = tpu.memref_squeeze %dma_start3A_60 : memref<1x640x64xf32, #tpu.memory_space<hbm>> -> memref<640x64xf32, #tpu.memory_space<hbm>>
      %dma_start3A_62 = arith.constant 0 : i32
      %dma_start3A_63 = tpu.memref_slice %arg10[%mul3A_56, %dma_start3A_62] : memref<10240x64xf32, #tpu.memory_space<vmem_shared>> -> memref<640x64xf32, #tpu.memory_space<vmem_shared>>
      tpu.enqueue_dma source(%dma_start3A_63 : memref<640x64xf32, #tpu.memory_space<vmem_shared>>) target(%dma_start3A_61 : memref<640x64xf32, #tpu.memory_space<hbm>>) target_semaphore(%run_scoped3A : memref<!tpu.dma_semaphore, #tpu.memory_space<semaphore_mem>>)
      %dma_wait3A_64 = arith.constant 0 : i32
      %dma_wait3A_65 = tpu.memref_slice %arg6[%arg0, %mul3A_58, %dma_wait3A_64] : memref<2x10240x64xf32, #tpu.memory_space<hbm>> -> memref<1x640x64xf32, #tpu.memory_space<hbm>>
      %dma_wait3A_66 = tpu.memref_squeeze %dma_wait3A_65 : memref<1x640x64xf32, #tpu.memory_space<hbm>> -> memref<640x64xf32, #tpu.memory_space<hbm>>
      %dma_wait3A_67 = arith.constant 0 : i32
      %dma_wait3A_68 = tpu.memref_slice %arg10[%mul3A_56, %dma_wait3A_67] : memref<10240x64xf32, #tpu.memory_space<vmem_shared>> -> memref<640x64xf32, #tpu.memory_space<vmem_shared>>
      tpu.wait_dma2 semaphore(%run_scoped3A : memref<!tpu.dma_semaphore, #tpu.memory_space<semaphore_mem>>) src(%dma_wait3A_68 : memref<640x64xf32, #tpu.memory_space<vmem_shared>>) dst(%dma_wait3A_66 : memref<640x64xf32, #tpu.memory_space<hbm>>)
      tpu.yield
    }) : () -> ()
    return
  }
}

#map = affine_map<(d0, d1) -> (0, 0)>
#map1 = affine_map<(d0, d1) -> (0, 0, 0)>
module attributes {stable_mosaic.version = 14 : i64} {
  func.func @body(%arg0: i32, %arg1: i32, %arg2: memref<10000x32xf32, #tpu.memory_space<hbm>>, %arg3: memref<32x80x128xi32, #tpu.memory_space<hbm>>, %arg4: memref<32x80x128xi32, #tpu.memory_space<hbm>>, %arg5: memref<640x32xf32, #tpu.memory_space<hbm>>, %arg6: memref<2x10240x32xf32, #tpu.memory_space<hbm>>, %arg7: memref<80x128xi32, #tpu.memory_space<vmem>>, %arg8: memref<80x128xi32, #tpu.memory_space<vmem>>, %arg9: memref<4x128x32xf32, #tpu.memory_space<vmem>>, %arg10: memref<10240x32xf32, #tpu.memory_space<vmem_shared>>, %arg11: memref<!tpu.dma_semaphore, #tpu.memory_space<semaphore_mem>>, %arg12: memref<!tpu.dma_semaphore, #tpu.memory_space<semaphore_mem>>, %arg13: memref<!tpu.dma_semaphore, #tpu.memory_space<semaphore_mem>>, %arg14: memref<!tpu.dma_semaphore, #tpu.memory_space<semaphore_mem>>, %arg15: memref<!tpu.dma_semaphore, #tpu.memory_space<semaphore_mem>>, %arg16: memref<!tpu.dma_semaphore, #tpu.memory_space<semaphore_mem>>, %arg17: memref<!tpu.dma_semaphore, #tpu.memory_space<semaphore_mem>>, %arg18: memref<!tpu.dma_semaphore, #tpu.memory_space<semaphore_mem>>) attributes {dimension_semantics = [#tpu.dimension_semantics<core_parallel>, #tpu.dimension_semantics<subcore_parallel>], iteration_bounds = array<i64: 2, 16>, scalar_prefetch = 0 : i64, scratch_operands = 12 : i64, tpu.core_type = #tpu.core_type<sc_vector_subcore>, window_params = [{transform_indices = #map}, {transform_indices = #map1}, {transform_indices = #map1}, {transform_indices = #map}, {transform_indices = #map1}]} {
    %mul3A = arith.constant 16 : i32
    %mul3A_0 = arith.muli %arg0, %mul3A : i32
    %add3A = arith.addi %mul3A_0, %arg1 : i32
    %mul3A_1 = arith.constant 640 : i32
    %mul3A_2 = arith.muli %arg1, %mul3A_1 : i32
    "tpu.region"() ({
      %run_scoped3A = tpu.sem_alloc : memref<!tpu.dma_semaphore, #tpu.memory_space<semaphore_mem>>
      %dma_start3A_59 = arith.constant 0 : i32
      %dma_start3A_60 = tpu.memref_slice %arg10[%mul3A_2, %dma_start3A_59] : memref<10240x32xf32, #tpu.memory_space<vmem_shared>> -> memref<640x32xf32, #tpu.memory_space<vmem_shared>>
      tpu.enqueue_dma source(%arg5 : memref<640x32xf32, #tpu.memory_space<hbm>>) target(%dma_start3A_60 : memref<640x32xf32, #tpu.memory_space<vmem_shared>>) target_semaphore(%run_scoped3A : memref<!tpu.dma_semaphore, #tpu.memory_space<semaphore_mem>>)
      %dma_wait3A_61 = arith.constant 0 : i32
      %dma_wait3A_62 = tpu.memref_slice %arg10[%mul3A_2, %dma_wait3A_61] : memref<10240x32xf32, #tpu.memory_space<vmem_shared>> -> memref<640x32xf32, #tpu.memory_space<vmem_shared>>
      tpu.wait_dma2 semaphore(%run_scoped3A : memref<!tpu.dma_semaphore, #tpu.memory_space<semaphore_mem>>) src(%arg5 : memref<640x32xf32, #tpu.memory_space<hbm>>) dst(%dma_wait3A_62 : memref<640x32xf32, #tpu.memory_space<vmem_shared>>)
      tpu.yield
    }) : () -> ()
    "tpu.region"() ({
      %run_scoped3A = tpu.sem_alloc : memref<!tpu.dma_semaphore, #tpu.memory_space<semaphore_mem>>
      %dma_start3A_59 = arith.constant 0 : i32
      %dma_start3A_60 = arith.constant 0 : i32
      %dma_start3A_61 = tpu.memref_slice %arg3[%add3A, %dma_start3A_59, %dma_start3A_60] : memref<32x80x128xi32, #tpu.memory_space<hbm>> -> memref<1x80x128xi32, #tpu.memory_space<hbm>>
      %dma_start3A_62 = tpu.memref_squeeze %dma_start3A_61 : memref<1x80x128xi32, #tpu.memory_space<hbm>> -> memref<80x128xi32, #tpu.memory_space<hbm>>
      %dma_start3A_63 = arith.constant 0 : i32
      %dma_start3A_64 = arith.constant 0 : i32
      %dma_start3A_65 = tpu.memref_slice %arg3[%add3A, %dma_start3A_63, %dma_start3A_64] : memref<32x80x128xi32, #tpu.memory_space<hbm>> -> memref<1x80x128xi32, #tpu.memory_space<hbm>>
      %dma_start3A_66 = tpu.memref_squeeze %dma_start3A_65 : memref<1x80x128xi32, #tpu.memory_space<hbm>> -> memref<80x128xi32, #tpu.memory_space<hbm>>
      tpu.enqueue_dma source(%dma_start3A_66 : memref<80x128xi32, #tpu.memory_space<hbm>>) target(%arg7 : memref<80x128xi32, #tpu.memory_space<vmem>>) target_semaphore(%run_scoped3A : memref<!tpu.dma_semaphore, #tpu.memory_space<semaphore_mem>>)
      %dma_wait3A_67 = arith.constant 0 : i32
      %dma_wait3A_68 = arith.constant 0 : i32
      %dma_wait3A_69 = tpu.memref_slice %arg3[%add3A, %dma_wait3A_67, %dma_wait3A_68] : memref<32x80x128xi32, #tpu.memory_space<hbm>> -> memref<1x80x128xi32, #tpu.memory_space<hbm>>
      %dma_wait3A_70 = tpu.memref_squeeze %dma_wait3A_69 : memref<1x80x128xi32, #tpu.memory_space<hbm>> -> memref<80x128xi32, #tpu.memory_space<hbm>>
      %dma_wait3A_71 = arith.constant 0 : i32
      %dma_wait3A_72 = arith.constant 0 : i32
      %dma_wait3A_73 = tpu.memref_slice %arg3[%add3A, %dma_wait3A_71, %dma_wait3A_72] : memref<32x80x128xi32, #tpu.memory_space<hbm>> -> memref<1x80x128xi32, #tpu.memory_space<hbm>>
      %dma_wait3A_74 = tpu.memref_squeeze %dma_wait3A_73 : memref<1x80x128xi32, #tpu.memory_space<hbm>> -> memref<80x128xi32, #tpu.memory_space<hbm>>
      tpu.wait_dma2 semaphore(%run_scoped3A : memref<!tpu.dma_semaphore, #tpu.memory_space<semaphore_mem>>) src(%dma_wait3A_74 : memref<80x128xi32, #tpu.memory_space<hbm>>) dst(%arg7 : memref<80x128xi32, #tpu.memory_space<vmem>>)
      tpu.yield
    }) : () -> ()
    "tpu.region"() ({
      %run_scoped3A = tpu.sem_alloc : memref<!tpu.dma_semaphore, #tpu.memory_space<semaphore_mem>>
      %dma_start3A_59 = arith.constant 0 : i32
      %dma_start3A_60 = arith.constant 0 : i32
      %dma_start3A_61 = tpu.memref_slice %arg4[%add3A, %dma_start3A_59, %dma_start3A_60] : memref<32x80x128xi32, #tpu.memory_space<hbm>> -> memref<1x80x128xi32, #tpu.memory_space<hbm>>
      %dma_start3A_62 = tpu.memref_squeeze %dma_start3A_61 : memref<1x80x128xi32, #tpu.memory_space<hbm>> -> memref<80x128xi32, #tpu.memory_space<hbm>>
      %dma_start3A_63 = arith.constant 0 : i32
      %dma_start3A_64 = arith.constant 0 : i32
      %dma_start3A_65 = tpu.memref_slice %arg4[%add3A, %dma_start3A_63, %dma_start3A_64] : memref<32x80x128xi32, #tpu.memory_space<hbm>> -> memref<1x80x128xi32, #tpu.memory_space<hbm>>
      %dma_start3A_66 = tpu.memref_squeeze %dma_start3A_65 : memref<1x80x128xi32, #tpu.memory_space<hbm>> -> memref<80x128xi32, #tpu.memory_space<hbm>>
      tpu.enqueue_dma source(%dma_start3A_66 : memref<80x128xi32, #tpu.memory_space<hbm>>) target(%arg8 : memref<80x128xi32, #tpu.memory_space<vmem>>) target_semaphore(%run_scoped3A : memref<!tpu.dma_semaphore, #tpu.memory_space<semaphore_mem>>)
      %dma_wait3A_67 = arith.constant 0 : i32
      %dma_wait3A_68 = arith.constant 0 : i32
      %dma_wait3A_69 = tpu.memref_slice %arg4[%add3A, %dma_wait3A_67, %dma_wait3A_68] : memref<32x80x128xi32, #tpu.memory_space<hbm>> -> memref<1x80x128xi32, #tpu.memory_space<hbm>>
      %dma_wait3A_70 = tpu.memref_squeeze %dma_wait3A_69 : memref<1x80x128xi32, #tpu.memory_space<hbm>> -> memref<80x128xi32, #tpu.memory_space<hbm>>
      %dma_wait3A_71 = arith.constant 0 : i32
      %dma_wait3A_72 = arith.constant 0 : i32
      %dma_wait3A_73 = tpu.memref_slice %arg4[%add3A, %dma_wait3A_71, %dma_wait3A_72] : memref<32x80x128xi32, #tpu.memory_space<hbm>> -> memref<1x80x128xi32, #tpu.memory_space<hbm>>
      %dma_wait3A_74 = tpu.memref_squeeze %dma_wait3A_73 : memref<1x80x128xi32, #tpu.memory_space<hbm>> -> memref<80x128xi32, #tpu.memory_space<hbm>>
      tpu.wait_dma2 semaphore(%run_scoped3A : memref<!tpu.dma_semaphore, #tpu.memory_space<semaphore_mem>>) src(%dma_wait3A_74 : memref<80x128xi32, #tpu.memory_space<hbm>>) dst(%arg8 : memref<80x128xi32, #tpu.memory_space<vmem>>)
      tpu.yield
    }) : () -> ()
    %barrier3A = arith.constant 0 : index
    tpu.barrier barrier_id(%barrier3A)
    %dma_start3A = arith.constant 0 : i32
    %dma_start3A_3 = arith.constant 0 : i32
    %dma_start3A_4 = arith.constant 0 : i32
    %dma_start3A_5 = arith.constant 0 : i32
    %dma_start3A_6 = tpu.memref_slice %arg9[%dma_start3A_3, %dma_start3A_4, %dma_start3A_5] : memref<4x128x32xf32, #tpu.memory_space<vmem>> -> memref<1x128x32xf32, #tpu.memory_space<vmem>>
    %dma_start3A_7 = tpu.memref_squeeze %dma_start3A_6 : memref<1x128x32xf32, #tpu.memory_space<vmem>> -> memref<128x32xf32, #tpu.memory_space<vmem>>
    %dma_start3A_8 = arith.constant 0 : i32
    %dma_start3A_9 = tpu.memref_slice %arg7[%dma_start3A, %dma_start3A_8] : memref<80x128xi32, #tpu.memory_space<vmem>> -> memref<1x128xi32, #tpu.memory_space<vmem>>
    %dma_start3A_10 = tpu.memref_squeeze %dma_start3A_9 : memref<1x128xi32, #tpu.memory_space<vmem>> -> memref<128xi32, #tpu.memory_space<vmem>>
    %dma_start3A_11 = arith.constant 0 : i32
    %dma_start3A_12 = arith.constant 0 : i32
    %dma_start3A_13 = tpu.memref_slice %arg2[%dma_start3A_11, %dma_start3A_12] : memref<10000x32xf32, #tpu.memory_space<hbm>> -> memref<10000x32xf32, #tpu.memory_space<hbm>>
    tpu.enqueue_indirect_dma source(%dma_start3A_13 : memref<10000x32xf32, #tpu.memory_space<hbm>>) target(%dma_start3A_7 : memref<128x32xf32, #tpu.memory_space<vmem>>) offsets(%dma_start3A_10 : memref<128xi32, #tpu.memory_space<vmem>>) semaphore(%arg11 : memref<!tpu.dma_semaphore, #tpu.memory_space<semaphore_mem>>)
    %dma_start3A_14 = arith.constant 1 : i32
    %dma_start3A_15 = arith.constant 1 : i32
    %dma_start3A_16 = arith.constant 0 : i32
    %dma_start3A_17 = arith.constant 0 : i32
    %dma_start3A_18 = tpu.memref_slice %arg9[%dma_start3A_15, %dma_start3A_16, %dma_start3A_17] : memref<4x128x32xf32, #tpu.memory_space<vmem>> -> memref<1x128x32xf32, #tpu.memory_space<vmem>>
    %dma_start3A_19 = tpu.memref_squeeze %dma_start3A_18 : memref<1x128x32xf32, #tpu.memory_space<vmem>> -> memref<128x32xf32, #tpu.memory_space<vmem>>
    %dma_start3A_20 = arith.constant 0 : i32
    %dma_start3A_21 = tpu.memref_slice %arg7[%dma_start3A_14, %dma_start3A_20] : memref<80x128xi32, #tpu.memory_space<vmem>> -> memref<1x128xi32, #tpu.memory_space<vmem>>
    %dma_start3A_22 = tpu.memref_squeeze %dma_start3A_21 : memref<1x128xi32, #tpu.memory_space<vmem>> -> memref<128xi32, #tpu.memory_space<vmem>>
    %dma_start3A_23 = arith.constant 0 : i32
    %dma_start3A_24 = arith.constant 0 : i32
    %dma_start3A_25 = tpu.memref_slice %arg2[%dma_start3A_23, %dma_start3A_24] : memref<10000x32xf32, #tpu.memory_space<hbm>> -> memref<10000x32xf32, #tpu.memory_space<hbm>>
    tpu.enqueue_indirect_dma source(%dma_start3A_25 : memref<10000x32xf32, #tpu.memory_space<hbm>>) target(%dma_start3A_19 : memref<128x32xf32, #tpu.memory_space<vmem>>) offsets(%dma_start3A_22 : memref<128xi32, #tpu.memory_space<vmem>>) semaphore(%arg12 : memref<!tpu.dma_semaphore, #tpu.memory_space<semaphore_mem>>)
    %scan3A = arith.constant 0 : i32
    %scan3A_26 = arith.constant 0 : i32
    %scan3A_27 = arith.constant 20 : i32
    %scan3A_28 = arith.addi %scan3A_26, %scan3A_27 : i32
    %scan3A_29 = arith.constant 1 : i32
    scf.for %scan3A_59 = %scan3A_26 to %scan3A_28 step %scan3A_29  : i32 {
      %mul3A_60 = arith.constant 4 : i32
      %mul3A_61 = arith.muli %mul3A_60, %scan3A_59 : i32
      %add3A_62 = arith.constant 0 : i32
      %add3A_63 = arith.addi %mul3A_61, %add3A_62 : i32
      %dma_wait3A_64 = arith.constant 0 : i32
      %dma_wait3A_65 = arith.constant 0 : i32
      %dma_wait3A_66 = arith.constant 0 : i32
      %dma_wait3A_67 = tpu.memref_slice %arg9[%dma_wait3A_64, %dma_wait3A_65, %dma_wait3A_66] : memref<4x128x32xf32, #tpu.memory_space<vmem>> -> memref<1x128x32xf32, #tpu.memory_space<vmem>>
      %dma_wait3A_68 = tpu.memref_squeeze %dma_wait3A_67 : memref<1x128x32xf32, #tpu.memory_space<vmem>> -> memref<128x32xf32, #tpu.memory_space<vmem>>
      %dma_wait3A_69 = arith.constant 0 : i32
      %dma_wait3A_70 = tpu.memref_slice %arg7[%add3A_63, %dma_wait3A_69] : memref<80x128xi32, #tpu.memory_space<vmem>> -> memref<1x128xi32, #tpu.memory_space<vmem>>
      %dma_wait3A_71 = tpu.memref_squeeze %dma_wait3A_70 : memref<1x128xi32, #tpu.memory_space<vmem>> -> memref<128xi32, #tpu.memory_space<vmem>>
      %dma_wait3A_72 = arith.constant 0 : i32
      %dma_wait3A_73 = arith.constant 0 : i32
      %dma_wait3A_74 = tpu.memref_slice %arg2[%dma_wait3A_72, %dma_wait3A_73] : memref<10000x32xf32, #tpu.memory_space<hbm>> -> memref<10000x32xf32, #tpu.memory_space<hbm>>
      tpu.wait_indirect_dma semaphore(%arg11 : memref<!tpu.dma_semaphore, #tpu.memory_space<semaphore_mem>>) src(%dma_wait3A_74 : memref<10000x32xf32, #tpu.memory_space<hbm>>) dst(%dma_wait3A_68 : memref<128x32xf32, #tpu.memory_space<vmem>>)
      %dma_start3A_75 = arith.constant 0 : i32
      %dma_start3A_76 = arith.constant 0 : i32
      %dma_start3A_77 = arith.constant 0 : i32
      %dma_start3A_78 = tpu.memref_slice %arg9[%dma_start3A_75, %dma_start3A_76, %dma_start3A_77] : memref<4x128x32xf32, #tpu.memory_space<vmem>> -> memref<1x128x32xf32, #tpu.memory_space<vmem>>
      %dma_start3A_79 = tpu.memref_squeeze %dma_start3A_78 : memref<1x128x32xf32, #tpu.memory_space<vmem>> -> memref<128x32xf32, #tpu.memory_space<vmem>>
      %dma_start3A_80 = arith.constant 0 : i32
      %dma_start3A_81 = tpu.memref_slice %arg8[%add3A_63, %dma_start3A_80] : memref<80x128xi32, #tpu.memory_space<vmem>> -> memref<1x128xi32, #tpu.memory_space<vmem>>
      %dma_start3A_82 = tpu.memref_squeeze %dma_start3A_81 : memref<1x128xi32, #tpu.memory_space<vmem>> -> memref<128xi32, #tpu.memory_space<vmem>>
      %dma_start3A_83 = arith.constant 0 : i32
      %dma_start3A_84 = arith.constant 0 : i32
      %dma_start3A_85 = tpu.memref_slice %arg10[%dma_start3A_83, %dma_start3A_84] : memref<10240x32xf32, #tpu.memory_space<vmem_shared>> -> memref<10240x32xf32, #tpu.memory_space<vmem_shared>>
      tpu.enqueue_indirect_dma source(%dma_start3A_79 : memref<128x32xf32, #tpu.memory_space<vmem>>) target(%dma_start3A_85 : memref<10240x32xf32, #tpu.memory_space<vmem_shared>>) offsets(%dma_start3A_82 : memref<128xi32, #tpu.memory_space<vmem>>) semaphore(%arg15 : memref<!tpu.dma_semaphore, #tpu.memory_space<semaphore_mem>>) {add = true}
      %ge3A = arith.constant 2 : i32
      %ge3A_86 = arith.cmpi sge, %add3A_63, %ge3A : i32
      %convert_element_type3A = arith.extui %ge3A_86 : i1 to i32
      %cond3A = arith.constant 0 : i32
      %cond3A_87 = arith.cmpi ne, %convert_element_type3A, %cond3A : i32
      scf.if %cond3A_87 {
        %sub3A = arith.constant 2 : i32
        %sub3A_208 = arith.subi %add3A_63, %sub3A : i32
        %dma_wait3A_209 = arith.constant 2 : i32
        %dma_wait3A_210 = arith.constant 0 : i32
        %dma_wait3A_211 = arith.constant 0 : i32
        %dma_wait3A_212 = tpu.memref_slice %arg9[%dma_wait3A_209, %dma_wait3A_210, %dma_wait3A_211] : memref<4x128x32xf32, #tpu.memory_space<vmem>> -> memref<1x128x32xf32, #tpu.memory_space<vmem>>
        %dma_wait3A_213 = tpu.memref_squeeze %dma_wait3A_212 : memref<1x128x32xf32, #tpu.memory_space<vmem>> -> memref<128x32xf32, #tpu.memory_space<vmem>>
        %dma_wait3A_214 = arith.constant 0 : i32
        %dma_wait3A_215 = tpu.memref_slice %arg8[%sub3A_208, %dma_wait3A_214] : memref<80x128xi32, #tpu.memory_space<vmem>> -> memref<1x128xi32, #tpu.memory_space<vmem>>
        %dma_wait3A_216 = tpu.memref_squeeze %dma_wait3A_215 : memref<1x128xi32, #tpu.memory_space<vmem>> -> memref<128xi32, #tpu.memory_space<vmem>>
        %dma_wait3A_217 = arith.constant 0 : i32
        %dma_wait3A_218 = arith.constant 0 : i32
        %dma_wait3A_219 = tpu.memref_slice %arg10[%dma_wait3A_217, %dma_wait3A_218] : memref<10240x32xf32, #tpu.memory_space<vmem_shared>> -> memref<10240x32xf32, #tpu.memory_space<vmem_shared>>
        tpu.wait_indirect_dma semaphore(%arg17 : memref<!tpu.dma_semaphore, #tpu.memory_space<semaphore_mem>>) src(%dma_wait3A_213 : memref<128x32xf32, #tpu.memory_space<vmem>>) dst(%dma_wait3A_219 : memref<10240x32xf32, #tpu.memory_space<vmem_shared>>)
      } else {
      }
      %add3A_88 = arith.constant 2 : i32
      %add3A_89 = arith.addi %add3A_63, %add3A_88 : i32
      %lt3A = arith.constant 80 : i32
      %lt3A_90 = arith.cmpi slt, %add3A_89, %lt3A : i32
      %convert_element_type3A_91 = arith.extui %lt3A_90 : i1 to i32
      %cond3A_92 = arith.constant 0 : i32
      %cond3A_93 = arith.cmpi ne, %convert_element_type3A_91, %cond3A_92 : i32
      scf.if %cond3A_93 {
        %add3A_208 = arith.constant 2 : i32
        %add3A_209 = arith.addi %add3A_63, %add3A_208 : i32
        %dma_start3A_210 = arith.constant 2 : i32
        %dma_start3A_211 = arith.constant 0 : i32
        %dma_start3A_212 = arith.constant 0 : i32
        %dma_start3A_213 = tpu.memref_slice %arg9[%dma_start3A_210, %dma_start3A_211, %dma_start3A_212] : memref<4x128x32xf32, #tpu.memory_space<vmem>> -> memref<1x128x32xf32, #tpu.memory_space<vmem>>
        %dma_start3A_214 = tpu.memref_squeeze %dma_start3A_213 : memref<1x128x32xf32, #tpu.memory_space<vmem>> -> memref<128x32xf32, #tpu.memory_space<vmem>>
        %dma_start3A_215 = arith.constant 0 : i32
        %dma_start3A_216 = tpu.memref_slice %arg7[%add3A_209, %dma_start3A_215] : memref<80x128xi32, #tpu.memory_space<vmem>> -> memref<1x128xi32, #tpu.memory_space<vmem>>
        %dma_start3A_217 = tpu.memref_squeeze %dma_start3A_216 : memref<1x128xi32, #tpu.memory_space<vmem>> -> memref<128xi32, #tpu.memory_space<vmem>>
        %dma_start3A_218 = arith.constant 0 : i32
        %dma_start3A_219 = arith.constant 0 : i32
        %dma_start3A_220 = tpu.memref_slice %arg2[%dma_start3A_218, %dma_start3A_219] : memref<10000x32xf32, #tpu.memory_space<hbm>> -> memref<10000x32xf32, #tpu.memory_space<hbm>>
        tpu.enqueue_indirect_dma source(%dma_start3A_220 : memref<10000x32xf32, #tpu.memory_space<hbm>>) target(%dma_start3A_214 : memref<128x32xf32, #tpu.memory_space<vmem>>) offsets(%dma_start3A_217 : memref<128xi32, #tpu.memory_space<vmem>>) semaphore(%arg13 : memref<!tpu.dma_semaphore, #tpu.memory_space<semaphore_mem>>)
      } else {
      }
      %mul3A_94 = arith.constant 4 : i32
      %mul3A_95 = arith.muli %mul3A_94, %scan3A_59 : i32
      %add3A_96 = arith.constant 1 : i32
      %add3A_97 = arith.addi %mul3A_95, %add3A_96 : i32
      %dma_wait3A_98 = arith.constant 1 : i32
      %dma_wait3A_99 = arith.constant 0 : i32
      %dma_wait3A_100 = arith.constant 0 : i32
      %dma_wait3A_101 = tpu.memref_slice %arg9[%dma_wait3A_98, %dma_wait3A_99, %dma_wait3A_100] : memref<4x128x32xf32, #tpu.memory_space<vmem>> -> memref<1x128x32xf32, #tpu.memory_space<vmem>>
      %dma_wait3A_102 = tpu.memref_squeeze %dma_wait3A_101 : memref<1x128x32xf32, #tpu.memory_space<vmem>> -> memref<128x32xf32, #tpu.memory_space<vmem>>
      %dma_wait3A_103 = arith.constant 0 : i32
      %dma_wait3A_104 = tpu.memref_slice %arg7[%add3A_97, %dma_wait3A_103] : memref<80x128xi32, #tpu.memory_space<vmem>> -> memref<1x128xi32, #tpu.memory_space<vmem>>
      %dma_wait3A_105 = tpu.memref_squeeze %dma_wait3A_104 : memref<1x128xi32, #tpu.memory_space<vmem>> -> memref<128xi32, #tpu.memory_space<vmem>>
      %dma_wait3A_106 = arith.constant 0 : i32
      %dma_wait3A_107 = arith.constant 0 : i32
      %dma_wait3A_108 = tpu.memref_slice %arg2[%dma_wait3A_106, %dma_wait3A_107] : memref<10000x32xf32, #tpu.memory_space<hbm>> -> memref<10000x32xf32, #tpu.memory_space<hbm>>
      tpu.wait_indirect_dma semaphore(%arg12 : memref<!tpu.dma_semaphore, #tpu.memory_space<semaphore_mem>>) src(%dma_wait3A_108 : memref<10000x32xf32, #tpu.memory_space<hbm>>) dst(%dma_wait3A_102 : memref<128x32xf32, #tpu.memory_space<vmem>>)
      %dma_start3A_109 = arith.constant 1 : i32
      %dma_start3A_110 = arith.constant 0 : i32
      %dma_start3A_111 = arith.constant 0 : i32
      %dma_start3A_112 = tpu.memref_slice %arg9[%dma_start3A_109, %dma_start3A_110, %dma_start3A_111] : memref<4x128x32xf32, #tpu.memory_space<vmem>> -> memref<1x128x32xf32, #tpu.memory_space<vmem>>
      %dma_start3A_113 = tpu.memref_squeeze %dma_start3A_112 : memref<1x128x32xf32, #tpu.memory_space<vmem>> -> memref<128x32xf32, #tpu.memory_space<vmem>>
      %dma_start3A_114 = arith.constant 0 : i32
      %dma_start3A_115 = tpu.memref_slice %arg8[%add3A_97, %dma_start3A_114] : memref<80x128xi32, #tpu.memory_space<vmem>> -> memref<1x128xi32, #tpu.memory_space<vmem>>
      %dma_start3A_116 = tpu.memref_squeeze %dma_start3A_115 : memref<1x128xi32, #tpu.memory_space<vmem>> -> memref<128xi32, #tpu.memory_space<vmem>>
      %dma_start3A_117 = arith.constant 0 : i32
      %dma_start3A_118 = arith.constant 0 : i32
      %dma_start3A_119 = tpu.memref_slice %arg10[%dma_start3A_117, %dma_start3A_118] : memref<10240x32xf32, #tpu.memory_space<vmem_shared>> -> memref<10240x32xf32, #tpu.memory_space<vmem_shared>>
      tpu.enqueue_indirect_dma source(%dma_start3A_113 : memref<128x32xf32, #tpu.memory_space<vmem>>) target(%dma_start3A_119 : memref<10240x32xf32, #tpu.memory_space<vmem_shared>>) offsets(%dma_start3A_116 : memref<128xi32, #tpu.memory_space<vmem>>) semaphore(%arg16 : memref<!tpu.dma_semaphore, #tpu.memory_space<semaphore_mem>>) {add = true}
      %ge3A_120 = arith.constant 2 : i32
      %ge3A_121 = arith.cmpi sge, %add3A_97, %ge3A_120 : i32
      %convert_element_type3A_122 = arith.extui %ge3A_121 : i1 to i32
      %cond3A_123 = arith.constant 0 : i32
      %cond3A_124 = arith.cmpi ne, %convert_element_type3A_122, %cond3A_123 : i32
      scf.if %cond3A_124 {
        %sub3A = arith.constant 2 : i32
        %sub3A_208 = arith.subi %add3A_97, %sub3A : i32
        %dma_wait3A_209 = arith.constant 3 : i32
        %dma_wait3A_210 = arith.constant 0 : i32
        %dma_wait3A_211 = arith.constant 0 : i32
        %dma_wait3A_212 = tpu.memref_slice %arg9[%dma_wait3A_209, %dma_wait3A_210, %dma_wait3A_211] : memref<4x128x32xf32, #tpu.memory_space<vmem>> -> memref<1x128x32xf32, #tpu.memory_space<vmem>>
        %dma_wait3A_213 = tpu.memref_squeeze %dma_wait3A_212 : memref<1x128x32xf32, #tpu.memory_space<vmem>> -> memref<128x32xf32, #tpu.memory_space<vmem>>
        %dma_wait3A_214 = arith.constant 0 : i32
        %dma_wait3A_215 = tpu.memref_slice %arg8[%sub3A_208, %dma_wait3A_214] : memref<80x128xi32, #tpu.memory_space<vmem>> -> memref<1x128xi32, #tpu.memory_space<vmem>>
        %dma_wait3A_216 = tpu.memref_squeeze %dma_wait3A_215 : memref<1x128xi32, #tpu.memory_space<vmem>> -> memref<128xi32, #tpu.memory_space<vmem>>
        %dma_wait3A_217 = arith.constant 0 : i32
        %dma_wait3A_218 = arith.constant 0 : i32
        %dma_wait3A_219 = tpu.memref_slice %arg10[%dma_wait3A_217, %dma_wait3A_218] : memref<10240x32xf32, #tpu.memory_space<vmem_shared>> -> memref<10240x32xf32, #tpu.memory_space<vmem_shared>>
        tpu.wait_indirect_dma semaphore(%arg18 : memref<!tpu.dma_semaphore, #tpu.memory_space<semaphore_mem>>) src(%dma_wait3A_213 : memref<128x32xf32, #tpu.memory_space<vmem>>) dst(%dma_wait3A_219 : memref<10240x32xf32, #tpu.memory_space<vmem_shared>>)
      } else {
      }
      %add3A_125 = arith.constant 2 : i32
      %add3A_126 = arith.addi %add3A_97, %add3A_125 : i32
      %lt3A_127 = arith.constant 80 : i32
      %lt3A_128 = arith.cmpi slt, %add3A_126, %lt3A_127 : i32
      %convert_element_type3A_129 = arith.extui %lt3A_128 : i1 to i32
      %cond3A_130 = arith.constant 0 : i32
      %cond3A_131 = arith.cmpi ne, %convert_element_type3A_129, %cond3A_130 : i32
      scf.if %cond3A_131 {
        %add3A_208 = arith.constant 2 : i32
        %add3A_209 = arith.addi %add3A_97, %add3A_208 : i32
        %dma_start3A_210 = arith.constant 3 : i32
        %dma_start3A_211 = arith.constant 0 : i32
        %dma_start3A_212 = arith.constant 0 : i32
        %dma_start3A_213 = tpu.memref_slice %arg9[%dma_start3A_210, %dma_start3A_211, %dma_start3A_212] : memref<4x128x32xf32, #tpu.memory_space<vmem>> -> memref<1x128x32xf32, #tpu.memory_space<vmem>>
        %dma_start3A_214 = tpu.memref_squeeze %dma_start3A_213 : memref<1x128x32xf32, #tpu.memory_space<vmem>> -> memref<128x32xf32, #tpu.memory_space<vmem>>
        %dma_start3A_215 = arith.constant 0 : i32
        %dma_start3A_216 = tpu.memref_slice %arg7[%add3A_209, %dma_start3A_215] : memref<80x128xi32, #tpu.memory_space<vmem>> -> memref<1x128xi32, #tpu.memory_space<vmem>>
        %dma_start3A_217 = tpu.memref_squeeze %dma_start3A_216 : memref<1x128xi32, #tpu.memory_space<vmem>> -> memref<128xi32, #tpu.memory_space<vmem>>
        %dma_start3A_218 = arith.constant 0 : i32
        %dma_start3A_219 = arith.constant 0 : i32
        %dma_start3A_220 = tpu.memref_slice %arg2[%dma_start3A_218, %dma_start3A_219] : memref<10000x32xf32, #tpu.memory_space<hbm>> -> memref<10000x32xf32, #tpu.memory_space<hbm>>
        tpu.enqueue_indirect_dma source(%dma_start3A_220 : memref<10000x32xf32, #tpu.memory_space<hbm>>) target(%dma_start3A_214 : memref<128x32xf32, #tpu.memory_space<vmem>>) offsets(%dma_start3A_217 : memref<128xi32, #tpu.memory_space<vmem>>) semaphore(%arg14 : memref<!tpu.dma_semaphore, #tpu.memory_space<semaphore_mem>>)
      } else {
      }
      %mul3A_132 = arith.constant 4 : i32
      %mul3A_133 = arith.muli %mul3A_132, %scan3A_59 : i32
      %add3A_134 = arith.constant 2 : i32
      %add3A_135 = arith.addi %mul3A_133, %add3A_134 : i32
      %dma_wait3A_136 = arith.constant 2 : i32
      %dma_wait3A_137 = arith.constant 0 : i32
      %dma_wait3A_138 = arith.constant 0 : i32
      %dma_wait3A_139 = tpu.memref_slice %arg9[%dma_wait3A_136, %dma_wait3A_137, %dma_wait3A_138] : memref<4x128x32xf32, #tpu.memory_space<vmem>> -> memref<1x128x32xf32, #tpu.memory_space<vmem>>
      %dma_wait3A_140 = tpu.memref_squeeze %dma_wait3A_139 : memref<1x128x32xf32, #tpu.memory_space<vmem>> -> memref<128x32xf32, #tpu.memory_space<vmem>>
      %dma_wait3A_141 = arith.constant 0 : i32
      %dma_wait3A_142 = tpu.memref_slice %arg7[%add3A_135, %dma_wait3A_141] : memref<80x128xi32, #tpu.memory_space<vmem>> -> memref<1x128xi32, #tpu.memory_space<vmem>>
      %dma_wait3A_143 = tpu.memref_squeeze %dma_wait3A_142 : memref<1x128xi32, #tpu.memory_space<vmem>> -> memref<128xi32, #tpu.memory_space<vmem>>
      %dma_wait3A_144 = arith.constant 0 : i32
      %dma_wait3A_145 = arith.constant 0 : i32
      %dma_wait3A_146 = tpu.memref_slice %arg2[%dma_wait3A_144, %dma_wait3A_145] : memref<10000x32xf32, #tpu.memory_space<hbm>> -> memref<10000x32xf32, #tpu.memory_space<hbm>>
      tpu.wait_indirect_dma semaphore(%arg13 : memref<!tpu.dma_semaphore, #tpu.memory_space<semaphore_mem>>) src(%dma_wait3A_146 : memref<10000x32xf32, #tpu.memory_space<hbm>>) dst(%dma_wait3A_140 : memref<128x32xf32, #tpu.memory_space<vmem>>)
      %dma_start3A_147 = arith.constant 2 : i32
      %dma_start3A_148 = arith.constant 0 : i32
      %dma_start3A_149 = arith.constant 0 : i32
      %dma_start3A_150 = tpu.memref_slice %arg9[%dma_start3A_147, %dma_start3A_148, %dma_start3A_149] : memref<4x128x32xf32, #tpu.memory_space<vmem>> -> memref<1x128x32xf32, #tpu.memory_space<vmem>>
      %dma_start3A_151 = tpu.memref_squeeze %dma_start3A_150 : memref<1x128x32xf32, #tpu.memory_space<vmem>> -> memref<128x32xf32, #tpu.memory_space<vmem>>
      %dma_start3A_152 = arith.constant 0 : i32
      %dma_start3A_153 = tpu.memref_slice %arg8[%add3A_135, %dma_start3A_152] : memref<80x128xi32, #tpu.memory_space<vmem>> -> memref<1x128xi32, #tpu.memory_space<vmem>>
      %dma_start3A_154 = tpu.memref_squeeze %dma_start3A_153 : memref<1x128xi32, #tpu.memory_space<vmem>> -> memref<128xi32, #tpu.memory_space<vmem>>
      %dma_start3A_155 = arith.constant 0 : i32
      %dma_start3A_156 = arith.constant 0 : i32
      %dma_start3A_157 = tpu.memref_slice %arg10[%dma_start3A_155, %dma_start3A_156] : memref<10240x32xf32, #tpu.memory_space<vmem_shared>> -> memref<10240x32xf32, #tpu.memory_space<vmem_shared>>
      tpu.enqueue_indirect_dma source(%dma_start3A_151 : memref<128x32xf32, #tpu.memory_space<vmem>>) target(%dma_start3A_157 : memref<10240x32xf32, #tpu.memory_space<vmem_shared>>) offsets(%dma_start3A_154 : memref<128xi32, #tpu.memory_space<vmem>>) semaphore(%arg17 : memref<!tpu.dma_semaphore, #tpu.memory_space<semaphore_mem>>) {add = true}
      %ge3A_158 = arith.constant 2 : i32
      %ge3A_159 = arith.cmpi sge, %add3A_135, %ge3A_158 : i32
      %convert_element_type3A_160 = arith.extui %ge3A_159 : i1 to i32
      %cond3A_161 = arith.constant 0 : i32
      %cond3A_162 = arith.cmpi ne, %convert_element_type3A_160, %cond3A_161 : i32
      scf.if %cond3A_162 {
        %sub3A = arith.constant 2 : i32
        %sub3A_208 = arith.subi %add3A_135, %sub3A : i32
        %dma_wait3A_209 = arith.constant 0 : i32
        %dma_wait3A_210 = arith.constant 0 : i32
        %dma_wait3A_211 = arith.constant 0 : i32
        %dma_wait3A_212 = tpu.memref_slice %arg9[%dma_wait3A_209, %dma_wait3A_210, %dma_wait3A_211] : memref<4x128x32xf32, #tpu.memory_space<vmem>> -> memref<1x128x32xf32, #tpu.memory_space<vmem>>
        %dma_wait3A_213 = tpu.memref_squeeze %dma_wait3A_212 : memref<1x128x32xf32, #tpu.memory_space<vmem>> -> memref<128x32xf32, #tpu.memory_space<vmem>>
        %dma_wait3A_214 = arith.constant 0 : i32
        %dma_wait3A_215 = tpu.memref_slice %arg8[%sub3A_208, %dma_wait3A_214] : memref<80x128xi32, #tpu.memory_space<vmem>> -> memref<1x128xi32, #tpu.memory_space<vmem>>
        %dma_wait3A_216 = tpu.memref_squeeze %dma_wait3A_215 : memref<1x128xi32, #tpu.memory_space<vmem>> -> memref<128xi32, #tpu.memory_space<vmem>>
        %dma_wait3A_217 = arith.constant 0 : i32
        %dma_wait3A_218 = arith.constant 0 : i32
        %dma_wait3A_219 = tpu.memref_slice %arg10[%dma_wait3A_217, %dma_wait3A_218] : memref<10240x32xf32, #tpu.memory_space<vmem_shared>> -> memref<10240x32xf32, #tpu.memory_space<vmem_shared>>
        tpu.wait_indirect_dma semaphore(%arg15 : memref<!tpu.dma_semaphore, #tpu.memory_space<semaphore_mem>>) src(%dma_wait3A_213 : memref<128x32xf32, #tpu.memory_space<vmem>>) dst(%dma_wait3A_219 : memref<10240x32xf32, #tpu.memory_space<vmem_shared>>)
      } else {
      }
      %add3A_163 = arith.constant 2 : i32
      %add3A_164 = arith.addi %add3A_135, %add3A_163 : i32
      %lt3A_165 = arith.constant 80 : i32
      %lt3A_166 = arith.cmpi slt, %add3A_164, %lt3A_165 : i32
      %convert_element_type3A_167 = arith.extui %lt3A_166 : i1 to i32
      %cond3A_168 = arith.constant 0 : i32
      %cond3A_169 = arith.cmpi ne, %convert_element_type3A_167, %cond3A_168 : i32
      scf.if %cond3A_169 {
        %add3A_208 = arith.constant 2 : i32
        %add3A_209 = arith.addi %add3A_135, %add3A_208 : i32
        %dma_start3A_210 = arith.constant 0 : i32
        %dma_start3A_211 = arith.constant 0 : i32
        %dma_start3A_212 = arith.constant 0 : i32
        %dma_start3A_213 = tpu.memref_slice %arg9[%dma_start3A_210, %dma_start3A_211, %dma_start3A_212] : memref<4x128x32xf32, #tpu.memory_space<vmem>> -> memref<1x128x32xf32, #tpu.memory_space<vmem>>
        %dma_start3A_214 = tpu.memref_squeeze %dma_start3A_213 : memref<1x128x32xf32, #tpu.memory_space<vmem>> -> memref<128x32xf32, #tpu.memory_space<vmem>>
        %dma_start3A_215 = arith.constant 0 : i32
        %dma_start3A_216 = tpu.memref_slice %arg7[%add3A_209, %dma_start3A_215] : memref<80x128xi32, #tpu.memory_space<vmem>> -> memref<1x128xi32, #tpu.memory_space<vmem>>
        %dma_start3A_217 = tpu.memref_squeeze %dma_start3A_216 : memref<1x128xi32, #tpu.memory_space<vmem>> -> memref<128xi32, #tpu.memory_space<vmem>>
        %dma_start3A_218 = arith.constant 0 : i32
        %dma_start3A_219 = arith.constant 0 : i32
        %dma_start3A_220 = tpu.memref_slice %arg2[%dma_start3A_218, %dma_start3A_219] : memref<10000x32xf32, #tpu.memory_space<hbm>> -> memref<10000x32xf32, #tpu.memory_space<hbm>>
        tpu.enqueue_indirect_dma source(%dma_start3A_220 : memref<10000x32xf32, #tpu.memory_space<hbm>>) target(%dma_start3A_214 : memref<128x32xf32, #tpu.memory_space<vmem>>) offsets(%dma_start3A_217 : memref<128xi32, #tpu.memory_space<vmem>>) semaphore(%arg11 : memref<!tpu.dma_semaphore, #tpu.memory_space<semaphore_mem>>)
      } else {
      }
      %mul3A_170 = arith.constant 4 : i32
      %mul3A_171 = arith.muli %mul3A_170, %scan3A_59 : i32
      %add3A_172 = arith.constant 3 : i32
      %add3A_173 = arith.addi %mul3A_171, %add3A_172 : i32
      %dma_wait3A_174 = arith.constant 3 : i32
      %dma_wait3A_175 = arith.constant 0 : i32
      %dma_wait3A_176 = arith.constant 0 : i32
      %dma_wait3A_177 = tpu.memref_slice %arg9[%dma_wait3A_174, %dma_wait3A_175, %dma_wait3A_176] : memref<4x128x32xf32, #tpu.memory_space<vmem>> -> memref<1x128x32xf32, #tpu.memory_space<vmem>>
      %dma_wait3A_178 = tpu.memref_squeeze %dma_wait3A_177 : memref<1x128x32xf32, #tpu.memory_space<vmem>> -> memref<128x32xf32, #tpu.memory_space<vmem>>
      %dma_wait3A_179 = arith.constant 0 : i32
      %dma_wait3A_180 = tpu.memref_slice %arg7[%add3A_173, %dma_wait3A_179] : memref<80x128xi32, #tpu.memory_space<vmem>> -> memref<1x128xi32, #tpu.memory_space<vmem>>
      %dma_wait3A_181 = tpu.memref_squeeze %dma_wait3A_180 : memref<1x128xi32, #tpu.memory_space<vmem>> -> memref<128xi32, #tpu.memory_space<vmem>>
      %dma_wait3A_182 = arith.constant 0 : i32
      %dma_wait3A_183 = arith.constant 0 : i32
      %dma_wait3A_184 = tpu.memref_slice %arg2[%dma_wait3A_182, %dma_wait3A_183] : memref<10000x32xf32, #tpu.memory_space<hbm>> -> memref<10000x32xf32, #tpu.memory_space<hbm>>
      tpu.wait_indirect_dma semaphore(%arg14 : memref<!tpu.dma_semaphore, #tpu.memory_space<semaphore_mem>>) src(%dma_wait3A_184 : memref<10000x32xf32, #tpu.memory_space<hbm>>) dst(%dma_wait3A_178 : memref<128x32xf32, #tpu.memory_space<vmem>>)
      %dma_start3A_185 = arith.constant 3 : i32
      %dma_start3A_186 = arith.constant 0 : i32
      %dma_start3A_187 = arith.constant 0 : i32
      %dma_start3A_188 = tpu.memref_slice %arg9[%dma_start3A_185, %dma_start3A_186, %dma_start3A_187] : memref<4x128x32xf32, #tpu.memory_space<vmem>> -> memref<1x128x32xf32, #tpu.memory_space<vmem>>
      %dma_start3A_189 = tpu.memref_squeeze %dma_start3A_188 : memref<1x128x32xf32, #tpu.memory_space<vmem>> -> memref<128x32xf32, #tpu.memory_space<vmem>>
      %dma_start3A_190 = arith.constant 0 : i32
      %dma_start3A_191 = tpu.memref_slice %arg8[%add3A_173, %dma_start3A_190] : memref<80x128xi32, #tpu.memory_space<vmem>> -> memref<1x128xi32, #tpu.memory_space<vmem>>
      %dma_start3A_192 = tpu.memref_squeeze %dma_start3A_191 : memref<1x128xi32, #tpu.memory_space<vmem>> -> memref<128xi32, #tpu.memory_space<vmem>>
      %dma_start3A_193 = arith.constant 0 : i32
      %dma_start3A_194 = arith.constant 0 : i32
      %dma_start3A_195 = tpu.memref_slice %arg10[%dma_start3A_193, %dma_start3A_194] : memref<10240x32xf32, #tpu.memory_space<vmem_shared>> -> memref<10240x32xf32, #tpu.memory_space<vmem_shared>>
      tpu.enqueue_indirect_dma source(%dma_start3A_189 : memref<128x32xf32, #tpu.memory_space<vmem>>) target(%dma_start3A_195 : memref<10240x32xf32, #tpu.memory_space<vmem_shared>>) offsets(%dma_start3A_192 : memref<128xi32, #tpu.memory_space<vmem>>) semaphore(%arg18 : memref<!tpu.dma_semaphore, #tpu.memory_space<semaphore_mem>>) {add = true}
      %ge3A_196 = arith.constant 2 : i32
      %ge3A_197 = arith.cmpi sge, %add3A_173, %ge3A_196 : i32
      %convert_element_type3A_198 = arith.extui %ge3A_197 : i1 to i32
      %cond3A_199 = arith.constant 0 : i32
      %cond3A_200 = arith.cmpi ne, %convert_element_type3A_198, %cond3A_199 : i32
      scf.if %cond3A_200 {
        %sub3A = arith.constant 2 : i32
        %sub3A_208 = arith.subi %add3A_173, %sub3A : i32
        %dma_wait3A_209 = arith.constant 1 : i32
        %dma_wait3A_210 = arith.constant 0 : i32
        %dma_wait3A_211 = arith.constant 0 : i32
        %dma_wait3A_212 = tpu.memref_slice %arg9[%dma_wait3A_209, %dma_wait3A_210, %dma_wait3A_211] : memref<4x128x32xf32, #tpu.memory_space<vmem>> -> memref<1x128x32xf32, #tpu.memory_space<vmem>>
        %dma_wait3A_213 = tpu.memref_squeeze %dma_wait3A_212 : memref<1x128x32xf32, #tpu.memory_space<vmem>> -> memref<128x32xf32, #tpu.memory_space<vmem>>
        %dma_wait3A_214 = arith.constant 0 : i32
        %dma_wait3A_215 = tpu.memref_slice %arg8[%sub3A_208, %dma_wait3A_214] : memref<80x128xi32, #tpu.memory_space<vmem>> -> memref<1x128xi32, #tpu.memory_space<vmem>>
        %dma_wait3A_216 = tpu.memref_squeeze %dma_wait3A_215 : memref<1x128xi32, #tpu.memory_space<vmem>> -> memref<128xi32, #tpu.memory_space<vmem>>
        %dma_wait3A_217 = arith.constant 0 : i32
        %dma_wait3A_218 = arith.constant 0 : i32
        %dma_wait3A_219 = tpu.memref_slice %arg10[%dma_wait3A_217, %dma_wait3A_218] : memref<10240x32xf32, #tpu.memory_space<vmem_shared>> -> memref<10240x32xf32, #tpu.memory_space<vmem_shared>>
        tpu.wait_indirect_dma semaphore(%arg16 : memref<!tpu.dma_semaphore, #tpu.memory_space<semaphore_mem>>) src(%dma_wait3A_213 : memref<128x32xf32, #tpu.memory_space<vmem>>) dst(%dma_wait3A_219 : memref<10240x32xf32, #tpu.memory_space<vmem_shared>>)
      } else {
      }
      %add3A_201 = arith.constant 2 : i32
      %add3A_202 = arith.addi %add3A_173, %add3A_201 : i32
      %lt3A_203 = arith.constant 80 : i32
      %lt3A_204 = arith.cmpi slt, %add3A_202, %lt3A_203 : i32
      %convert_element_type3A_205 = arith.extui %lt3A_204 : i1 to i32
      %cond3A_206 = arith.constant 0 : i32
      %cond3A_207 = arith.cmpi ne, %convert_element_type3A_205, %cond3A_206 : i32
      scf.if %cond3A_207 {
        %add3A_208 = arith.constant 2 : i32
        %add3A_209 = arith.addi %add3A_173, %add3A_208 : i32
        %dma_start3A_210 = arith.constant 1 : i32
        %dma_start3A_211 = arith.constant 0 : i32
        %dma_start3A_212 = arith.constant 0 : i32
        %dma_start3A_213 = tpu.memref_slice %arg9[%dma_start3A_210, %dma_start3A_211, %dma_start3A_212] : memref<4x128x32xf32, #tpu.memory_space<vmem>> -> memref<1x128x32xf32, #tpu.memory_space<vmem>>
        %dma_start3A_214 = tpu.memref_squeeze %dma_start3A_213 : memref<1x128x32xf32, #tpu.memory_space<vmem>> -> memref<128x32xf32, #tpu.memory_space<vmem>>
        %dma_start3A_215 = arith.constant 0 : i32
        %dma_start3A_216 = tpu.memref_slice %arg7[%add3A_209, %dma_start3A_215] : memref<80x128xi32, #tpu.memory_space<vmem>> -> memref<1x128xi32, #tpu.memory_space<vmem>>
        %dma_start3A_217 = tpu.memref_squeeze %dma_start3A_216 : memref<1x128xi32, #tpu.memory_space<vmem>> -> memref<128xi32, #tpu.memory_space<vmem>>
        %dma_start3A_218 = arith.constant 0 : i32
        %dma_start3A_219 = arith.constant 0 : i32
        %dma_start3A_220 = tpu.memref_slice %arg2[%dma_start3A_218, %dma_start3A_219] : memref<10000x32xf32, #tpu.memory_space<hbm>> -> memref<10000x32xf32, #tpu.memory_space<hbm>>
        tpu.enqueue_indirect_dma source(%dma_start3A_220 : memref<10000x32xf32, #tpu.memory_space<hbm>>) target(%dma_start3A_214 : memref<128x32xf32, #tpu.memory_space<vmem>>) offsets(%dma_start3A_217 : memref<128xi32, #tpu.memory_space<vmem>>) semaphore(%arg12 : memref<!tpu.dma_semaphore, #tpu.memory_space<semaphore_mem>>)
      } else {
      }
    }
    %scan3A_30 = arith.constant 20 : i32
    %dma_wait3A = arith.constant 2 : i32
    %dma_wait3A_31 = arith.constant 78 : i32
    %dma_wait3A_32 = arith.constant 0 : i32
    %dma_wait3A_33 = arith.constant 0 : i32
    %dma_wait3A_34 = tpu.memref_slice %arg9[%dma_wait3A, %dma_wait3A_32, %dma_wait3A_33] : memref<4x128x32xf32, #tpu.memory_space<vmem>> -> memref<1x128x32xf32, #tpu.memory_space<vmem>>
    %dma_wait3A_35 = tpu.memref_squeeze %dma_wait3A_34 : memref<1x128x32xf32, #tpu.memory_space<vmem>> -> memref<128x32xf32, #tpu.memory_space<vmem>>
    %dma_wait3A_36 = arith.constant 0 : i32
    %dma_wait3A_37 = tpu.memref_slice %arg8[%dma_wait3A_31, %dma_wait3A_36] : memref<80x128xi32, #tpu.memory_space<vmem>> -> memref<1x128xi32, #tpu.memory_space<vmem>>
    %dma_wait3A_38 = tpu.memref_squeeze %dma_wait3A_37 : memref<1x128xi32, #tpu.memory_space<vmem>> -> memref<128xi32, #tpu.memory_space<vmem>>
    %dma_wait3A_39 = arith.constant 0 : i32
    %dma_wait3A_40 = arith.constant 0 : i32
    %dma_wait3A_41 = tpu.memref_slice %arg10[%dma_wait3A_39, %dma_wait3A_40] : memref<10240x32xf32, #tpu.memory_space<vmem_shared>> -> memref<10240x32xf32, #tpu.memory_space<vmem_shared>>
    tpu.wait_indirect_dma semaphore(%arg17 : memref<!tpu.dma_semaphore, #tpu.memory_space<semaphore_mem>>) src(%dma_wait3A_35 : memref<128x32xf32, #tpu.memory_space<vmem>>) dst(%dma_wait3A_41 : memref<10240x32xf32, #tpu.memory_space<vmem_shared>>)
    %dma_wait3A_42 = arith.constant 3 : i32
    %dma_wait3A_43 = arith.constant 79 : i32
    %dma_wait3A_44 = arith.constant 0 : i32
    %dma_wait3A_45 = arith.constant 0 : i32
    %dma_wait3A_46 = tpu.memref_slice %arg9[%dma_wait3A_42, %dma_wait3A_44, %dma_wait3A_45] : memref<4x128x32xf32, #tpu.memory_space<vmem>> -> memref<1x128x32xf32, #tpu.memory_space<vmem>>
    %dma_wait3A_47 = tpu.memref_squeeze %dma_wait3A_46 : memref<1x128x32xf32, #tpu.memory_space<vmem>> -> memref<128x32xf32, #tpu.memory_space<vmem>>
    %dma_wait3A_48 = arith.constant 0 : i32
    %dma_wait3A_49 = tpu.memref_slice %arg8[%dma_wait3A_43, %dma_wait3A_48] : memref<80x128xi32, #tpu.memory_space<vmem>> -> memref<1x128xi32, #tpu.memory_space<vmem>>
    %dma_wait3A_50 = tpu.memref_squeeze %dma_wait3A_49 : memref<1x128xi32, #tpu.memory_space<vmem>> -> memref<128xi32, #tpu.memory_space<vmem>>
    %dma_wait3A_51 = arith.constant 0 : i32
    %dma_wait3A_52 = arith.constant 0 : i32
    %dma_wait3A_53 = tpu.memref_slice %arg10[%dma_wait3A_51, %dma_wait3A_52] : memref<10240x32xf32, #tpu.memory_space<vmem_shared>> -> memref<10240x32xf32, #tpu.memory_space<vmem_shared>>
    tpu.wait_indirect_dma semaphore(%arg18 : memref<!tpu.dma_semaphore, #tpu.memory_space<semaphore_mem>>) src(%dma_wait3A_47 : memref<128x32xf32, #tpu.memory_space<vmem>>) dst(%dma_wait3A_53 : memref<10240x32xf32, #tpu.memory_space<vmem_shared>>)
    %barrier3A_54 = arith.constant 0 : index
    tpu.barrier barrier_id(%barrier3A_54)
    %mul3A_55 = arith.constant 640 : i32
    %mul3A_56 = arith.muli %arg1, %mul3A_55 : i32
    %mul3A_57 = arith.constant 640 : i32
    %mul3A_58 = arith.muli %arg1, %mul3A_57 : i32
    "tpu.region"() ({
      %run_scoped3A = tpu.sem_alloc : memref<!tpu.dma_semaphore, #tpu.memory_space<semaphore_mem>>
      %dma_start3A_59 = arith.constant 0 : i32
      %dma_start3A_60 = tpu.memref_slice %arg6[%arg0, %mul3A_58, %dma_start3A_59] : memref<2x10240x32xf32, #tpu.memory_space<hbm>> -> memref<1x640x32xf32, #tpu.memory_space<hbm>>
      %dma_start3A_61 = tpu.memref_squeeze %dma_start3A_60 : memref<1x640x32xf32, #tpu.memory_space<hbm>> -> memref<640x32xf32, #tpu.memory_space<hbm>>
      %dma_start3A_62 = arith.constant 0 : i32
      %dma_start3A_63 = tpu.memref_slice %arg10[%mul3A_56, %dma_start3A_62] : memref<10240x32xf32, #tpu.memory_space<vmem_shared>> -> memref<640x32xf32, #tpu.memory_space<vmem_shared>>
      tpu.enqueue_dma source(%dma_start3A_63 : memref<640x32xf32, #tpu.memory_space<vmem_shared>>) target(%dma_start3A_61 : memref<640x32xf32, #tpu.memory_space<hbm>>) target_semaphore(%run_scoped3A : memref<!tpu.dma_semaphore, #tpu.memory_space<semaphore_mem>>)
      %dma_wait3A_64 = arith.constant 0 : i32
      %dma_wait3A_65 = tpu.memref_slice %arg6[%arg0, %mul3A_58, %dma_wait3A_64] : memref<2x10240x32xf32, #tpu.memory_space<hbm>> -> memref<1x640x32xf32, #tpu.memory_space<hbm>>
      %dma_wait3A_66 = tpu.memref_squeeze %dma_wait3A_65 : memref<1x640x32xf32, #tpu.memory_space<hbm>> -> memref<640x32xf32, #tpu.memory_space<hbm>>
      %dma_wait3A_67 = arith.constant 0 : i32
      %dma_wait3A_68 = tpu.memref_slice %arg10[%mul3A_56, %dma_wait3A_67] : memref<10240x32xf32, #tpu.memory_space<vmem_shared>> -> memref<640x32xf32, #tpu.memory_space<vmem_shared>>
      tpu.wait_dma2 semaphore(%run_scoped3A : memref<!tpu.dma_semaphore, #tpu.memory_space<semaphore_mem>>) src(%dma_wait3A_68 : memref<640x32xf32, #tpu.memory_space<vmem_shared>>) dst(%dma_wait3A_66 : memref<640x32xf32, #tpu.memory_space<hbm>>)
      tpu.yield
    }) : () -> ()
    return
  }
}

module attributes {stable_mosaic.version = 14 : i64} {
  func.func @_tc_deg(%arg0: memref<2560x128xf32, #tpu.memory_space<vmem>>, %arg1: memref<1280x128xf32, #tpu.memory_space<vmem>>) attributes {dimension_semantics = [], scalar_prefetch = 0 : i64, scratch_operands = 0 : i64, tpu.core_type = #tpu.core_type<tc>} {
    %get3A = arith.constant 0 : index
    %get3A_0 = arith.constant 0 : index
    %get3A_1 = vector.load %arg0[%get3A, %get3A_0] : memref<2560x128xf32, #tpu.memory_space<vmem>>, vector<1280x128xf32>
    %get3A_2 = arith.constant 1280 : index
    %get3A_3 = arith.constant 0 : index
    %get3A_4 = vector.load %arg0[%get3A_2, %get3A_3] : memref<2560x128xf32, #tpu.memory_space<vmem>>, vector<1280x128xf32>
    %add3A = arith.addf %get3A_1, %get3A_4 : vector<1280x128xf32>
    %add3A_5 = arith.constant 1.000000e+00 : f32
    %add3A_6 = vector.broadcast %add3A_5 : f32 to vector<1280x128xf32>
    %add3A_7 = arith.addf %add3A, %add3A_6 : vector<1280x128xf32>
    %rsqrt3A = math.rsqrt %add3A_7 : vector<1280x128xf32>
    %swap3A = arith.constant 0 : index
    %swap3A_8 = arith.constant 0 : index
    %swap3A_9 = vector.load %arg1[%swap3A, %swap3A_8] : memref<1280x128xf32, #tpu.memory_space<vmem>>, vector<1280x128xf32>
    tpu.vector_store %arg1[%swap3A, %swap3A_8], %rsqrt3A {strides = array<i32>} : memref<1280x128xf32, #tpu.memory_space<vmem>>, vector<1280x128xf32>,
    return
  }
}

module attributes {stable_mosaic.version = 14 : i64} {
  func.func @_tc_g1(%arg0: memref<5000x256xf32, #tpu.memory_space<vmem>>, %arg1: memref<256x128xf32, #tpu.memory_space<vmem>>, %arg2: memref<5000x128xf32, #tpu.memory_space<vmem>>, %arg3: memref<5120x128xf32, #tpu.memory_space<vmem>>) attributes {dimension_semantics = [], scalar_prefetch = 0 : i64, scratch_operands = 0 : i64, tpu.core_type = #tpu.core_type<tc>} {
    %get3A = arith.constant 0 : index
    %get3A_0 = arith.constant 0 : index
    %get3A_1 = vector.load %arg0[%get3A, %get3A_0] : memref<5000x256xf32, #tpu.memory_space<vmem>>, vector<5000x256xf32>
    %get3A_2 = arith.constant 0 : index
    %get3A_3 = arith.constant 0 : index
    %get3A_4 = vector.load %arg1[%get3A_2, %get3A_3] : memref<256x128xf32, #tpu.memory_space<vmem>>, vector<256x128xf32>
    %dot_general3A = arith.constant dense<0.000000e+00> : vector<5000x128xf32>
    %dot_general3A_5 = tpu.matmul %get3A_1, %get3A_4, %dot_general3A {dimension_numbers = #tpu.dot_dimension_numbers<[1], [0], [0], [1], [0, 0, 1, 1], [], []>, transpose_lhs_hint = false} : vector<5000x256xf32>, vector<256x128xf32>, vector<5000x128xf32> -> vector<5000x128xf32>
    %get3A_6 = arith.constant 0 : index
    %get3A_7 = arith.constant 0 : index
    %get3A_8 = vector.load %arg2[%get3A_6, %get3A_7] : memref<5000x128xf32, #tpu.memory_space<vmem>>, vector<5000x128xf32>
    %mul3A = arith.mulf %get3A_8, %dot_general3A_5 : vector<5000x128xf32>
    %broadcast_in_dim3A = arith.constant 0.000000e+00 : f32
    %broadcast_in_dim3A_9 = vector.broadcast %broadcast_in_dim3A : f32 to vector<120x128xf32>
    %concatenate3A = tpu.concatenate %mul3A, %broadcast_in_dim3A_9 in 0 : vector<5000x128xf32>, vector<120x128xf32> -> vector<5120x128xf32>
    %swap3A = arith.constant 0 : index
    %swap3A_10 = arith.constant 0 : index
    %swap3A_11 = vector.load %arg3[%swap3A, %swap3A_10] : memref<5120x128xf32, #tpu.memory_space<vmem>>, vector<5120x128xf32>
    tpu.vector_store %arg3[%swap3A, %swap3A_10], %concatenate3A {strides = array<i32>} : memref<5120x128xf32, #tpu.memory_space<vmem>>, vector<5120x128xf32>,
    return
  }
}

module attributes {stable_mosaic.version = 14 : i64} {
  func.func @_tc_mid(%arg0: memref<10240x128xf32, #tpu.memory_space<vmem>>, %arg1: memref<5120x128xf32, #tpu.memory_space<vmem>>, %arg2: memref<5000x128xf32, #tpu.memory_space<vmem>>, %arg3: memref<1x128xf32, #tpu.memory_space<vmem>>, %arg4: memref<128x128xf32, #tpu.memory_space<vmem>>, %arg5: memref<5120x128xf32, #tpu.memory_space<vmem>>) attributes {dimension_semantics = [], scalar_prefetch = 0 : i64, scratch_operands = 0 : i64, tpu.core_type = #tpu.core_type<tc>} {
    %get3A = arith.constant 0 : index
    %get3A_0 = arith.constant 0 : index
    %get3A_1 = vector.load %arg0[%get3A, %get3A_0] : memref<10240x128xf32, #tpu.memory_space<vmem>>, vector<5120x128xf32>
    %slice3A = vector.extract_strided_slice %get3A_1 {offsets = [0, 0], sizes = [5000, 128], strides = [1, 1]} : vector<5120x128xf32> to vector<5000x128xf32>
    %get3A_2 = arith.constant 5120 : index
    %get3A_3 = arith.constant 0 : index
    %get3A_4 = vector.load %arg0[%get3A_2, %get3A_3] : memref<10240x128xf32, #tpu.memory_space<vmem>>, vector<5120x128xf32>
    %slice3A_5 = vector.extract_strided_slice %get3A_4 {offsets = [0, 0], sizes = [5000, 128], strides = [1, 1]} : vector<5120x128xf32> to vector<5000x128xf32>
    %add3A = arith.addf %slice3A, %slice3A_5 : vector<5000x128xf32>
    %get3A_6 = arith.constant 0 : index
    %get3A_7 = arith.constant 0 : index
    %get3A_8 = vector.load %arg1[%get3A_6, %get3A_7] : memref<5120x128xf32, #tpu.memory_space<vmem>>, vector<5000x128xf32>
    %add3A_9 = arith.addf %add3A, %get3A_8 : vector<5000x128xf32>
    %get3A_10 = arith.constant 0 : index
    %get3A_11 = arith.constant 0 : index
    %get3A_12 = vector.load %arg2[%get3A_10, %get3A_11] : memref<5000x128xf32, #tpu.memory_space<vmem>>, vector<5000x128xf32>
    %mul3A = arith.mulf %get3A_12, %add3A_9 : vector<5000x128xf32>
    %get3A_13 = arith.constant 0 : index
    %get3A_14 = arith.constant 0 : index
    %get3A_15 = vector.load %arg3[%get3A_13, %get3A_14] : memref<1x128xf32, #tpu.memory_space<vmem>>, vector<1x128xf32>
    %add3A_16 = vector.broadcast %get3A_15 : vector<1x128xf32> to vector<5000x128xf32>
    %add3A_17 = arith.addf %mul3A, %add3A_16 : vector<5000x128xf32>
    %max3A = arith.constant 0.000000e+00 : f32
    %max3A_18 = vector.broadcast %max3A : f32 to vector<5000x128xf32>
    %max3A_19 = arith.maximumf %add3A_17, %max3A_18 : vector<5000x128xf32>
    %get3A_20 = arith.constant 0 : index
    %get3A_21 = arith.constant 0 : index
    %get3A_22 = vector.load %arg4[%get3A_20, %get3A_21] : memref<128x128xf32, #tpu.memory_space<vmem>>, vector<128x128xf32>
    %dot_general3A = arith.constant dense<0.000000e+00> : vector<5000x128xf32>
    %dot_general3A_23 = tpu.matmul %max3A_19, %get3A_22, %dot_general3A {dimension_numbers = #tpu.dot_dimension_numbers<[1], [0], [0], [1], [0, 0, 1, 1], [], []>, transpose_lhs_hint = false} : vector<5000x128xf32>, vector<128x128xf32>, vector<5000x128xf32> -> vector<5000x128xf32>
    %mul3A_24 = arith.mulf %get3A_12, %dot_general3A_23 : vector<5000x128xf32>
    %broadcast_in_dim3A = arith.constant 0.000000e+00 : f32
    %broadcast_in_dim3A_25 = vector.broadcast %broadcast_in_dim3A : f32 to vector<120x128xf32>
    %concatenate3A = tpu.concatenate %mul3A_24, %broadcast_in_dim3A_25 in 0 : vector<5000x128xf32>, vector<120x128xf32> -> vector<5120x128xf32>
    %swap3A = arith.constant 0 : index
    %swap3A_26 = arith.constant 0 : index
    %swap3A_27 = vector.load %arg5[%swap3A, %swap3A_26] : memref<5120x128xf32, #tpu.memory_space<vmem>>, vector<5120x128xf32>
    tpu.vector_store %arg5[%swap3A, %swap3A_26], %concatenate3A {strides = array<i32>} : memref<5120x128xf32, #tpu.memory_space<vmem>>, vector<5120x128xf32>,
    return
  }
}

module attributes {stable_mosaic.version = 14 : i64} {
  func.func @_tc_l3(%arg0: memref<10240x128xf32, #tpu.memory_space<vmem>>, %arg1: memref<5120x128xf32, #tpu.memory_space<vmem>>, %arg2: memref<5000x128xf32, #tpu.memory_space<vmem>>, %arg3: memref<5000x64xf32, #tpu.memory_space<vmem>>, %arg4: memref<1x128xf32, #tpu.memory_space<vmem>>, %arg5: memref<128x64xf32, #tpu.memory_space<vmem>>, %arg6: memref<5000x64xf32, #tpu.memory_space<vmem>>) attributes {dimension_semantics = [], scalar_prefetch = 0 : i64, scratch_operands = 0 : i64, tpu.core_type = #tpu.core_type<tc>} {
    %get3A = arith.constant 0 : index
    %get3A_0 = arith.constant 0 : index
    %get3A_1 = vector.load %arg0[%get3A, %get3A_0] : memref<10240x128xf32, #tpu.memory_space<vmem>>, vector<5120x128xf32>
    %slice3A = vector.extract_strided_slice %get3A_1 {offsets = [0, 0], sizes = [5000, 128], strides = [1, 1]} : vector<5120x128xf32> to vector<5000x128xf32>
    %get3A_2 = arith.constant 5120 : index
    %get3A_3 = arith.constant 0 : index
    %get3A_4 = vector.load %arg0[%get3A_2, %get3A_3] : memref<10240x128xf32, #tpu.memory_space<vmem>>, vector<5120x128xf32>
    %slice3A_5 = vector.extract_strided_slice %get3A_4 {offsets = [0, 0], sizes = [5000, 128], strides = [1, 1]} : vector<5120x128xf32> to vector<5000x128xf32>
    %add3A = arith.addf %slice3A, %slice3A_5 : vector<5000x128xf32>
    %get3A_6 = arith.constant 0 : index
    %get3A_7 = arith.constant 0 : index
    %get3A_8 = vector.load %arg1[%get3A_6, %get3A_7] : memref<5120x128xf32, #tpu.memory_space<vmem>>, vector<5000x128xf32>
    %add3A_9 = arith.addf %add3A, %get3A_8 : vector<5000x128xf32>
    %get3A_10 = arith.constant 0 : index
    %get3A_11 = arith.constant 0 : index
    %get3A_12 = vector.load %arg2[%get3A_10, %get3A_11] : memref<5000x128xf32, #tpu.memory_space<vmem>>, vector<5000x128xf32>
    %mul3A = arith.mulf %get3A_12, %add3A_9 : vector<5000x128xf32>
    %get3A_13 = arith.constant 0 : index
    %get3A_14 = arith.constant 0 : index
    %get3A_15 = vector.load %arg4[%get3A_13, %get3A_14] : memref<1x128xf32, #tpu.memory_space<vmem>>, vector<1x128xf32>
    %add3A_16 = vector.broadcast %get3A_15 : vector<1x128xf32> to vector<5000x128xf32>
    %add3A_17 = arith.addf %mul3A, %add3A_16 : vector<5000x128xf32>
    %max3A = arith.constant 0.000000e+00 : f32
    %max3A_18 = vector.broadcast %max3A : f32 to vector<5000x128xf32>
    %max3A_19 = arith.maximumf %add3A_17, %max3A_18 : vector<5000x128xf32>
    %get3A_20 = arith.constant 0 : index
    %get3A_21 = arith.constant 0 : index
    %get3A_22 = vector.load %arg5[%get3A_20, %get3A_21] : memref<128x64xf32, #tpu.memory_space<vmem>>, vector<128x64xf32>
    %dot_general3A = arith.constant dense<0.000000e+00> : vector<5000x64xf32>
    %dot_general3A_23 = tpu.matmul %max3A_19, %get3A_22, %dot_general3A {dimension_numbers = #tpu.dot_dimension_numbers<[1], [0], [0], [1], [0, 0, 1, 1], [], []>, transpose_lhs_hint = false} : vector<5000x128xf32>, vector<128x64xf32>, vector<5000x64xf32> -> vector<5000x64xf32>
    %get3A_24 = arith.constant 0 : index
    %get3A_25 = arith.constant 0 : index
    %get3A_26 = vector.load %arg3[%get3A_24, %get3A_25] : memref<5000x64xf32, #tpu.memory_space<vmem>>, vector<5000x64xf32>
    %mul3A_27 = arith.mulf %get3A_26, %dot_general3A_23 : vector<5000x64xf32>
    %swap3A = arith.constant 0 : index
    %swap3A_28 = arith.constant 0 : index
    %swap3A_29 = vector.load %arg6[%swap3A, %swap3A_28] : memref<5000x64xf32, #tpu.memory_space<vmem>>, vector<5000x64xf32>
    tpu.vector_store %arg6[%swap3A, %swap3A_28], %mul3A_27 {strides = array<i32>} : memref<5000x64xf32, #tpu.memory_space<vmem>>, vector<5000x64xf32>,
    return
  }
}

module attributes {stable_mosaic.version = 14 : i64} {
  func.func @_tc_last(%arg0: memref<5120x128xf32, #tpu.memory_space<vmem>>, %arg1: memref<2500x128xf32, #tpu.memory_space<vmem>>, %arg2: memref<2500x128xf32, #tpu.memory_space<vmem>>, %arg3: memref<1x128xf32, #tpu.memory_space<vmem>>, %arg4: memref<128x4xf32, #tpu.memory_space<vmem>>, %arg5: memref<1x4xf32, #tpu.memory_space<vmem>>, %arg6: memref<2500x4xf32, #tpu.memory_space<vmem>>) attributes {dimension_semantics = [], scalar_prefetch = 0 : i64, scratch_operands = 0 : i64, tpu.core_type = #tpu.core_type<tc>} {
    %get3A = arith.constant 0 : index
    %get3A_0 = arith.constant 0 : index
    %get3A_1 = vector.load %arg0[%get3A, %get3A_0] : memref<5120x128xf32, #tpu.memory_space<vmem>>, vector<2500x128xf32>
    %get3A_2 = arith.constant 2560 : index
    %get3A_3 = arith.constant 0 : index
    %get3A_4 = vector.load %arg0[%get3A_2, %get3A_3] : memref<5120x128xf32, #tpu.memory_space<vmem>>, vector<2500x128xf32>
    %add3A = arith.addf %get3A_1, %get3A_4 : vector<2500x128xf32>
    %get3A_5 = arith.constant 0 : index
    %get3A_6 = arith.constant 0 : index
    %get3A_7 = vector.load %arg1[%get3A_5, %get3A_6] : memref<2500x128xf32, #tpu.memory_space<vmem>>, vector<2500x128xf32>
    %add3A_8 = arith.addf %add3A, %get3A_7 : vector<2500x128xf32>
    %get3A_9 = arith.constant 0 : index
    %get3A_10 = arith.constant 0 : index
    %get3A_11 = vector.load %arg2[%get3A_9, %get3A_10] : memref<2500x128xf32, #tpu.memory_space<vmem>>, vector<2500x128xf32>
    %mul3A = arith.mulf %get3A_11, %add3A_8 : vector<2500x128xf32>
    %get3A_12 = arith.constant 0 : index
    %get3A_13 = arith.constant 0 : index
    %get3A_14 = vector.load %arg3[%get3A_12, %get3A_13] : memref<1x128xf32, #tpu.memory_space<vmem>>, vector<1x128xf32>
    %add3A_15 = vector.broadcast %get3A_14 : vector<1x128xf32> to vector<2500x128xf32>
    %add3A_16 = arith.addf %mul3A, %add3A_15 : vector<2500x128xf32>
    %max3A = arith.constant 0.000000e+00 : f32
    %max3A_17 = vector.broadcast %max3A : f32 to vector<2500x128xf32>
    %max3A_18 = arith.maximumf %add3A_16, %max3A_17 : vector<2500x128xf32>
    %get3A_19 = arith.constant 0 : index
    %get3A_20 = arith.constant 0 : index
    %get3A_21 = vector.load %arg4[%get3A_19, %get3A_20] : memref<128x4xf32, #tpu.memory_space<vmem>>, vector<128x4xf32>
    %dot_general3A = arith.constant dense<0.000000e+00> : vector<2500x4xf32>
    %dot_general3A_22 = tpu.matmul %max3A_18, %get3A_21, %dot_general3A {dimension_numbers = #tpu.dot_dimension_numbers<[1], [0], [0], [1], [0, 0, 1, 1], [], []>, transpose_lhs_hint = false} : vector<2500x128xf32>, vector<128x4xf32>, vector<2500x4xf32> -> vector<2500x4xf32>
    %get3A_23 = arith.constant 0 : index
    %get3A_24 = arith.constant 0 : index
    %get3A_25 = vector.load %arg5[%get3A_23, %get3A_24] : memref<1x4xf32, #tpu.memory_space<vmem>>, vector<1x4xf32>
    %add3A_26 = vector.broadcast %get3A_25 : vector<1x4xf32> to vector<2500x4xf32>
    %add3A_27 = arith.addf %dot_general3A_22, %add3A_26 : vector<2500x4xf32>
    %swap3A = arith.constant 0 : index
    %swap3A_28 = arith.constant 0 : index
    %swap3A_29 = vector.load %arg6[%swap3A, %swap3A_28] : memref<2500x4xf32, #tpu.memory_space<vmem>>, vector<2500x4xf32>
    tpu.vector_store %arg6[%swap3A, %swap3A_28], %add3A_27 {strides = array<i32>} : memref<2500x4xf32, #tpu.memory_space<vmem>>, vector<2500x4xf32>,
    return
  }
}

</mosaic_0001>

<sc_bundles>
// kernel: kernel.11.cloned.1.call-start
scs
__scs_entry_jumppad:
0x0: {  	(pc) =	sbr.rel $0x88, $3  }
0x1: {  	(tag) =	ssettag $0x0;
	lr =	simm.s32 $0x1  }
0x2: {  	[smem:$0x3F97] =	sst lr;
	_ =	strace $0xD0000000  }
0x3: {  	_ = 	snop  }
0x4: {  	_ = 	snop  }
0x5: {  	_ = 	snop  }
0x6: {  	_ = 	snop  }
0x7: {  	_ = 	snop  }
__scs_overlays_trampoline_lowered:
0x8: {  	[smem:$0x3FA6] =	sst s0  }
0x9: {  	[smem:$0x3FA7] =	sst s1  }
0xa: {  	[smem:$0x3FA8] =	sst s2  }
0xb: {  	[smem:$0x3FA9] =	sst s3  }
0xc: {  	[smem:$0x3FAA] =	sst s4  }
0xd: {  	[smem:$0x3FAB] =	sst s5  }
0xe: {  	[smem:$0x3FAC] =	sst s6  }
0xf: {  	[smem:$0x3FAD] =	sst s7  }
0x10: {  	[smem:$0x3FAE] =	sst s8  }
0x11: {  	[smem:$0x3FAF] =	sst s9;
	s0 =	simm.s32 @!p0 $0x0  }
0x12: {  	s1 =	sld [smem:$0x3F95];
	s0 =	simm.s32 @p0 $0x1  }
0x13: {  	[smem:$0x3FB0] =	sst s0;
	s0 =	simm.s32 @!p1 $0x0  }
0x14: {  	s2 =	sld [smem:$0x3F94];
	s0 =	simm.s32 @p1 $0x1  }
0x15: {  	[smem:$0x3FB1] =	sst s0;
	s0 =	simm.s32 @!p2 $0x0  }
0x16: {  	s3 =	sld [smem:$0x3FDB];
	s0 =	simm.s32 @p2 $0x1  }
0x17: {  	s4 =	simm.s32 $0x1BF5;
	[smem:$0x3FB3] =	sst s0  }
0x18: {  	s0 =	sld [smem:$0x3F96];
	_ =	swait.ge [sflag:s4], $0x0  }
0x19: {  	s7 =	sld [smem:$0x3F97]  }
0x1a: {  	s8 =	sadd.s32 $0xFFFFE003, lr  }
0x1b: {  	s9 =	sadd.s32 $0xFFFFFEF7, lr;
	s5 =	simm.s32 $0xFFFFFFFF;
	p2 =	slt.u32 s8, $0xFFFFF086  }
0x1c: {  	p1 =	slt.u32 s9, $0xF7A;
	s5 =	simm.s32 @!p2 $0x0  }
0x1d: {  	s5 =	simm.s32 @p1 $0x1;
	p0 =	seq.s32 s7, s2  }
0x1e: {  	s7 =	smul.u32 @!p0 $0xF7A, s2;
	p2 =	seq.s32 @!p0 s5, $0x0  }
0x1f: {  	s9 =	smul.u32 $0xF7A, s1;
	s8 =	simm.s32 @!p0 $0x1BF5;
	p2 =	por !p2, p0  }
0x20: {  	[sflag:s8] =	ssyncset.s32 @!p0 $0xFFFFF086;
	s6 =	sadd.s32 @!p0 s3, s7;
	s7 =	simm.s32 @!p0 $0x108  }
0x21: {  	s3 =	sadd.s32 s3, s9;
	s6 =	sadd.s32 @!p0 $0x88, s6;
	s7 =	simm.s32 @p2 $0x1082  }
0x22: {  	[simem:s7], [sflag:s8] =	dma.local @!p0 [hbm:s6], $0xF7A  }
0x23: {  	s9 =	sor.u32 $0xD0000000, s2;
	s6 =	simm.s32 $0x108;
	_ =	swait.ge @!p0 [sflag:s8], $0x0  }
0x24: {  	s3 =	sadd.s32 $0x88, s3;
	s6 =	simm.s32 @!p1 $0x1082;
	[sflag:s4] =	ssyncset.s32 $0xFFFFF086  }
0x25: {  	[simem:s6], [sflag:s4] =	dma.local [hbm:s3], $0xF7A  }
0x26: {  	[smem:$0x3F97] =	sst s1;
	(tag) =	ssettag s2;
	_ =	strace s9  }
0x27: {  	s1 =	sld [smem:$0x3FA7]  }
0x28: {  	s2 =	sld [smem:$0x3FA8]  }
0x29: {  	s4 =	sld [smem:$0x3FAA]  }
0x2a: {  	p0 =	seq.s32 s5, $0x0;
	s5 =	sld [smem:$0x3FAB]  }
0x2b: {  	s6 =	sld [smem:$0x3FAC]  }
0x2c: {  	s7 =	sld [smem:$0x3FAD]  }
0x2d: {  	s3 =	simm.s32 $0x108;
	s8 =	sld [smem:$0x3FAE]  }
0x2e: {  	s3 =	simm.s32 @!p0 $0x1082;
	s9 =	sld [smem:$0x3FAF]  }
0x2f: {  	lr =	sadd.s32 s0, s3;
	s0 =	sld [smem:$0x3FA6]  }
0x30: {  	s3 =	sld [smem:$0x3FA9]  }
0x31: {  	[smem:$0x3FB2] =	sst s10  }
0x32: {  	s10 =	sld [smem:$0x3FB0];
	_ =	sdelay $0x3  }
0x33: {  	p0 =	seq.s32 s10, $0x1;
	s10 =	sld [smem:$0x3FB2];
	_ =	sdelay $0x3  }
0x34: {  	[smem:$0x3FB2] =	sst s10  }
0x35: {  	s10 =	sld [smem:$0x3FB1];
	_ =	sdelay $0x3  }
0x36: {  	p1 =	seq.s32 s10, $0x1;
	s10 =	sld [smem:$0x3FB2];
	_ =	sdelay $0x3  }
0x37: {  	[smem:$0x3FB2] =	sst s10  }
0x38: {  	s10 =	sld [smem:$0x3FB3]  }
0x39: {  	_ = 	snop;
	(pc) =	sbr.ind lr, $3  }
0x3a: {  	_ = 	snop  }
0x3b: {  	_ = 	snop  }
0x3c: {  	p2 =	seq.s32 s10, $0x1;
	s10 =	sld [smem:$0x3FB2]  }
0x3d: {  	_ =	shalt  }
0x3e: {  	_ =	shalt  }
0x3f: {  	_ =	shalt  }
0x40: {  	_ =	shalt  }
0x41: {  	_ =	shalt  }
0x42: {  	_ =	shalt  }
0x43: {  	_ =	shalt  }
0x44: {  	_ =	shalt  }
0x45: {  	_ =	shalt  }
0x46: {  	_ =	shalt  }
0x47: {  	_ =	shalt  }
0x48: {  	_ =	shalt  }
0x49: {  	_ =	shalt  }
0x4a: {  	_ =	shalt  }
0x4b: {  	_ =	shalt  }
0x4c: {  	_ =	shalt  }
0x4d: {  	_ =	shalt  }
0x4e: {  	_ =	shalt  }
0x4f: {  	_ =	shalt  }
0x50: {  	_ =	shalt  }
0x51: {  	_ =	shalt  }
0x52: {  	_ =	shalt  }
0x53: {  	_ =	shalt  }
0x54: {  	_ =	shalt  }
0x55: {  	_ =	shalt  }
0x56: {  	_ =	shalt  }
0x57: {  	_ =	shalt  }
0x58: {  	_ =	shalt  }
0x59: {  	_ =	shalt  }
0x5a: {  	_ =	shalt  }
0x5b: {  	_ =	shalt  }
0x5c: {  	_ =	shalt  }
0x5d: {  	_ =	shalt  }
0x5e: {  	_ =	shalt  }
0x5f: {  	_ =	shalt  }
0x60: {  	_ =	shalt  }
0x61: {  	_ =	shalt  }
0x62: {  	_ =	shalt  }
0x63: {  	_ =	shalt  }
0x64: {  	_ =	shalt  }
0x65: {  	_ =	shalt  }
0x66: {  	_ =	shalt  }
0x67: {  	_ =	shalt  }
0x68: {  	_ =	shalt  }
0x69: {  	_ =	shalt  }
0x6a: {  	_ =	shalt  }
0x6b: {  	_ =	shalt  }
0x6c: {  	_ =	shalt  }
0x6d: {  	_ =	shalt  }
0x6e: {  	_ =	shalt  }
0x6f: {  	_ =	shalt  }
0x70: {  	_ =	shalt  }
0x71: {  	_ =	shalt  }
0x72: {  	_ =	shalt  }
0x73: {  	_ =	shalt  }
0x74: {  	_ =	shalt  }
0x75: {  	_ =	shalt  }
0x76: {  	_ =	shalt  }
0x77: {  	_ =	shalt  }
0x78: {  	_ =	shalt  }
0x79: {  	_ =	shalt  }
0x7a: {  	_ =	shalt  }
0x7b: {  	_ =	shalt  }
0x7c: {  	_ =	shalt  }
0x7d: {  	_ =	shalt  }
0x7e: {  	_ =	shalt  }
0x7f: {  	_ =	shalt  }
0x80: {  	_ =	shalt  }
0x81: {  	_ =	shalt  }
0x82: {  	_ =	shalt  }
0x83: {  	_ =	shalt  }
0x84: {  	_ =	shalt  }
0x85: {  	_ =	shalt  }
0x86: {  	_ =	shalt  }
0x87: {  	_ =	shalt  }
.Lfunc_end0:
.L_simem_size_0:
called_computation_lowered:
.L_overlay_start_0:
0x88: {  	s2 =	sld [smem:$0x3FD9]  }
0x89: {  	s3 =	sld [smem:$0x3FFE];
	_ =	sdelay $0x1  }
0x8a: {  	s1 =	srdreg.scid  }
0x8b: {  	s0 =	sand.u32 $0x1, s1  }
0x8c: {  	s17 =	sshll.u32 s0, $0xA;
	s2 =	sadd.s32 s3, s2  }
0x8d: {  	s2 =	sadd.s32 s2, s17  }
0x8e: {  	[smem:$0x3FBE] =	sst s2  }
0x8f: {  	_ = 	snop  }
0x90: {  	s2 =	sld [smem:$0x3FD0];
	(tm) =	ssettm $0x1  }
0x91: {  	s18 =	sld [smem:$0x3FFB];
	_ =	sdelay $0x3  }
0x92: {  	_ =	strace s18  }
0x93: {  	s3 =	sld [smem:$0x3FFC];
	_ =	sdelay $0x3  }
0x94: {  	_ =	strace s3  }
0x95: {  	s3 =	sld [smem:$0x3FFD];
	_ =	sdelay $0x3  }
0x96: {  	_ =	strace s3  }
0x97: {  	_ =	strace $0x8FFFFFFF  }
0x98: {  	s19 =	sld [smem:$0x3FDB];
	_ =	sdelay $0x1  }
0x99: {  	s4 =	simm.s32 $_scs_section_size  }
0x9a: {  	s5 =	simm.s32 $_size__tile_overlayer_lowered;
	s6 =	simm.s32 $_tile_overlayer_lowered  }
0x9b: {  	s22 =	simm.s32 $0x1BFF;
	s21 =	sshll.u32 s6, $0x1;
	s3 =	sadd.s32 s4, s19  }
0x9c: {  	s7 =	simm.s32 $0x0;
	s20 =	sshll.u32 s5, $0x1;
	s5 =	sadd.s32 s21, s3  }
0x9d: {  	[timem:s7], [sflag:s22] =	dma.local [hbm:s5], s20  }
0x9e: {  	_ =	swait.ge [sflag:s22], s20  }
0x9f: {  	s4 =	ssub.s32 $0x0, s20;
	[sflag:s22] =	ssyncset.done $0x0  }
0xa0: {  	[sflag:s22] =	ssyncadd.s32 s4;
	_ =	sdelay $0x1  }
0xa1: {  	s23 =	simm.s32 $0x1B8B  }
0xa2: {  	_ =	swait.ge [sflag:s23], $0x1  }
0xa3: {  	[sflag:s23] =	ssyncset.done $0x0  }
0xa4: {  	s25 =	simm.s32 $0x1B8E;
	s24 =	sld [smem:$0x3FFE];
	[sflag:s23] =	ssyncadd.s32 $0xFFFFFFFF  }
0xa5: {  	s26 =	simm.s32 $execute0_lowered;
	[smem:$0x3FD2] =	sst s25  }
0xa6: {  	s5 =	sshll.u32 s26, $0x1;
	_ =	strace $0x80000046;
	[dreg:$0x1] =	wrdreg $0xFFFFFFFF  }
0xa7: {  	s28 =	simm.s32 $_size_execute0_lowered;
	s3 =	sadd.s32 s3, s5;
	[dreg:$0x0] =	wrdreg $0x0  }
0xa8: {  	s5 =	sshll.u32 s28, $0x1;
	[dreg:$0x2] =	wrdreg s3  }
0xa9: {  	[dreg:$0x3] =	wrdreg s5  }
0xaa: {  	[dreg:$0x4] =	wrdreg $0xC0  }
0xab: {  	_ =	task [dreg:s7], $0x5FFFF  }
0xac: {  	[dreg:$0x1] =	wrdreg $0xFFFFFFFF  }
0xad: {  	[dreg:$0x0] =	wrdreg $0x60  }
0xae: {  	[dreg:$0x2] =	wrdreg s24  }
0xaf: {  	[dreg:$0x3] =	wrdreg s2  }
0xb0: {  	[dreg:$0x4] =	wrdreg $0x30000  }
0xb1: {  	[dreg:$0x5] =	wrdreg $0x9  }
0xb2: {  	_ =	task.clear_ibuf [dreg:s7], $0x6FFFF;
	_ =	strace $0x90000046  }
0xb3: {  	s29 =	simm.s32 $0x9;
	_ =	strace $0x80000048  }
0xb4: {  	_ =	swait.ge [sflag:s29], $0x1  }
0xb5: {  	[sflag:s29] =	ssyncadd.s32 $0xFFFFFFFF  }
0xb6: {  	_ =	strace $0x90000048  }
0xb7: {  	_ =	sfence  }
0xb8: {  	s30 =	sld [smem:$0x0];
	_ =	sdelay $0x2  }
0xb9: {  	s31 =	sshll.u32 s1, $0xD;
	s1 =	sshrl.u32 s1, $0x2  }
0xba: {  	s3 =	sand.u32 $0x4000, s31;
	s1 =	sadd.s32 s1, s30  }
0xbb: {  	s0 =	sor.u32 s3, s0;
	s1 =	sshll.u32 s1, $0x11  }
0xbc: {  	s0 =	sor.u32 s1, s0  }
0xbd: {  	s0 =	sadd.s32 $0x8F2B, s0  }
0xbe: {  	[sflag:s0] =	ssyncadd.remote.s32 $0x1  }
0xbf: {  	_ =	sfence.sel $0xFFFF  }
0xc0: {  	[dreg:$0x0] =	wrdreg $0xFFFFFFFF;
	(pc) =	sbr.abs _section_cstart, $3  }
0xc1: {  	[dreg:$0x1] =	wrdreg $0xFFFFFFFF  }
0xc2: {  	_ =	task.clear_ibuf [dreg:s7], $0x2FFFF;
	_ =	strace $0x9FFFFFFF  }
0xc3: {  	(tm) =	ssettm $0x7FFFFFFF  }
tec
execute0_lowered:
.L_overlay_start_1:
0x0: {  	(tag) =	ssettag $0x1  }
0x1: {  	s6 =	rddreg [dreg:$0x0]  }
0x2: {  	s2 =	rddreg [dreg:$0x1]  }
0x3: {  	s0 =	srdreg.scid;
	s3 =	rddreg [dreg:$0x2]  }
0x4: {  	s1 =	stileid.u32;
	s4 =	simm.s32 $0x0;
	s12 =	simm.s32 $0x2800  }
0x5: {  	s13 =	simm.s32 $0x80;
	s14 =	simm.s32 $0x100;
	s15 =	simm.s32 $0x180  }
0x6: {  	s16 =	simm.s32 $0x1;
	s17 =	simm.s32 $0x2;
	s18 =	simm.s32 $0x3  }
0x7: {  	s19 =	simm.s32 $0x4;
	s5 =	sand.u32 $0x1, s0;
	s0 =	rddreg [dreg:$0x3]  }
0x8: {  	s20 =	simm.s32 $0x0;
	s8 =	smul.u32 $0x2800, s1;
	[smem:$0x7FF] =	sst s4  }
0x9: {  	s31 =	sshll.u32 s1, $0x6;
	s7 =	sshll.u32 s5, $0x4;
	s9 =	smul.u32 $0x28000, s5  }
0xa: {  	_ =	strace $0x80000047;
	s10 =	ssub.s32 $0x2, s5;
	s7 =	sor.u32 s1, s7  }
0xb: {  	s5 =	sadd.s32 $0x16A00, s6;
	s7 =	smul.u32 $0x500, s7;
	s9 =	sadd.s32 s8, s9  }
0xc: {  	s30 =	sshrl.u32 s10, $0x1;
	s11 =	sadd.s32 s8, s3;
	s9 =	sshrl.u32 s9, $0x3  }
0xd: {  	s10 =	ssub.s32 s10, s30;
	s7 =	sadd.s32 s7, s6;
	s9 =	sadd.s32 s9, s6  }
0xe: {  	s6 =	sor.u32 $0x1C05, s31;
	s7 =	sadd.s32 $0x2A00, s7;
	s8 =	sadd.s32 $0x17000, s9  }
0xf: {  	s9 =	smax.u32 s10, $0x1;
	s10 =	sshrl.u32 s11, $0x3;
	s11 =	simm.s32 $0x5  }
.LBB2_1:
0x10: {  	[spmem:s10], [sflag:s6] =	dma.local [hbm:s5], $0x500  }
0x11: {  	_ =	swait.ge [sflag:s11], $0x500  }
0x12: {  	[sflag:s11] =	ssyncset.done $0x0  }
0x13: {  	[sflag:s11] =	ssyncadd.s32 $0xFFFFFB00  }
0x14: {  	[tilespmem:s4], [sflag:$0x5] =	stream.linear.gather [hbm4b:s7+s4], $0x2800, $0x38;
	[tilespmem:$0x5800] =	vst v63  }
0x15: {  	_ =	swait.ge [sflag:s11], $0x2800  }
0x16: {  	[sflag:s11] =	ssyncset.done $0x0  }
0x17: {  	[sflag:s11] =	ssyncadd.s32 $0xFFFFD800  }
0x18: {  	[tilespmem:s12], [sflag:$0x5] =	stream.linear.gather [hbm4b:s2+s4], $0x800, $0x38;
	[tilespmem:$0x5800] =	vst v63  }
0x19: {  	_ =	swait.ge [sflag:s11], $0x800  }
0x1a: {  	[sflag:s11] =	ssyncset.done $0x0  }
0x1b: {  	[sflag:s11] =	ssyncadd.s32 $0xFFFFF800  }
0x1c: {  	[bflag:$0x0] =	sbarrier.arrive $0xFFFF  }
0x1d: {  	[spmem:s3] =	stream.indirect.scatter.add.f32 [tilespmem:s12], [sflag:$0x1], $0x10, s4, s13, $0xb8;
	[tilespmem:$0x5800] =	vst v63  }
0x1e: {  	_ = 	snop  }
0x1f: {  	[spmem:s3] =	stream.indirect.scatter.add.f32 [tilespmem:s12], [sflag:$0x2], $0x10, s13, s13, $0xb8;
	[tilespmem:$0x5800] =	vst v63  }
0x20: {  	_ = 	snop  }
0x21: {  	[spmem:s3] =	stream.indirect.scatter.add.f32 [tilespmem:s12], [sflag:$0x3], $0x10, s14, s13, $0xb8;
	[tilespmem:$0x5800] =	vst v63  }
0x22: {  	_ = 	snop  }
0x23: {  	[spmem:s3] =	stream.indirect.scatter.add.f32 [tilespmem:s12], [sflag:$0x4], $0x10, s15, s13, $0xb8;
	[tilespmem:$0x5800] =	vst v63  }
0x24: {  	_ =	swait.ge [sflag:s16], $0x800  }
0x25: {  	[sflag:s16] =	ssyncset.done $0x0  }
0x26: {  	s21 =	simm.s32 $0x200;
	[sflag:s16] =	ssyncadd.s32 $0xFFFFF800  }
0x27: {  	[spmem:s3] =	stream.indirect.scatter.add.f32 [tilespmem:s12], [sflag:$0x1], $0x10, s21, s13, $0xb8;
	[tilespmem:$0x5800] =	vst v63  }
0x28: {  	_ =	swait.ge [sflag:s17], $0x800  }
0x29: {  	[sflag:s17] =	ssyncset.done $0x0  }
0x2a: {  	s30 =	simm.s32 $0x280;
	[sflag:s17] =	ssyncadd.s32 $0xFFFFF800  }
0x2b: {  	[spmem:s3] =	stream.indirect.scatter.add.f32 [tilespmem:s12], [sflag:$0x2], $0x10, s30, s13, $0xb8;
	[tilespmem:$0x5800] =	vst v63  }
0x2c: {  	_ =	swait.ge [sflag:s18], $0x800  }
0x2d: {  	[sflag:s18] =	ssyncset.done $0x0  }
0x2e: {  	s31 =	simm.s32 $0x300;
	[sflag:s18] =	ssyncadd.s32 $0xFFFFF800  }
0x2f: {  	[spmem:s3] =	stream.indirect.scatter.add.f32 [tilespmem:s12], [sflag:$0x3], $0x10, s31, s13, $0xb8;
	[tilespmem:$0x5800] =	vst v63  }
0x30: {  	_ =	swait.ge [sflag:s19], $0x800  }
0x31: {  	[sflag:s19] =	ssyncset.done $0x0  }
0x32: {  	s22 =	simm.s32 $0x380;
	s21 =	simm.s32 $0xFFFF7000;
	[sflag:s19] =	ssyncadd.s32 $0xFFFFF800  }
.LBB2_2:
0x33: {  	[spmem:s3] =	stream.indirect.scatter.add.f32 [tilespmem:s12], [sflag:$0x4], $0x10, s22, s13, $0xb8;
	[tilespmem:$0x5800] =	vst v63  }
0x34: {  	s22 =	smov.u32 s21  }
0x35: {  	p0 =	sne.s32 s21, $0xFFFFF800;
	s21 =	sadd.s32 $0x800, s21;
	_ =	swait.ge [sflag:s16], $0x800  }
0x36: {  	s22 =	sshra.s32 s22, $0x2;
	[sflag:s16] =	ssyncset.done $0x0  }
0x37: {  	s23 =	sadd.s32 $0x2800, s22;
	[sflag:s16] =	ssyncadd.s32 $0xFFFFF800  }
0x38: {  	[spmem:s3] =	stream.indirect.scatter.add.f32 [tilespmem:s12], [sflag:$0x1], $0x10, s23, s13, $0xb8;
	[tilespmem:$0x5800] =	vst v63  }
0x39: {  	_ =	swait.ge [sflag:s17], $0x800  }
0x3a: {  	[sflag:s17] =	ssyncset.done $0x0  }
0x3b: {  	s23 =	sadd.s32 $0x2880, s22;
	[sflag:s17] =	ssyncadd.s32 $0xFFFFF800  }
0x3c: {  	[spmem:s3] =	stream.indirect.scatter.add.f32 [tilespmem:s12], [sflag:$0x2], $0x10, s23, s13, $0xb8;
	[tilespmem:$0x5800] =	vst v63  }
0x3d: {  	_ =	swait.ge [sflag:s18], $0x800  }
0x3e: {  	[sflag:s18] =	ssyncset.done $0x0  }
.Ltmp0:
0x3f: {  	s23 =	sadd.s32 $0x2900, s22;
	[sflag:s18] =	ssyncadd.s32 $0xFFFFF800;
	(pc) =	sbr.rel @p0 .LBB2_2-.Ltmp0, $4  }
0x40: {  	[spmem:s3] =	stream.indirect.scatter.add.f32 [tilespmem:s12], [sflag:$0x3], $0x10, s23, s13, $0xb8;
	[tilespmem:$0x5800] =	vst v63  }
0x41: {  	_ =	swait.ge [sflag:s19], $0x800  }
0x42: {  	[sflag:s19] =	ssyncset.done $0x0  }
0x43: {  	s22 =	sadd.s32 $0x2980, s22;
	[sflag:s19] =	ssyncadd.s32 $0xFFFFF800  }
0x44: {  	[spmem:s3] =	stream.indirect.scatter.add.f32 [tilespmem:s12], [sflag:$0x4], $0x10, s22, s13, $0xb8;
	[tilespmem:$0x5800] =	vst v63  }
0x45: {  	_ =	swait.ge [sflag:s16], $0x800  }
0x46: {  	[sflag:s16] =	ssyncset.done $0x0  }
0x47: {  	[sflag:s16] =	ssyncadd.s32 $0xFFFFF800  }
0x48: {  	_ =	swait.ge [sflag:s17], $0x800  }
0x49: {  	[sflag:s17] =	ssyncset.done $0x0  }
0x4a: {  	[sflag:s17] =	ssyncadd.s32 $0xFFFFF800  }
0x4b: {  	_ =	swait.ge [sflag:s18], $0x800  }
0x4c: {  	[sflag:s18] =	ssyncset.done $0x0  }
0x4d: {  	[sflag:s18] =	ssyncadd.s32 $0xFFFFF800  }
0x4e: {  	_ =	swait.ge [sflag:s19], $0x800  }
0x4f: {  	s20 =	sadd.s32 $0x1, s20;
	[sflag:s19] =	ssyncset.done $0x0  }
0x50: {  	p0 =	sne.s32 s20, s9;
	[sflag:s19] =	ssyncadd.s32 $0xFFFFF800  }
.Ltmp1:
0x51: {  	[bflag:$0x0] =	sbarrier.arrive $0xFFFF;
	(pc) =	sbr.rel @p0 .LBB2_1-.Ltmp1, $4  }
0x52: {  	[hbm:s8], [sflag:s6] =	dma.local [spmem:s10], $0x500  }
0x53: {  	_ =	swait.ge [sflag:s11], $0x500  }
0x54: {  	[sflag:s11] =	ssyncset.done $0x0  }
0x55: {  	[sflag:s11] =	ssyncadd.s32 $0xFFFFFB00  }
0x56: {  	_ =	sfence.sel $0x180000  }
0x57: {  	[bflag:$0x0] =	sbarrier.arrive $0xFFFF  }
0x58: {  	p0 =	sne.s32 s1, $0x0;
	_ =	strace $0x90000047  }
0x59: {  	s0 =	sadd.s32 @!p0 $0x100000, s0;
	[bflag:$0x2] =	sbarrier.arrive $0xFFFF  }
0x5a: {  	[sflag:s0] =	ssyncadd.tile.s32 @!p0 $0x1;
	_ =	shalt  }
.Lfunc_end2:
_tile_overlayer_lowered:
.L_overlay_start_2:
0x5b: {  	(tag) =	ssettag $0x2  }
0x5c: {  	s0 =	rddreg [dreg:$0x0];
	s2 =	stileid.u32  }
0x5d: {  	s1 =	rddreg [dreg:$0x1];
	p0 =	sne.s32 s2, $0x0  }
0x5e: {  	s3 =	rddreg [dreg:$0x2];
	[bflag:$0x3] =	sbarrier.arrive $0xFFFF;
	s2 =	simm.s32 @!p0 $0x1C05  }
0x5f: {  	[timem:s3], [sflag:s2] =	dma.local @!p0 [hbm:s0], s1  }
0x60: {  	s0 =	simm.s32 @!p0 $0x5  }
0x61: {  	_ =	swait.ge @!p0 [sflag:s0], s1  }
0x62: {  	s1 =	ssub.s32 @!p0 $0x0, s1;
	[sflag:s0] =	ssyncset.done @!p0 $0x0  }
0x63: {  	[sflag:s0] =	ssyncadd.s32 @!p0 s1  }
0x64: {  	[bflag:$0x3] =	sbarrier.arrive $0xFFFF  }
0x65: {  	_ =	shalt  }

// kernel: kernel.14.cloned.1.call-start
scs
__scs_entry_jumppad:
0x0: {  	(pc) =	sbr.rel $0x88, $3  }
0x1: {  	(tag) =	ssettag $0x0;
	lr =	simm.s32 $0x1  }
0x2: {  	[smem:$0x3F97] =	sst lr;
	_ =	strace $0xD0000000  }
0x3: {  	_ = 	snop  }
0x4: {  	_ = 	snop  }
0x5: {  	_ = 	snop  }
0x6: {  	_ = 	snop  }
0x7: {  	_ = 	snop  }
__scs_overlays_trampoline_lowered:
0x8: {  	[smem:$0x3FA6] =	sst s0  }
0x9: {  	[smem:$0x3FA7] =	sst s1  }
0xa: {  	[smem:$0x3FA8] =	sst s2  }
0xb: {  	[smem:$0x3FA9] =	sst s3  }
0xc: {  	[smem:$0x3FAA] =	sst s4  }
0xd: {  	[smem:$0x3FAB] =	sst s5  }
0xe: {  	[smem:$0x3FAC] =	sst s6  }
0xf: {  	[smem:$0x3FAD] =	sst s7  }
0x10: {  	[smem:$0x3FAE] =	sst s8  }
0x11: {  	[smem:$0x3FAF] =	sst s9;
	s0 =	simm.s32 @!p0 $0x0  }
0x12: {  	s1 =	sld [smem:$0x3F95];
	s0 =	simm.s32 @p0 $0x1  }
0x13: {  	[smem:$0x3FB0] =	sst s0;
	s0 =	simm.s32 @!p1 $0x0  }
0x14: {  	s2 =	sld [smem:$0x3F94];
	s0 =	simm.s32 @p1 $0x1  }
0x15: {  	[smem:$0x3FB1] =	sst s0;
	s0 =	simm.s32 @!p2 $0x0  }
0x16: {  	s3 =	sld [smem:$0x3FDB];
	s0 =	simm.s32 @p2 $0x1  }
0x17: {  	s4 =	simm.s32 $0x1BF5;
	[smem:$0x3FB3] =	sst s0  }
0x18: {  	s0 =	sld [smem:$0x3F96];
	_ =	swait.ge [sflag:s4], $0x0  }
0x19: {  	s7 =	sld [smem:$0x3F97]  }
0x1a: {  	s8 =	sadd.s32 $0xFFFFE003, lr  }
0x1b: {  	s9 =	sadd.s32 $0xFFFFFEF7, lr;
	s5 =	simm.s32 $0xFFFFFFFF;
	p2 =	slt.u32 s8, $0xFFFFF086  }
0x1c: {  	p1 =	slt.u32 s9, $0xF7A;
	s5 =	simm.s32 @!p2 $0x0  }
0x1d: {  	s5 =	simm.s32 @p1 $0x1;
	p0 =	seq.s32 s7, s2  }
0x1e: {  	s7 =	smul.u32 @!p0 $0xF7A, s2;
	p2 =	seq.s32 @!p0 s5, $0x0  }
0x1f: {  	s9 =	smul.u32 $0xF7A, s1;
	s8 =	simm.s32 @!p0 $0x1BF5;
	p2 =	por !p2, p0  }
0x20: {  	[sflag:s8] =	ssyncset.s32 @!p0 $0xFFFFF086;
	s6 =	sadd.s32 @!p0 s3, s7;
	s7 =	simm.s32 @!p0 $0x108  }
0x21: {  	s3 =	sadd.s32 s3, s9;
	s6 =	sadd.s32 @!p0 $0x88, s6;
	s7 =	simm.s32 @p2 $0x1082  }
0x22: {  	[simem:s7], [sflag:s8] =	dma.local @!p0 [hbm:s6], $0xF7A  }
0x23: {  	s9 =	sor.u32 $0xD0000000, s2;
	s6 =	simm.s32 $0x108;
	_ =	swait.ge @!p0 [sflag:s8], $0x0  }
0x24: {  	s3 =	sadd.s32 $0x88, s3;
	s6 =	simm.s32 @!p1 $0x1082;
	[sflag:s4] =	ssyncset.s32 $0xFFFFF086  }
0x25: {  	[simem:s6], [sflag:s4] =	dma.local [hbm:s3], $0xF7A  }
0x26: {  	[smem:$0x3F97] =	sst s1;
	(tag) =	ssettag s2;
	_ =	strace s9  }
0x27: {  	s1 =	sld [smem:$0x3FA7]  }
0x28: {  	s2 =	sld [smem:$0x3FA8]  }
0x29: {  	s4 =	sld [smem:$0x3FAA]  }
0x2a: {  	p0 =	seq.s32 s5, $0x0;
	s5 =	sld [smem:$0x3FAB]  }
0x2b: {  	s6 =	sld [smem:$0x3FAC]  }
0x2c: {  	s7 =	sld [smem:$0x3FAD]  }
0x2d: {  	s3 =	simm.s32 $0x108;
	s8 =	sld [smem:$0x3FAE]  }
0x2e: {  	s3 =	simm.s32 @!p0 $0x1082;
	s9 =	sld [smem:$0x3FAF]  }
0x2f: {  	lr =	sadd.s32 s0, s3;
	s0 =	sld [smem:$0x3FA6]  }
0x30: {  	s3 =	sld [smem:$0x3FA9]  }
0x31: {  	[smem:$0x3FB2] =	sst s10  }
0x32: {  	s10 =	sld [smem:$0x3FB0];
	_ =	sdelay $0x3  }
0x33: {  	p0 =	seq.s32 s10, $0x1;
	s10 =	sld [smem:$0x3FB2];
	_ =	sdelay $0x3  }
0x34: {  	[smem:$0x3FB2] =	sst s10  }
0x35: {  	s10 =	sld [smem:$0x3FB1];
	_ =	sdelay $0x3  }
0x36: {  	p1 =	seq.s32 s10, $0x1;
	s10 =	sld [smem:$0x3FB2];
	_ =	sdelay $0x3  }
0x37: {  	[smem:$0x3FB2] =	sst s10  }
0x38: {  	s10 =	sld [smem:$0x3FB3]  }
0x39: {  	_ = 	snop;
	(pc) =	sbr.ind lr, $3  }
0x3a: {  	_ = 	snop  }
0x3b: {  	_ = 	snop  }
0x3c: {  	p2 =	seq.s32 s10, $0x1;
	s10 =	sld [smem:$0x3FB2]  }
0x3d: {  	_ =	shalt  }
0x3e: {  	_ =	shalt  }
0x3f: {  	_ =	shalt  }
0x40: {  	_ =	shalt  }
0x41: {  	_ =	shalt  }
0x42: {  	_ =	shalt  }
0x43: {  	_ =	shalt  }
0x44: {  	_ =	shalt  }
0x45: {  	_ =	shalt  }
0x46: {  	_ =	shalt  }
0x47: {  	_ =	shalt  }
0x48: {  	_ =	shalt  }
0x49: {  	_ =	shalt  }
0x4a: {  	_ =	shalt  }
0x4b: {  	_ =	shalt  }
0x4c: {  	_ =	shalt  }
0x4d: {  	_ =	shalt  }
0x4e: {  	_ =	shalt  }
0x4f: {  	_ =	shalt  }
0x50: {  	_ =	shalt  }
0x51: {  	_ =	shalt  }
0x52: {  	_ =	shalt  }
0x53: {  	_ =	shalt  }
0x54: {  	_ =	shalt  }
0x55: {  	_ =	shalt  }
0x56: {  	_ =	shalt  }
0x57: {  	_ =	shalt  }
0x58: {  	_ =	shalt  }
0x59: {  	_ =	shalt  }
0x5a: {  	_ =	shalt  }
0x5b: {  	_ =	shalt  }
0x5c: {  	_ =	shalt  }
0x5d: {  	_ =	shalt  }
0x5e: {  	_ =	shalt  }
0x5f: {  	_ =	shalt  }
0x60: {  	_ =	shalt  }
0x61: {  	_ =	shalt  }
0x62: {  	_ =	shalt  }
0x63: {  	_ =	shalt  }
0x64: {  	_ =	shalt  }
0x65: {  	_ =	shalt  }
0x66: {  	_ =	shalt  }
0x67: {  	_ =	shalt  }
0x68: {  	_ =	shalt  }
0x69: {  	_ =	shalt  }
0x6a: {  	_ =	shalt  }
0x6b: {  	_ =	shalt  }
0x6c: {  	_ =	shalt  }
0x6d: {  	_ =	shalt  }
0x6e: {  	_ =	shalt  }
0x6f: {  	_ =	shalt  }
0x70: {  	_ =	shalt  }
0x71: {  	_ =	shalt  }
0x72: {  	_ =	shalt  }
0x73: {  	_ =	shalt  }
0x74: {  	_ =	shalt  }
0x75: {  	_ =	shalt  }
0x76: {  	_ =	shalt  }
0x77: {  	_ =	shalt  }
0x78: {  	_ =	shalt  }
0x79: {  	_ =	shalt  }
0x7a: {  	_ =	shalt  }
0x7b: {  	_ =	shalt  }
0x7c: {  	_ =	shalt  }
0x7d: {  	_ =	shalt  }
0x7e: {  	_ =	shalt  }
0x7f: {  	_ =	shalt  }
0x80: {  	_ =	shalt  }
0x81: {  	_ =	shalt  }
0x82: {  	_ =	shalt  }
0x83: {  	_ =	shalt  }
0x84: {  	_ =	shalt  }
0x85: {  	_ =	shalt  }
0x86: {  	_ =	shalt  }
0x87: {  	_ =	shalt  }
.Lfunc_end0:
.L_simem_size_0:
called_computation.1_lowered:
.L_overlay_start_0:
0x88: {  	s2 =	sld [smem:$0x3FD9]  }
0x89: {  	s3 =	sld [smem:$0x3FFE];
	_ =	sdelay $0x1  }
0x8a: {  	s1 =	srdreg.scid  }
0x8b: {  	s0 =	sand.u32 $0x1, s1  }
0x8c: {  	s16 =	sshll.u32 s0, $0xA;
	s2 =	sadd.s32 s3, s2  }
0x8d: {  	s2 =	sadd.s32 s2, s16  }
0x8e: {  	[smem:$0x3FBE] =	sst s2  }
0x8f: {  	_ = 	snop  }
0x90: {  	(tm) =	ssettm $0x1  }
0x91: {  	s17 =	sld [smem:$0x3FFB];
	_ =	sdelay $0x3  }
0x92: {  	_ =	strace s17  }
0x93: {  	s2 =	sld [smem:$0x3FFC];
	_ =	sdelay $0x3  }
0x94: {  	_ =	strace s2  }
0x95: {  	s2 =	sld [smem:$0x3FFD];
	_ =	sdelay $0x3  }
0x96: {  	_ =	strace s2  }
0x97: {  	_ =	strace $0x8FFFFFFF  }
0x98: {  	s18 =	sld [smem:$0x3FDB];
	_ =	sdelay $0x1  }
0x99: {  	s19 =	simm.s32 $_scs_section_size  }
0x9a: {  	s4 =	simm.s32 $_size__tile_overlayer_lowered;
	s5 =	simm.s32 $_tile_overlayer_lowered  }
0x9b: {  	s22 =	simm.s32 $0x1BFF;
	s21 =	sshll.u32 s5, $0x1;
	s2 =	sadd.s32 s19, s18  }
0x9c: {  	s6 =	simm.s32 $0x0;
	s20 =	sshll.u32 s4, $0x1;
	s4 =	sadd.s32 s21, s2  }
0x9d: {  	[timem:s6], [sflag:s22] =	dma.local [hbm:s4], s20  }
0x9e: {  	_ =	swait.ge [sflag:s22], s20  }
0x9f: {  	s3 =	ssub.s32 $0x0, s20;
	[sflag:s22] =	ssyncset.done $0x0  }
0xa0: {  	[sflag:s22] =	ssyncadd.s32 s3;
	_ =	sdelay $0x1  }
0xa1: {  	s23 =	simm.s32 $0x1B8B  }
0xa2: {  	_ =	swait.ge [sflag:s23], $0x1  }
0xa3: {  	[sflag:s23] =	ssyncset.done $0x0  }
0xa4: {  	s25 =	simm.s32 $0x1B8E;
	s24 =	sld [smem:$0x3FFE];
	[sflag:s23] =	ssyncadd.s32 $0xFFFFFFFF  }
0xa5: {  	s26 =	simm.s32 $execute0_lowered;
	[smem:$0x3FD2] =	sst s25  }
0xa6: {  	s4 =	sshll.u32 s26, $0x1;
	_ =	strace $0x80000049;
	[dreg:$0x1] =	wrdreg $0xFFFFFFFF  }
0xa7: {  	s28 =	simm.s32 $_size_execute0_lowered;
	s2 =	sadd.s32 s2, s4;
	[dreg:$0x0] =	wrdreg $0x0  }
0xa8: {  	s4 =	sshll.u32 s28, $0x1;
	[dreg:$0x2] =	wrdreg s2  }
0xa9: {  	[dreg:$0x3] =	wrdreg s4  }
0xaa: {  	[dreg:$0x4] =	wrdreg $0xC0  }
0xab: {  	_ =	task [dreg:s6], $0x5FFFF  }
0xac: {  	[dreg:$0x1] =	wrdreg $0xFFFFFFFF  }
0xad: {  	[dreg:$0x0] =	wrdreg $0x60  }
0xae: {  	[dreg:$0x2] =	wrdreg s24  }
0xaf: {  	[dreg:$0x3] =	wrdreg $0xD0000  }
0xb0: {  	[dreg:$0x4] =	wrdreg $0x9  }
0xb1: {  	_ =	task.clear_ibuf [dreg:s6], $0x5FFFF;
	_ =	strace $0x90000049  }
0xb2: {  	s29 =	simm.s32 $0x9;
	_ =	strace $0x8000004B  }
0xb3: {  	_ =	swait.ge [sflag:s29], $0x1  }
0xb4: {  	[sflag:s29] =	ssyncadd.s32 $0xFFFFFFFF  }
0xb5: {  	_ =	strace $0x9000004B  }
0xb6: {  	_ =	sfence  }
0xb7: {  	s30 =	sld [smem:$0x0];
	_ =	sdelay $0x2  }
0xb8: {  	s31 =	sshll.u32 s1, $0xD;
	s1 =	sshrl.u32 s1, $0x2  }
0xb9: {  	s3 =	sand.u32 $0x4000, s31;
	s1 =	sadd.s32 s1, s30  }
0xba: {  	s0 =	sor.u32 s3, s0;
	s1 =	sshll.u32 s1, $0x11  }
0xbb: {  	s0 =	sor.u32 s1, s0  }
0xbc: {  	s0 =	sadd.s32 $0x8F2B, s0  }
0xbd: {  	[sflag:s0] =	ssyncadd.remote.s32 $0x1  }
0xbe: {  	_ =	sfence.sel $0xFFFF  }
0xbf: {  	[dreg:$0x0] =	wrdreg $0xFFFFFFFF;
	(pc) =	sbr.abs _section_cstart, $3  }
0xc0: {  	[dreg:$0x1] =	wrdreg $0xFFFFFFFF  }
0xc1: {  	_ =	task.clear_ibuf [dreg:s6], $0x2FFFF;
	_ =	strace $0x9FFFFFFF  }
0xc2: {  	(tm) =	ssettm $0x7FFFFFFF  }
0xc3: {  	_ =	shalt  }
tec
execute0_lowered:
.L_overlay_start_1:
0x0: {  	(tag) =	ssettag $0x1  }
0x1: {  	s0 =	srdreg.scid  }
0x2: {  	s11 =	stileid.u32;
	s6 =	rddreg [dreg:$0x0]  }
0x3: {  	s2 =	rddreg [dreg:$0x1];
	s3 =	simm.s32 $0x0;
	s12 =	simm.s32 $0x9  }
0x4: {  	s13 =	simm.s32 $0x2800;
	s14 =	simm.s32 $0x80;
	s15 =	simm.s32 $0x5000  }
0x5: {  	s16 =	simm.s32 $0x7000;
	s17 =	simm.s32 $0x1;
	s19 =	simm.s32 $0x9000  }
0x6: {  	s20 =	simm.s32 $0x2;
	s23 =	simm.s32 $0xB000;
	s24 =	simm.s32 $0x3  }
0x7: {  	s26 =	simm.s32 $0x5;
	s29 =	simm.s32 $0x4;
	s31 =	simm.s32 $0x6  }
0x8: {  	s18 =	simm.s32 $0x8;
	s21 =	simm.s32 $0x0;
	s0 =	sand.u32 $0x1, s0  }
0x9: {  	s7 =	smul.u32 $0xA000, s11;
	[smem:$0x7FF] =	sst s3;
	s4 =	sadd.s32 $0x16A00, s6  }
0xa: {  	s28 =	sshll.u32 s11, $0x6;
	s1 =	sshll.u32 s0, $0x4;
	s5 =	smul.u32 $0xA0000, s0  }
0xb: {  	_ =	strace $0x8000004A;
	s0 =	ssub.s32 $0x2, s0;
	s1 =	sor.u32 s11, s1  }
0xc: {  	s9 =	sshrl.u32 s0, $0x1;
	s30 =	sadd.s32 s7, s2;
	s1 =	smul.u32 $0x500, s1  }
.Ltmp0:
0xd: {  	s8 =	sadd.s32 s7, s5;
	s5 =	sadd.s32 $0x2AA00, s6;
	(pc) =	sbr.rel .LBB2_1-.Ltmp0, $4  }
0xe: {  	s0 =	ssub.s32 s0, s9;
	s11 =	sshrl.u32 s30, $0x3;
	s8 =	sshrl.u32 s8, $0x3  }
0xf: {  	s1 =	sadd.s32 s1, s6;
	s10 =	sadd.s32 s8, s6;
	s6 =	sor.u32 $0x1C09, s28  }
0x10: {  	s7 =	sadd.s32 $0xCA00, s1;
	s8 =	sadd.s32 $0x2A00, s1;
	s9 =	sadd.s32 $0x2BE00, s10  }
0x11: {  	s10 =	smax.u32 s0, $0x1;
	s1 =	simm.s32 $0x280;
	s0 =	simm.s32 $0x7  }
.LBB2_4:
0x12: {  	_ =	swait.ge [sflag:s29], $0x2000  }
0x13: {  	[sflag:s29] =	ssyncset.done $0x0  }
0x14: {  	[sflag:s29] =	ssyncadd.s32 $0xFFFFE000  }
0x15: {  	[spmem:s2] =	stream.indirect.scatter.add.f32 [tilespmem:s23], [sflag:$0x8], $0x40, s28, s14, $0xb8;
	[tilespmem:$0x17000] =	vst v63  }
0x16: {  	_ =	swait.ge [sflag:s31], $0x2000  }
0x17: {  	[sflag:s31] =	ssyncset.done $0x0  }
0x18: {  	[sflag:s31] =	ssyncadd.s32 $0xFFFFE000  }
0x19: {  	_ =	swait.ge [sflag:s0], $0x2000  }
0x1a: {  	[sflag:s0] =	ssyncset.done $0x0  }
0x1b: {  	[sflag:s0] =	ssyncadd.s32 $0xFFFFE000  }
0x1c: {  	_ =	swait.ge [sflag:s18], $0x2000  }
0x1d: {  	s21 =	sadd.s32 $0x1, s21;
	[sflag:s18] =	ssyncset.done $0x0  }
0x1e: {  	p0 =	sne.s32 s21, s10;
	[sflag:s18] =	ssyncadd.s32 $0xFFFFE000  }
.Ltmp1:
0x1f: {  	[bflag:$0x0] =	sbarrier.arrive $0xFFFF;
	(pc) =	sbr.rel @!p0 .LBB2_5-.Ltmp1, $4  }
0x20: {  	[hbm:s9], [sflag:s6] =	dma.local [spmem:s11], $0x1400  }
0x21: {  	_ =	swait.ge [sflag:s12], $0x1400  }
0x22: {  	[sflag:s12] =	ssyncset.done $0x0  }
0x23: {  	[sflag:s12] =	ssyncadd.s32 $0xFFFFEC00  }
.LBB2_1:
0x24: {  	[spmem:s11], [sflag:s6] =	dma.local [hbm:s5], $0x1400  }
0x25: {  	_ =	swait.ge [sflag:s12], $0x1400  }
0x26: {  	[sflag:s12] =	ssyncset.done $0x0  }
0x27: {  	[sflag:s12] =	ssyncadd.s32 $0xFFFFEC00  }
0x28: {  	[tilespmem:s3], [sflag:$0x9] =	stream.linear.gather [hbm4b:s7+s3], $0x2800, $0x38;
	[tilespmem:$0x17000] =	vst v63  }
0x29: {  	_ =	swait.ge [sflag:s12], $0x2800  }
0x2a: {  	[sflag:s12] =	ssyncset.done $0x0  }
0x2b: {  	[sflag:s12] =	ssyncadd.s32 $0xFFFFD800  }
0x2c: {  	[tilespmem:s13], [sflag:$0x9] =	stream.linear.gather [hbm4b:s8+s3], $0x2800, $0x38;
	[tilespmem:$0x17000] =	vst v63  }
0x2d: {  	_ =	swait.ge [sflag:s12], $0x2800  }
0x2e: {  	[sflag:s12] =	ssyncset.done $0x0  }
0x2f: {  	[sflag:s12] =	ssyncadd.s32 $0xFFFFD800  }
0x30: {  	[bflag:$0x0] =	sbarrier.arrive $0xFFFF  }
0x31: {  	[tilespmem:s15], [sflag:$0x1] =	stream.indirect.gather [hbm4b:s4+s14], $0x40, s3, s14, $0xb8;
	[tilespmem:$0x17000] =	vst v63  }
0x32: {  	_ = 	snop  }
0x33: {  	[tilespmem:s16], [sflag:$0x2] =	stream.indirect.gather [hbm4b:s4+s14], $0x40, s14, s14, $0xb8;
	[tilespmem:$0x17000] =	vst v63  }
0x34: {  	_ =	swait.ge [sflag:s17], $0x2000  }
0x35: {  	[sflag:s17] =	ssyncset.done $0x0  }
0x36: {  	[sflag:s17] =	ssyncadd.s32 $0xFFFFE000  }
0x37: {  	[spmem:s2] =	stream.indirect.scatter.add.f32 [tilespmem:s15], [sflag:$0x5], $0x40, s13, s14, $0xb8;
	[tilespmem:$0x17000] =	vst v63  }
0x38: {  	s22 =	simm.s32 $0x100  }
0x39: {  	[tilespmem:s19], [sflag:$0x3] =	stream.indirect.gather [hbm4b:s4+s14], $0x40, s22, s14, $0xb8;
	[tilespmem:$0x17000] =	vst v63  }
0x3a: {  	_ =	swait.ge [sflag:s20], $0x2000  }
0x3b: {  	[sflag:s20] =	ssyncset.done $0x0  }
0x3c: {  	s28 =	simm.s32 $0x2880;
	[sflag:s20] =	ssyncadd.s32 $0xFFFFE000  }
0x3d: {  	[spmem:s2] =	stream.indirect.scatter.add.f32 [tilespmem:s16], [sflag:$0x6], $0x40, s28, s14, $0xb8;
	[tilespmem:$0x17000] =	vst v63  }
0x3e: {  	s30 =	simm.s32 $0x180  }
0x3f: {  	[tilespmem:s23], [sflag:$0x4] =	stream.indirect.gather [hbm4b:s4+s14], $0x40, s30, s14, $0xb8;
	[tilespmem:$0x17000] =	vst v63  }
0x40: {  	_ =	swait.ge [sflag:s24], $0x2000  }
0x41: {  	[sflag:s24] =	ssyncset.done $0x0  }
0x42: {  	s25 =	simm.s32 $0x2900;
	[sflag:s24] =	ssyncadd.s32 $0xFFFFE000  }
0x43: {  	[spmem:s2] =	stream.indirect.scatter.add.f32 [tilespmem:s19], [sflag:$0x7], $0x40, s25, s14, $0xb8;
	[tilespmem:$0x17000] =	vst v63  }
0x44: {  	_ =	swait.ge [sflag:s26], $0x2000  }
0x45: {  	[sflag:s26] =	ssyncset.done $0x0  }
0x46: {  	s28 =	simm.s32 $0x200;
	[sflag:s26] =	ssyncadd.s32 $0xFFFFE000  }
0x47: {  	[tilespmem:s15], [sflag:$0x1] =	stream.indirect.gather [hbm4b:s4+s14], $0x40, s28, s14, $0xb8;
	[tilespmem:$0x17000] =	vst v63  }
0x48: {  	_ =	swait.ge [sflag:s29], $0x2000  }
0x49: {  	[sflag:s29] =	ssyncset.done $0x0  }
0x4a: {  	s30 =	simm.s32 $0x2980;
	[sflag:s29] =	ssyncadd.s32 $0xFFFFE000  }
0x4b: {  	[spmem:s2] =	stream.indirect.scatter.add.f32 [tilespmem:s23], [sflag:$0x8], $0x40, s30, s14, $0xb8;
	[tilespmem:$0x17000] =	vst v63  }
0x4c: {  	_ =	swait.ge [sflag:s31], $0x2000  }
0x4d: {  	[sflag:s31] =	ssyncset.done $0x0  }
0x4e: {  	s22 =	simm.s32 $0x0;
	[sflag:s31] =	ssyncadd.s32 $0xFFFFE000  }
0x4f: {  	[tilespmem:s16], [sflag:$0x2] =	stream.indirect.gather [hbm4b:s4+s14], $0x40, s1, s14, $0xb8;
	[tilespmem:$0x17000] =	vst v63  }
.LBB2_2:
0x50: {  	_ =	swait.ge [sflag:s17], $0x2000  }
0x51: {  	s25 =	sshra.s32 s22, $0x2;
	[sflag:s17] =	ssyncset.done $0x0  }
0x52: {  	s28 =	sadd.s32 $0x2A00, s25;
	[sflag:s17] =	ssyncadd.s32 $0xFFFFE000  }
0x53: {  	[spmem:s2] =	stream.indirect.scatter.add.f32 [tilespmem:s15], [sflag:$0x5], $0x40, s28, s14, $0xb8;
	[tilespmem:$0x17000] =	vst v63  }
0x54: {  	_ =	swait.ge [sflag:s0], $0x2000  }
0x55: {  	[sflag:s0] =	ssyncset.done $0x0  }
0x56: {  	s28 =	sadd.s32 $0x300, s25;
	[sflag:s0] =	ssyncadd.s32 $0xFFFFE000  }
0x57: {  	[tilespmem:s19], [sflag:$0x3] =	stream.indirect.gather [hbm4b:s4+s14], $0x40, s28, s14, $0xb8;
	[tilespmem:$0x17000] =	vst v63  }
0x58: {  	_ =	swait.ge [sflag:s20], $0x2000  }
0x59: {  	[sflag:s20] =	ssyncset.done $0x0  }
0x5a: {  	s28 =	sadd.s32 $0x2A80, s25;
	[sflag:s20] =	ssyncadd.s32 $0xFFFFE000  }
0x5b: {  	[spmem:s2] =	stream.indirect.scatter.add.f32 [tilespmem:s16], [sflag:$0x6], $0x40, s28, s14, $0xb8;
	[tilespmem:$0x17000] =	vst v63  }
0x5c: {  	_ =	swait.ge [sflag:s18], $0x2000  }
0x5d: {  	[sflag:s18] =	ssyncset.done $0x0  }
0x5e: {  	s28 =	sadd.s32 $0x380, s25;
	[sflag:s18] =	ssyncadd.s32 $0xFFFFE000  }
0x5f: {  	[tilespmem:s23], [sflag:$0x4] =	stream.indirect.gather [hbm4b:s4+s14], $0x40, s28, s14, $0xb8;
	[tilespmem:$0x17000] =	vst v63  }
0x60: {  	_ =	swait.ge [sflag:s24], $0x2000  }
0x61: {  	p0 =	seq.s32 s22, $0x9000;
	[sflag:s24] =	ssyncset.done $0x0  }
.Ltmp2:
0x62: {  	s28 =	sadd.s32 $0x2B00, s25;
	[sflag:s24] =	ssyncadd.s32 $0xFFFFE000;
	(pc) =	sbr.rel @p0 .LBB2_4-.Ltmp2, $4  }
0x63: {  	[spmem:s2] =	stream.indirect.scatter.add.f32 [tilespmem:s19], [sflag:$0x7], $0x40, s28, s14, $0xb8;
	[tilespmem:$0x17000] =	vst v63  }
0x64: {  	_ =	swait.ge [sflag:s26], $0x2000  }
0x65: {  	[sflag:s26] =	ssyncset.done $0x0  }
0x66: {  	s28 =	sadd.s32 $0x2B80, s25;
	[sflag:s26] =	ssyncadd.s32 $0xFFFFE000  }
0x67: {  	s30 =	sadd.s32 $0x400, s25  }
0x68: {  	[tilespmem:s15], [sflag:$0x1] =	stream.indirect.gather [hbm4b:s4+s14], $0x40, s30, s14, $0xb8;
	[tilespmem:$0x17000] =	vst v63  }
0x69: {  	_ =	swait.ge [sflag:s29], $0x2000  }
0x6a: {  	[sflag:s29] =	ssyncset.done $0x0  }
0x6b: {  	[sflag:s29] =	ssyncadd.s32 $0xFFFFE000  }
0x6c: {  	[spmem:s2] =	stream.indirect.scatter.add.f32 [tilespmem:s23], [sflag:$0x8], $0x40, s28, s14, $0xb8;
	[tilespmem:$0x17000] =	vst v63  }
.Ltmp3:
0x6d: {  	_ = 	snop;
	(pc) =	sbr.rel .LBB2_2-.Ltmp3, $4  }
0x6e: {  	_ =	swait.ge [sflag:s31], $0x2000  }
0x6f: {  	[sflag:s31] =	ssyncset.done $0x0  }
0x70: {  	s22 =	sadd.s32 $0x800, s22;
	s30 =	sadd.s32 $0x480, s25;
	[sflag:s31] =	ssyncadd.s32 $0xFFFFE000  }
0x71: {  	[tilespmem:s16], [sflag:$0x2] =	stream.indirect.gather [hbm4b:s4+s14], $0x40, s30, s14, $0xb8;
	[tilespmem:$0x17000] =	vst v63  }
.LBB2_5:
0x72: {  	_ =	sfence.sel $0x180000  }
0x73: {  	[bflag:$0x0] =	sbarrier.arrive $0xFFFF  }
0x74: {  	_ =	strace $0x9000004A  }
0x75: {  	s0 =	stileid.u32;
	[bflag:$0x2] =	sbarrier.arrive $0xFFFF  }
0x76: {  	p0 =	sne.s32 s0, $0x0;
	s0 =	rddreg [dreg:$0x2]  }
0x77: {  	s0 =	sadd.s32 @!p0 $0x100000, s0  }
0x78: {  	[sflag:s0] =	ssyncadd.tile.s32 @!p0 $0x1;
	_ =	shalt  }
.Lfunc_end2:
_tile_overlayer_lowered:
.L_overlay_start_2:
0x79: {  	(tag) =	ssettag $0x2  }
0x7a: {  	s0 =	rddreg [dreg:$0x0];
	s2 =	stileid.u32  }
0x7b: {  	s1 =	rddreg [dreg:$0x1];
	p0 =	sne.s32 s2, $0x0  }
0x7c: {  	s3 =	rddreg [dreg:$0x2];
	[bflag:$0x3] =	sbarrier.arrive $0xFFFF;
	s2 =	simm.s32 @!p0 $0x1C09  }
0x7d: {  	[timem:s3], [sflag:s2] =	dma.local @!p0 [hbm:s0], s1  }
0x7e: {  	s0 =	simm.s32 @!p0 $0x9  }
0x7f: {  	_ =	swait.ge @!p0 [sflag:s0], s1  }
0x80: {  	s1 =	ssub.s32 @!p0 $0x0, s1;
	[sflag:s0] =	ssyncset.done @!p0 $0x0  }
0x81: {  	[sflag:s0] =	ssyncadd.s32 @!p0 s1  }
0x82: {  	[bflag:$0x3] =	sbarrier.arrive $0xFFFF  }
0x83: {  	_ =	shalt  }

// kernel: kernel.17.cloned.1.call-start
scs
__scs_entry_jumppad:
0x0: {  	(pc) =	sbr.rel $0x88, $3  }
0x1: {  	(tag) =	ssettag $0x0;
	lr =	simm.s32 $0x1  }
0x2: {  	[smem:$0x3F97] =	sst lr;
	_ =	strace $0xD0000000  }
0x3: {  	_ = 	snop  }
0x4: {  	_ = 	snop  }
0x5: {  	_ = 	snop  }
0x6: {  	_ = 	snop  }
0x7: {  	_ = 	snop  }
__scs_overlays_trampoline_lowered:
0x8: {  	[smem:$0x3FA6] =	sst s0  }
0x9: {  	[smem:$0x3FA7] =	sst s1  }
0xa: {  	[smem:$0x3FA8] =	sst s2  }
0xb: {  	[smem:$0x3FA9] =	sst s3  }
0xc: {  	[smem:$0x3FAA] =	sst s4  }
0xd: {  	[smem:$0x3FAB] =	sst s5  }
0xe: {  	[smem:$0x3FAC] =	sst s6  }
0xf: {  	[smem:$0x3FAD] =	sst s7  }
0x10: {  	[smem:$0x3FAE] =	sst s8  }
0x11: {  	[smem:$0x3FAF] =	sst s9;
	s0 =	simm.s32 @!p0 $0x0  }
0x12: {  	s1 =	sld [smem:$0x3F95];
	s0 =	simm.s32 @p0 $0x1  }
0x13: {  	[smem:$0x3FB0] =	sst s0;
	s0 =	simm.s32 @!p1 $0x0  }
0x14: {  	s2 =	sld [smem:$0x3F94];
	s0 =	simm.s32 @p1 $0x1  }
0x15: {  	[smem:$0x3FB1] =	sst s0;
	s0 =	simm.s32 @!p2 $0x0  }
0x16: {  	s3 =	sld [smem:$0x3FDB];
	s0 =	simm.s32 @p2 $0x1  }
0x17: {  	s4 =	simm.s32 $0x1BF5;
	[smem:$0x3FB3] =	sst s0  }
0x18: {  	s0 =	sld [smem:$0x3F96];
	_ =	swait.ge [sflag:s4], $0x0  }
0x19: {  	s7 =	sld [smem:$0x3F97]  }
0x1a: {  	s8 =	sadd.s32 $0xFFFFE003, lr  }
0x1b: {  	s9 =	sadd.s32 $0xFFFFFEF7, lr;
	s5 =	simm.s32 $0xFFFFFFFF;
	p2 =	slt.u32 s8, $0xFFFFF086  }
0x1c: {  	p1 =	slt.u32 s9, $0xF7A;
	s5 =	simm.s32 @!p2 $0x0  }
0x1d: {  	s5 =	simm.s32 @p1 $0x1;
	p0 =	seq.s32 s7, s2  }
0x1e: {  	s7 =	smul.u32 @!p0 $0xF7A, s2;
	p2 =	seq.s32 @!p0 s5, $0x0  }
0x1f: {  	s9 =	smul.u32 $0xF7A, s1;
	s8 =	simm.s32 @!p0 $0x1BF5;
	p2 =	por !p2, p0  }
0x20: {  	[sflag:s8] =	ssyncset.s32 @!p0 $0xFFFFF086;
	s6 =	sadd.s32 @!p0 s3, s7;
	s7 =	simm.s32 @!p0 $0x108  }
0x21: {  	s3 =	sadd.s32 s3, s9;
	s6 =	sadd.s32 @!p0 $0x88, s6;
	s7 =	simm.s32 @p2 $0x1082  }
0x22: {  	[simem:s7], [sflag:s8] =	dma.local @!p0 [hbm:s6], $0xF7A  }
0x23: {  	s9 =	sor.u32 $0xD0000000, s2;
	s6 =	simm.s32 $0x108;
	_ =	swait.ge @!p0 [sflag:s8], $0x0  }
0x24: {  	s3 =	sadd.s32 $0x88, s3;
	s6 =	simm.s32 @!p1 $0x1082;
	[sflag:s4] =	ssyncset.s32 $0xFFFFF086  }
0x25: {  	[simem:s6], [sflag:s4] =	dma.local [hbm:s3], $0xF7A  }
0x26: {  	[smem:$0x3F97] =	sst s1;
	(tag) =	ssettag s2;
	_ =	strace s9  }
0x27: {  	s1 =	sld [smem:$0x3FA7]  }
0x28: {  	s2 =	sld [smem:$0x3FA8]  }
0x29: {  	s4 =	sld [smem:$0x3FAA]  }
0x2a: {  	p0 =	seq.s32 s5, $0x0;
	s5 =	sld [smem:$0x3FAB]  }
0x2b: {  	s6 =	sld [smem:$0x3FAC]  }
0x2c: {  	s7 =	sld [smem:$0x3FAD]  }
0x2d: {  	s3 =	simm.s32 $0x108;
	s8 =	sld [smem:$0x3FAE]  }
0x2e: {  	s3 =	simm.s32 @!p0 $0x1082;
	s9 =	sld [smem:$0x3FAF]  }
0x2f: {  	lr =	sadd.s32 s0, s3;
	s0 =	sld [smem:$0x3FA6]  }
0x30: {  	s3 =	sld [smem:$0x3FA9]  }
0x31: {  	[smem:$0x3FB2] =	sst s10  }
0x32: {  	s10 =	sld [smem:$0x3FB0];
	_ =	sdelay $0x3  }
0x33: {  	p0 =	seq.s32 s10, $0x1;
	s10 =	sld [smem:$0x3FB2];
	_ =	sdelay $0x3  }
0x34: {  	[smem:$0x3FB2] =	sst s10  }
0x35: {  	s10 =	sld [smem:$0x3FB1];
	_ =	sdelay $0x3  }
0x36: {  	p1 =	seq.s32 s10, $0x1;
	s10 =	sld [smem:$0x3FB2];
	_ =	sdelay $0x3  }
0x37: {  	[smem:$0x3FB2] =	sst s10  }
0x38: {  	s10 =	sld [smem:$0x3FB3]  }
0x39: {  	_ = 	snop;
	(pc) =	sbr.ind lr, $3  }
0x3a: {  	_ = 	snop  }
0x3b: {  	_ = 	snop  }
0x3c: {  	p2 =	seq.s32 s10, $0x1;
	s10 =	sld [smem:$0x3FB2]  }
0x3d: {  	_ =	shalt  }
0x3e: {  	_ =	shalt  }
0x3f: {  	_ =	shalt  }
0x40: {  	_ =	shalt  }
0x41: {  	_ =	shalt  }
0x42: {  	_ =	shalt  }
0x43: {  	_ =	shalt  }
0x44: {  	_ =	shalt  }
0x45: {  	_ =	shalt  }
0x46: {  	_ =	shalt  }
0x47: {  	_ =	shalt  }
0x48: {  	_ =	shalt  }
0x49: {  	_ =	shalt  }
0x4a: {  	_ =	shalt  }
0x4b: {  	_ =	shalt  }
0x4c: {  	_ =	shalt  }
0x4d: {  	_ =	shalt  }
0x4e: {  	_ =	shalt  }
0x4f: {  	_ =	shalt  }
0x50: {  	_ =	shalt  }
0x51: {  	_ =	shalt  }
0x52: {  	_ =	shalt  }
0x53: {  	_ =	shalt  }
0x54: {  	_ =	shalt  }
0x55: {  	_ =	shalt  }
0x56: {  	_ =	shalt  }
0x57: {  	_ =	shalt  }
0x58: {  	_ =	shalt  }
0x59: {  	_ =	shalt  }
0x5a: {  	_ =	shalt  }
0x5b: {  	_ =	shalt  }
0x5c: {  	_ =	shalt  }
0x5d: {  	_ =	shalt  }
0x5e: {  	_ =	shalt  }
0x5f: {  	_ =	shalt  }
0x60: {  	_ =	shalt  }
0x61: {  	_ =	shalt  }
0x62: {  	_ =	shalt  }
0x63: {  	_ =	shalt  }
0x64: {  	_ =	shalt  }
0x65: {  	_ =	shalt  }
0x66: {  	_ =	shalt  }
0x67: {  	_ =	shalt  }
0x68: {  	_ =	shalt  }
0x69: {  	_ =	shalt  }
0x6a: {  	_ =	shalt  }
0x6b: {  	_ =	shalt  }
0x6c: {  	_ =	shalt  }
0x6d: {  	_ =	shalt  }
0x6e: {  	_ =	shalt  }
0x6f: {  	_ =	shalt  }
0x70: {  	_ =	shalt  }
0x71: {  	_ =	shalt  }
0x72: {  	_ =	shalt  }
0x73: {  	_ =	shalt  }
0x74: {  	_ =	shalt  }
0x75: {  	_ =	shalt  }
0x76: {  	_ =	shalt  }
0x77: {  	_ =	shalt  }
0x78: {  	_ =	shalt  }
0x79: {  	_ =	shalt  }
0x7a: {  	_ =	shalt  }
0x7b: {  	_ =	shalt  }
0x7c: {  	_ =	shalt  }
0x7d: {  	_ =	shalt  }
0x7e: {  	_ =	shalt  }
0x7f: {  	_ =	shalt  }
0x80: {  	_ =	shalt  }
0x81: {  	_ =	shalt  }
0x82: {  	_ =	shalt  }
0x83: {  	_ =	shalt  }
0x84: {  	_ =	shalt  }
0x85: {  	_ =	shalt  }
0x86: {  	_ =	shalt  }
0x87: {  	_ =	shalt  }
.Lfunc_end0:
.L_simem_size_0:
called_computation.2_lowered:
.L_overlay_start_0:
0x88: {  	s2 =	sld [smem:$0x3FD9]  }
0x89: {  	s3 =	sld [smem:$0x3FFE];
	_ =	sdelay $0x1  }
0x8a: {  	s1 =	srdreg.scid  }
0x8b: {  	s0 =	sand.u32 $0x1, s1  }
0x8c: {  	s16 =	sshll.u32 s0, $0xA;
	s2 =	sadd.s32 s3, s2  }
0x8d: {  	s2 =	sadd.s32 s2, s16  }
0x8e: {  	[smem:$0x3FBE] =	sst s2  }
0x8f: {  	_ = 	snop  }
0x90: {  	(tm) =	ssettm $0x1  }
0x91: {  	s17 =	sld [smem:$0x3FFB];
	_ =	sdelay $0x3  }
0x92: {  	_ =	strace s17  }
0x93: {  	s2 =	sld [smem:$0x3FFC];
	_ =	sdelay $0x3  }
0x94: {  	_ =	strace s2  }
0x95: {  	s2 =	sld [smem:$0x3FFD];
	_ =	sdelay $0x3  }
0x96: {  	_ =	strace s2  }
0x97: {  	_ =	strace $0x8FFFFFFF  }
0x98: {  	s18 =	sld [smem:$0x3FDB];
	_ =	sdelay $0x1  }
0x99: {  	s19 =	simm.s32 $_scs_section_size  }
0x9a: {  	s4 =	simm.s32 $_size__tile_overlayer_lowered;
	s5 =	simm.s32 $_tile_overlayer_lowered  }
0x9b: {  	s22 =	simm.s32 $0x1BFF;
	s21 =	sshll.u32 s5, $0x1;
	s2 =	sadd.s32 s19, s18  }
0x9c: {  	s6 =	simm.s32 $0x0;
	s20 =	sshll.u32 s4, $0x1;
	s4 =	sadd.s32 s21, s2  }
0x9d: {  	[timem:s6], [sflag:s22] =	dma.local [hbm:s4], s20  }
0x9e: {  	_ =	swait.ge [sflag:s22], s20  }
0x9f: {  	s3 =	ssub.s32 $0x0, s20;
	[sflag:s22] =	ssyncset.done $0x0  }
0xa0: {  	[sflag:s22] =	ssyncadd.s32 s3;
	_ =	sdelay $0x1  }
0xa1: {  	s23 =	simm.s32 $0x1B8B  }
0xa2: {  	_ =	swait.ge [sflag:s23], $0x1  }
0xa3: {  	[sflag:s23] =	ssyncset.done $0x0  }
0xa4: {  	s25 =	simm.s32 $0x1B8E;
	s24 =	sld [smem:$0x3FFE];
	[sflag:s23] =	ssyncadd.s32 $0xFFFFFFFF  }
0xa5: {  	s26 =	simm.s32 $execute0_lowered;
	[smem:$0x3FD2] =	sst s25  }
0xa6: {  	s4 =	sshll.u32 s26, $0x1;
	_ =	strace $0x8000004C;
	[dreg:$0x1] =	wrdreg $0xFFFFFFFF  }
0xa7: {  	s28 =	simm.s32 $_size_execute0_lowered;
	s2 =	sadd.s32 s2, s4;
	[dreg:$0x0] =	wrdreg $0x0  }
0xa8: {  	s4 =	sshll.u32 s28, $0x1;
	[dreg:$0x2] =	wrdreg s2  }
0xa9: {  	[dreg:$0x3] =	wrdreg s4  }
0xaa: {  	[dreg:$0x4] =	wrdreg $0xC0  }
0xab: {  	_ =	task [dreg:s6], $0x5FFFF  }
0xac: {  	[dreg:$0x1] =	wrdreg $0xFFFFFFFF  }
0xad: {  	[dreg:$0x0] =	wrdreg $0x60  }
0xae: {  	[dreg:$0x2] =	wrdreg s24  }
0xaf: {  	[dreg:$0x3] =	wrdreg $0xD0000  }
0xb0: {  	[dreg:$0x4] =	wrdreg $0x9  }
0xb1: {  	_ =	task.clear_ibuf [dreg:s6], $0x5FFFF;
	_ =	strace $0x9000004C  }
0xb2: {  	s29 =	simm.s32 $0x9;
	_ =	strace $0x8000004E  }
0xb3: {  	_ =	swait.ge [sflag:s29], $0x1  }
0xb4: {  	[sflag:s29] =	ssyncadd.s32 $0xFFFFFFFF  }
0xb5: {  	_ =	strace $0x9000004E  }
0xb6: {  	_ =	sfence  }
0xb7: {  	s30 =	sld [smem:$0x0];
	_ =	sdelay $0x2  }
0xb8: {  	s31 =	sshll.u32 s1, $0xD;
	s1 =	sshrl.u32 s1, $0x2  }
0xb9: {  	s3 =	sand.u32 $0x4000, s31;
	s1 =	sadd.s32 s1, s30  }
0xba: {  	s0 =	sor.u32 s3, s0;
	s1 =	sshll.u32 s1, $0x11  }
0xbb: {  	s0 =	sor.u32 s1, s0  }
0xbc: {  	s0 =	sadd.s32 $0x8F2B, s0  }
0xbd: {  	[sflag:s0] =	ssyncadd.remote.s32 $0x1  }
0xbe: {  	_ =	sfence.sel $0xFFFF  }
0xbf: {  	[dreg:$0x0] =	wrdreg $0xFFFFFFFF;
	(pc) =	sbr.abs _section_cstart, $3  }
0xc0: {  	[dreg:$0x1] =	wrdreg $0xFFFFFFFF  }
0xc1: {  	_ =	task.clear_ibuf [dreg:s6], $0x2FFFF;
	_ =	strace $0x9FFFFFFF  }
0xc2: {  	(tm) =	ssettm $0x7FFFFFFF  }
0xc3: {  	_ =	shalt  }
tec
execute0_lowered:
.L_overlay_start_1:
0x0: {  	(tag) =	ssettag $0x1  }
0x1: {  	s0 =	srdreg.scid  }
0x2: {  	s11 =	stileid.u32;
	s6 =	rddreg [dreg:$0x0]  }
0x3: {  	s2 =	rddreg [dreg:$0x1];
	s3 =	simm.s32 $0x0;
	s12 =	simm.s32 $0x9  }
0x4: {  	s13 =	simm.s32 $0x2800;
	s14 =	simm.s32 $0x80;
	s15 =	simm.s32 $0x5000  }
0x5: {  	s16 =	simm.s32 $0x7000;
	s17 =	simm.s32 $0x1;
	s19 =	simm.s32 $0x9000  }
0x6: {  	s20 =	simm.s32 $0x2;
	s23 =	simm.s32 $0xB000;
	s24 =	simm.s32 $0x3  }
0x7: {  	s26 =	simm.s32 $0x5;
	s29 =	simm.s32 $0x4;
	s31 =	simm.s32 $0x6  }
0x8: {  	s18 =	simm.s32 $0x8;
	s21 =	simm.s32 $0x0;
	s0 =	sand.u32 $0x1, s0  }
0x9: {  	s7 =	smul.u32 $0xA000, s11;
	[smem:$0x7FF] =	sst s3;
	s4 =	sadd.s32 $0x16A00, s6  }
0xa: {  	s28 =	sshll.u32 s11, $0x6;
	s1 =	sshll.u32 s0, $0x4;
	s5 =	smul.u32 $0xA0000, s0  }
0xb: {  	_ =	strace $0x8000004D;
	s0 =	ssub.s32 $0x2, s0;
	s1 =	sor.u32 s11, s1  }
0xc: {  	s9 =	sshrl.u32 s0, $0x1;
	s30 =	sadd.s32 s7, s2;
	s1 =	smul.u32 $0x500, s1  }
.Ltmp0:
0xd: {  	s8 =	sadd.s32 s7, s5;
	s5 =	sadd.s32 $0x2AA00, s6;
	(pc) =	sbr.rel .LBB2_1-.Ltmp0, $4  }
0xe: {  	s0 =	ssub.s32 s0, s9;
	s11 =	sshrl.u32 s30, $0x3;
	s8 =	sshrl.u32 s8, $0x3  }
0xf: {  	s1 =	sadd.s32 s1, s6;
	s10 =	sadd.s32 s8, s6;
	s6 =	sor.u32 $0x1C09, s28  }
0x10: {  	s7 =	sadd.s32 $0xCA00, s1;
	s8 =	sadd.s32 $0x2A00, s1;
	s9 =	sadd.s32 $0x2BE00, s10  }
0x11: {  	s10 =	smax.u32 s0, $0x1;
	s1 =	simm.s32 $0x280;
	s0 =	simm.s32 $0x7  }
.LBB2_4:
0x12: {  	_ =	swait.ge [sflag:s29], $0x2000  }
0x13: {  	[sflag:s29] =	ssyncset.done $0x0  }
0x14: {  	[sflag:s29] =	ssyncadd.s32 $0xFFFFE000  }
0x15: {  	[spmem:s2] =	stream.indirect.scatter.add.f32 [tilespmem:s23], [sflag:$0x8], $0x40, s28, s14, $0xb8;
	[tilespmem:$0x17000] =	vst v63  }
0x16: {  	_ =	swait.ge [sflag:s31], $0x2000  }
0x17: {  	[sflag:s31] =	ssyncset.done $0x0  }
0x18: {  	[sflag:s31] =	ssyncadd.s32 $0xFFFFE000  }
0x19: {  	_ =	swait.ge [sflag:s0], $0x2000  }
0x1a: {  	[sflag:s0] =	ssyncset.done $0x0  }
0x1b: {  	[sflag:s0] =	ssyncadd.s32 $0xFFFFE000  }
0x1c: {  	_ =	swait.ge [sflag:s18], $0x2000  }
0x1d: {  	s21 =	sadd.s32 $0x1, s21;
	[sflag:s18] =	ssyncset.done $0x0  }
0x1e: {  	p0 =	sne.s32 s21, s10;
	[sflag:s18] =	ssyncadd.s32 $0xFFFFE000  }
.Ltmp1:
0x1f: {  	[bflag:$0x0] =	sbarrier.arrive $0xFFFF;
	(pc) =	sbr.rel @!p0 .LBB2_5-.Ltmp1, $4  }
0x20: {  	[hbm:s9], [sflag:s6] =	dma.local [spmem:s11], $0x1400  }
0x21: {  	_ =	swait.ge [sflag:s12], $0x1400  }
0x22: {  	[sflag:s12] =	ssyncset.done $0x0  }
0x23: {  	[sflag:s12] =	ssyncadd.s32 $0xFFFFEC00  }
.LBB2_1:
0x24: {  	[spmem:s11], [sflag:s6] =	dma.local [hbm:s5], $0x1400  }
0x25: {  	_ =	swait.ge [sflag:s12], $0x1400  }
0x26: {  	[sflag:s12] =	ssyncset.done $0x0  }
0x27: {  	[sflag:s12] =	ssyncadd.s32 $0xFFFFEC00  }
0x28: {  	[tilespmem:s3], [sflag:$0x9] =	stream.linear.gather [hbm4b:s7+s3], $0x2800, $0x38;
	[tilespmem:$0x17000] =	vst v63  }
0x29: {  	_ =	swait.ge [sflag:s12], $0x2800  }
0x2a: {  	[sflag:s12] =	ssyncset.done $0x0  }
0x2b: {  	[sflag:s12] =	ssyncadd.s32 $0xFFFFD800  }
0x2c: {  	[tilespmem:s13], [sflag:$0x9] =	stream.linear.gather [hbm4b:s8+s3], $0x2800, $0x38;
	[tilespmem:$0x17000] =	vst v63  }
0x2d: {  	_ =	swait.ge [sflag:s12], $0x2800  }
0x2e: {  	[sflag:s12] =	ssyncset.done $0x0  }
0x2f: {  	[sflag:s12] =	ssyncadd.s32 $0xFFFFD800  }
0x30: {  	[bflag:$0x0] =	sbarrier.arrive $0xFFFF  }
0x31: {  	[tilespmem:s15], [sflag:$0x1] =	stream.indirect.gather [hbm4b:s4+s14], $0x40, s3, s14, $0xb8;
	[tilespmem:$0x17000] =	vst v63  }
0x32: {  	_ = 	snop  }
0x33: {  	[tilespmem:s16], [sflag:$0x2] =	stream.indirect.gather [hbm4b:s4+s14], $0x40, s14, s14, $0xb8;
	[tilespmem:$0x17000] =	vst v63  }
0x34: {  	_ =	swait.ge [sflag:s17], $0x2000  }
0x35: {  	[sflag:s17] =	ssyncset.done $0x0  }
0x36: {  	[sflag:s17] =	ssyncadd.s32 $0xFFFFE000  }
0x37: {  	[spmem:s2] =	stream.indirect.scatter.add.f32 [tilespmem:s15], [sflag:$0x5], $0x40, s13, s14, $0xb8;
	[tilespmem:$0x17000] =	vst v63  }
0x38: {  	s22 =	simm.s32 $0x100  }
0x39: {  	[tilespmem:s19], [sflag:$0x3] =	stream.indirect.gather [hbm4b:s4+s14], $0x40, s22, s14, $0xb8;
	[tilespmem:$0x17000] =	vst v63  }
0x3a: {  	_ =	swait.ge [sflag:s20], $0x2000  }
0x3b: {  	[sflag:s20] =	ssyncset.done $0x0  }
0x3c: {  	s28 =	simm.s32 $0x2880;
	[sflag:s20] =	ssyncadd.s32 $0xFFFFE000  }
0x3d: {  	[spmem:s2] =	stream.indirect.scatter.add.f32 [tilespmem:s16], [sflag:$0x6], $0x40, s28, s14, $0xb8;
	[tilespmem:$0x17000] =	vst v63  }
0x3e: {  	s30 =	simm.s32 $0x180  }
0x3f: {  	[tilespmem:s23], [sflag:$0x4] =	stream.indirect.gather [hbm4b:s4+s14], $0x40, s30, s14, $0xb8;
	[tilespmem:$0x17000] =	vst v63  }
0x40: {  	_ =	swait.ge [sflag:s24], $0x2000  }
0x41: {  	[sflag:s24] =	ssyncset.done $0x0  }
0x42: {  	s25 =	simm.s32 $0x2900;
	[sflag:s24] =	ssyncadd.s32 $0xFFFFE000  }
0x43: {  	[spmem:s2] =	stream.indirect.scatter.add.f32 [tilespmem:s19], [sflag:$0x7], $0x40, s25, s14, $0xb8;
	[tilespmem:$0x17000] =	vst v63  }
0x44: {  	_ =	swait.ge [sflag:s26], $0x2000  }
0x45: {  	[sflag:s26] =	ssyncset.done $0x0  }
0x46: {  	s28 =	simm.s32 $0x200;
	[sflag:s26] =	ssyncadd.s32 $0xFFFFE000  }
0x47: {  	[tilespmem:s15], [sflag:$0x1] =	stream.indirect.gather [hbm4b:s4+s14], $0x40, s28, s14, $0xb8;
	[tilespmem:$0x17000] =	vst v63  }
0x48: {  	_ =	swait.ge [sflag:s29], $0x2000  }
0x49: {  	[sflag:s29] =	ssyncset.done $0x0  }
0x4a: {  	s30 =	simm.s32 $0x2980;
	[sflag:s29] =	ssyncadd.s32 $0xFFFFE000  }
0x4b: {  	[spmem:s2] =	stream.indirect.scatter.add.f32 [tilespmem:s23], [sflag:$0x8], $0x40, s30, s14, $0xb8;
	[tilespmem:$0x17000] =	vst v63  }
0x4c: {  	_ =	swait.ge [sflag:s31], $0x2000  }
0x4d: {  	[sflag:s31] =	ssyncset.done $0x0  }
0x4e: {  	s22 =	simm.s32 $0x0;
	[sflag:s31] =	ssyncadd.s32 $0xFFFFE000  }
0x4f: {  	[tilespmem:s16], [sflag:$0x2] =	stream.indirect.gather [hbm4b:s4+s14], $0x40, s1, s14, $0xb8;
	[tilespmem:$0x17000] =	vst v63  }
.LBB2_2:
0x50: {  	_ =	swait.ge [sflag:s17], $0x2000  }
0x51: {  	s25 =	sshra.s32 s22, $0x2;
	[sflag:s17] =	ssyncset.done $0x0  }
0x52: {  	s28 =	sadd.s32 $0x2A00, s25;
	[sflag:s17] =	ssyncadd.s32 $0xFFFFE000  }
0x53: {  	[spmem:s2] =	stream.indirect.scatter.add.f32 [tilespmem:s15], [sflag:$0x5], $0x40, s28, s14, $0xb8;
	[tilespmem:$0x17000] =	vst v63  }
0x54: {  	_ =	swait.ge [sflag:s0], $0x2000  }
0x55: {  	[sflag:s0] =	ssyncset.done $0x0  }
0x56: {  	s28 =	sadd.s32 $0x300, s25;
	[sflag:s0] =	ssyncadd.s32 $0xFFFFE000  }
0x57: {  	[tilespmem:s19], [sflag:$0x3] =	stream.indirect.gather [hbm4b:s4+s14], $0x40, s28, s14, $0xb8;
	[tilespmem:$0x17000] =	vst v63  }
0x58: {  	_ =	swait.ge [sflag:s20], $0x2000  }
0x59: {  	[sflag:s20] =	ssyncset.done $0x0  }
0x5a: {  	s28 =	sadd.s32 $0x2A80, s25;
	[sflag:s20] =	ssyncadd.s32 $0xFFFFE000  }
0x5b: {  	[spmem:s2] =	stream.indirect.scatter.add.f32 [tilespmem:s16], [sflag:$0x6], $0x40, s28, s14, $0xb8;
	[tilespmem:$0x17000] =	vst v63  }
0x5c: {  	_ =	swait.ge [sflag:s18], $0x2000  }
0x5d: {  	[sflag:s18] =	ssyncset.done $0x0  }
0x5e: {  	s28 =	sadd.s32 $0x380, s25;
	[sflag:s18] =	ssyncadd.s32 $0xFFFFE000  }
0x5f: {  	[tilespmem:s23], [sflag:$0x4] =	stream.indirect.gather [hbm4b:s4+s14], $0x40, s28, s14, $0xb8;
	[tilespmem:$0x17000] =	vst v63  }
0x60: {  	_ =	swait.ge [sflag:s24], $0x2000  }
0x61: {  	p0 =	seq.s32 s22, $0x9000;
	[sflag:s24] =	ssyncset.done $0x0  }
.Ltmp2:
0x62: {  	s28 =	sadd.s32 $0x2B00, s25;
	[sflag:s24] =	ssyncadd.s32 $0xFFFFE000;
	(pc) =	sbr.rel @p0 .LBB2_4-.Ltmp2, $4  }
0x63: {  	[spmem:s2] =	stream.indirect.scatter.add.f32 [tilespmem:s19], [sflag:$0x7], $0x40, s28, s14, $0xb8;
	[tilespmem:$0x17000] =	vst v63  }
0x64: {  	_ =	swait.ge [sflag:s26], $0x2000  }
0x65: {  	[sflag:s26] =	ssyncset.done $0x0  }
0x66: {  	s28 =	sadd.s32 $0x2B80, s25;
	[sflag:s26] =	ssyncadd.s32 $0xFFFFE000  }
0x67: {  	s30 =	sadd.s32 $0x400, s25  }
0x68: {  	[tilespmem:s15], [sflag:$0x1] =	stream.indirect.gather [hbm4b:s4+s14], $0x40, s30, s14, $0xb8;
	[tilespmem:$0x17000] =	vst v63  }
0x69: {  	_ =	swait.ge [sflag:s29], $0x2000  }
0x6a: {  	[sflag:s29] =	ssyncset.done $0x0  }
0x6b: {  	[sflag:s29] =	ssyncadd.s32 $0xFFFFE000  }
0x6c: {  	[spmem:s2] =	stream.indirect.scatter.add.f32 [tilespmem:s23], [sflag:$0x8], $0x40, s28, s14, $0xb8;
	[tilespmem:$0x17000] =	vst v63  }
.Ltmp3:
0x6d: {  	_ = 	snop;
	(pc) =	sbr.rel .LBB2_2-.Ltmp3, $4  }
0x6e: {  	_ =	swait.ge [sflag:s31], $0x2000  }
0x6f: {  	[sflag:s31] =	ssyncset.done $0x0  }
0x70: {  	s22 =	sadd.s32 $0x800, s22;
	s30 =	sadd.s32 $0x480, s25;
	[sflag:s31] =	ssyncadd.s32 $0xFFFFE000  }
0x71: {  	[tilespmem:s16], [sflag:$0x2] =	stream.indirect.gather [hbm4b:s4+s14], $0x40, s30, s14, $0xb8;
	[tilespmem:$0x17000] =	vst v63  }
.LBB2_5:
0x72: {  	_ =	sfence.sel $0x180000  }
0x73: {  	[bflag:$0x0] =	sbarrier.arrive $0xFFFF  }
0x74: {  	_ =	strace $0x9000004D  }
0x75: {  	s0 =	stileid.u32;
	[bflag:$0x2] =	sbarrier.arrive $0xFFFF  }
0x76: {  	p0 =	sne.s32 s0, $0x0;
	s0 =	rddreg [dreg:$0x2]  }
0x77: {  	s0 =	sadd.s32 @!p0 $0x100000, s0  }
0x78: {  	[sflag:s0] =	ssyncadd.tile.s32 @!p0 $0x1;
	_ =	shalt  }
.Lfunc_end2:
_tile_overlayer_lowered:
.L_overlay_start_2:
0x79: {  	(tag) =	ssettag $0x2  }
0x7a: {  	s0 =	rddreg [dreg:$0x0];
	s2 =	stileid.u32  }
0x7b: {  	s1 =	rddreg [dreg:$0x1];
	p0 =	sne.s32 s2, $0x0  }
0x7c: {  	s3 =	rddreg [dreg:$0x2];
	[bflag:$0x3] =	sbarrier.arrive $0xFFFF;
	s2 =	simm.s32 @!p0 $0x1C09  }
0x7d: {  	[timem:s3], [sflag:s2] =	dma.local @!p0 [hbm:s0], s1  }
0x7e: {  	s0 =	simm.s32 @!p0 $0x9  }
0x7f: {  	_ =	swait.ge @!p0 [sflag:s0], s1  }
0x80: {  	s1 =	ssub.s32 @!p0 $0x0, s1;
	[sflag:s0] =	ssyncset.done @!p0 $0x0  }
0x81: {  	[sflag:s0] =	ssyncadd.s32 @!p0 s1  }
0x82: {  	[bflag:$0x3] =	sbarrier.arrive $0xFFFF  }
0x83: {  	_ =	shalt  }

// kernel: kernel.20.cloned.1.call-start
scs
__scs_entry_jumppad:
0x0: {  	(pc) =	sbr.rel $0x88, $3  }
0x1: {  	(tag) =	ssettag $0x0;
	lr =	simm.s32 $0x1  }
0x2: {  	[smem:$0x3F97] =	sst lr;
	_ =	strace $0xD0000000  }
0x3: {  	_ = 	snop  }
0x4: {  	_ = 	snop  }
0x5: {  	_ = 	snop  }
0x6: {  	_ = 	snop  }
0x7: {  	_ = 	snop  }
__scs_overlays_trampoline_lowered:
0x8: {  	[smem:$0x3FA6] =	sst s0  }
0x9: {  	[smem:$0x3FA7] =	sst s1  }
0xa: {  	[smem:$0x3FA8] =	sst s2  }
0xb: {  	[smem:$0x3FA9] =	sst s3  }
0xc: {  	[smem:$0x3FAA] =	sst s4  }
0xd: {  	[smem:$0x3FAB] =	sst s5  }
0xe: {  	[smem:$0x3FAC] =	sst s6  }
0xf: {  	[smem:$0x3FAD] =	sst s7  }
0x10: {  	[smem:$0x3FAE] =	sst s8  }
0x11: {  	[smem:$0x3FAF] =	sst s9;
	s0 =	simm.s32 @!p0 $0x0  }
0x12: {  	s1 =	sld [smem:$0x3F95];
	s0 =	simm.s32 @p0 $0x1  }
0x13: {  	[smem:$0x3FB0] =	sst s0;
	s0 =	simm.s32 @!p1 $0x0  }
0x14: {  	s2 =	sld [smem:$0x3F94];
	s0 =	simm.s32 @p1 $0x1  }
0x15: {  	[smem:$0x3FB1] =	sst s0;
	s0 =	simm.s32 @!p2 $0x0  }
0x16: {  	s3 =	sld [smem:$0x3FDB];
	s0 =	simm.s32 @p2 $0x1  }
0x17: {  	s4 =	simm.s32 $0x1BF5;
	[smem:$0x3FB3] =	sst s0  }
0x18: {  	s0 =	sld [smem:$0x3F96];
	_ =	swait.ge [sflag:s4], $0x0  }
0x19: {  	s7 =	sld [smem:$0x3F97]  }
0x1a: {  	s8 =	sadd.s32 $0xFFFFE003, lr  }
0x1b: {  	s9 =	sadd.s32 $0xFFFFFEF7, lr;
	s5 =	simm.s32 $0xFFFFFFFF;
	p2 =	slt.u32 s8, $0xFFFFF086  }
0x1c: {  	p1 =	slt.u32 s9, $0xF7A;
	s5 =	simm.s32 @!p2 $0x0  }
0x1d: {  	s5 =	simm.s32 @p1 $0x1;
	p0 =	seq.s32 s7, s2  }
0x1e: {  	s7 =	smul.u32 @!p0 $0xF7A, s2;
	p2 =	seq.s32 @!p0 s5, $0x0  }
0x1f: {  	s9 =	smul.u32 $0xF7A, s1;
	s8 =	simm.s32 @!p0 $0x1BF5;
	p2 =	por !p2, p0  }
0x20: {  	[sflag:s8] =	ssyncset.s32 @!p0 $0xFFFFF086;
	s6 =	sadd.s32 @!p0 s3, s7;
	s7 =	simm.s32 @!p0 $0x108  }
0x21: {  	s3 =	sadd.s32 s3, s9;
	s6 =	sadd.s32 @!p0 $0x88, s6;
	s7 =	simm.s32 @p2 $0x1082  }
0x22: {  	[simem:s7], [sflag:s8] =	dma.local @!p0 [hbm:s6], $0xF7A  }
0x23: {  	s9 =	sor.u32 $0xD0000000, s2;
	s6 =	simm.s32 $0x108;
	_ =	swait.ge @!p0 [sflag:s8], $0x0  }
0x24: {  	s3 =	sadd.s32 $0x88, s3;
	s6 =	simm.s32 @!p1 $0x1082;
	[sflag:s4] =	ssyncset.s32 $0xFFFFF086  }
0x25: {  	[simem:s6], [sflag:s4] =	dma.local [hbm:s3], $0xF7A  }
0x26: {  	[smem:$0x3F97] =	sst s1;
	(tag) =	ssettag s2;
	_ =	strace s9  }
0x27: {  	s1 =	sld [smem:$0x3FA7]  }
0x28: {  	s2 =	sld [smem:$0x3FA8]  }
0x29: {  	s4 =	sld [smem:$0x3FAA]  }
0x2a: {  	p0 =	seq.s32 s5, $0x0;
	s5 =	sld [smem:$0x3FAB]  }
0x2b: {  	s6 =	sld [smem:$0x3FAC]  }
0x2c: {  	s7 =	sld [smem:$0x3FAD]  }
0x2d: {  	s3 =	simm.s32 $0x108;
	s8 =	sld [smem:$0x3FAE]  }
0x2e: {  	s3 =	simm.s32 @!p0 $0x1082;
	s9 =	sld [smem:$0x3FAF]  }
0x2f: {  	lr =	sadd.s32 s0, s3;
	s0 =	sld [smem:$0x3FA6]  }
0x30: {  	s3 =	sld [smem:$0x3FA9]  }
0x31: {  	[smem:$0x3FB2] =	sst s10  }
0x32: {  	s10 =	sld [smem:$0x3FB0];
	_ =	sdelay $0x3  }
0x33: {  	p0 =	seq.s32 s10, $0x1;
	s10 =	sld [smem:$0x3FB2];
	_ =	sdelay $0x3  }
0x34: {  	[smem:$0x3FB2] =	sst s10  }
0x35: {  	s10 =	sld [smem:$0x3FB1];
	_ =	sdelay $0x3  }
0x36: {  	p1 =	seq.s32 s10, $0x1;
	s10 =	sld [smem:$0x3FB2];
	_ =	sdelay $0x3  }
0x37: {  	[smem:$0x3FB2] =	sst s10  }
0x38: {  	s10 =	sld [smem:$0x3FB3]  }
0x39: {  	_ = 	snop;
	(pc) =	sbr.ind lr, $3  }
0x3a: {  	_ = 	snop  }
0x3b: {  	_ = 	snop  }
0x3c: {  	p2 =	seq.s32 s10, $0x1;
	s10 =	sld [smem:$0x3FB2]  }
0x3d: {  	_ =	shalt  }
0x3e: {  	_ =	shalt  }
0x3f: {  	_ =	shalt  }
0x40: {  	_ =	shalt  }
0x41: {  	_ =	shalt  }
0x42: {  	_ =	shalt  }
0x43: {  	_ =	shalt  }
0x44: {  	_ =	shalt  }
0x45: {  	_ =	shalt  }
0x46: {  	_ =	shalt  }
0x47: {  	_ =	shalt  }
0x48: {  	_ =	shalt  }
0x49: {  	_ =	shalt  }
0x4a: {  	_ =	shalt  }
0x4b: {  	_ =	shalt  }
0x4c: {  	_ =	shalt  }
0x4d: {  	_ =	shalt  }
0x4e: {  	_ =	shalt  }
0x4f: {  	_ =	shalt  }
0x50: {  	_ =	shalt  }
0x51: {  	_ =	shalt  }
0x52: {  	_ =	shalt  }
0x53: {  	_ =	shalt  }
0x54: {  	_ =	shalt  }
0x55: {  	_ =	shalt  }
0x56: {  	_ =	shalt  }
0x57: {  	_ =	shalt  }
0x58: {  	_ =	shalt  }
0x59: {  	_ =	shalt  }
0x5a: {  	_ =	shalt  }
0x5b: {  	_ =	shalt  }
0x5c: {  	_ =	shalt  }
0x5d: {  	_ =	shalt  }
0x5e: {  	_ =	shalt  }
0x5f: {  	_ =	shalt  }
0x60: {  	_ =	shalt  }
0x61: {  	_ =	shalt  }
0x62: {  	_ =	shalt  }
0x63: {  	_ =	shalt  }
0x64: {  	_ =	shalt  }
0x65: {  	_ =	shalt  }
0x66: {  	_ =	shalt  }
0x67: {  	_ =	shalt  }
0x68: {  	_ =	shalt  }
0x69: {  	_ =	shalt  }
0x6a: {  	_ =	shalt  }
0x6b: {  	_ =	shalt  }
0x6c: {  	_ =	shalt  }
0x6d: {  	_ =	shalt  }
0x6e: {  	_ =	shalt  }
0x6f: {  	_ =	shalt  }
0x70: {  	_ =	shalt  }
0x71: {  	_ =	shalt  }
0x72: {  	_ =	shalt  }
0x73: {  	_ =	shalt  }
0x74: {  	_ =	shalt  }
0x75: {  	_ =	shalt  }
0x76: {  	_ =	shalt  }
0x77: {  	_ =	shalt  }
0x78: {  	_ =	shalt  }
0x79: {  	_ =	shalt  }
0x7a: {  	_ =	shalt  }
0x7b: {  	_ =	shalt  }
0x7c: {  	_ =	shalt  }
0x7d: {  	_ =	shalt  }
0x7e: {  	_ =	shalt  }
0x7f: {  	_ =	shalt  }
0x80: {  	_ =	shalt  }
0x81: {  	_ =	shalt  }
0x82: {  	_ =	shalt  }
0x83: {  	_ =	shalt  }
0x84: {  	_ =	shalt  }
0x85: {  	_ =	shalt  }
0x86: {  	_ =	shalt  }
0x87: {  	_ =	shalt  }
.Lfunc_end0:
.L_simem_size_0:
called_computation.3_lowered:
.L_overlay_start_0:
0x88: {  	s2 =	sld [smem:$0x3FD9]  }
0x89: {  	s3 =	sld [smem:$0x3FFE];
	_ =	sdelay $0x1  }
0x8a: {  	s1 =	srdreg.scid  }
0x8b: {  	s0 =	sand.u32 $0x1, s1  }
0x8c: {  	s16 =	sshll.u32 s0, $0xA;
	s2 =	sadd.s32 s3, s2  }
0x8d: {  	s2 =	sadd.s32 s2, s16  }
0x8e: {  	[smem:$0x3FBE] =	sst s2  }
0x8f: {  	_ = 	snop  }
0x90: {  	(tm) =	ssettm $0x1  }
0x91: {  	s17 =	sld [smem:$0x3FFB];
	_ =	sdelay $0x3  }
0x92: {  	_ =	strace s17  }
0x93: {  	s2 =	sld [smem:$0x3FFC];
	_ =	sdelay $0x3  }
0x94: {  	_ =	strace s2  }
0x95: {  	s2 =	sld [smem:$0x3FFD];
	_ =	sdelay $0x3  }
0x96: {  	_ =	strace s2  }
0x97: {  	_ =	strace $0x8FFFFFFF  }
0x98: {  	s18 =	sld [smem:$0x3FDB];
	_ =	sdelay $0x1  }
0x99: {  	s19 =	simm.s32 $_scs_section_size  }
0x9a: {  	s4 =	simm.s32 $_size__tile_overlayer_lowered;
	s5 =	simm.s32 $_tile_overlayer_lowered  }
0x9b: {  	s22 =	simm.s32 $0x1BFF;
	s21 =	sshll.u32 s5, $0x1;
	s2 =	sadd.s32 s19, s18  }
0x9c: {  	s6 =	simm.s32 $0x0;
	s20 =	sshll.u32 s4, $0x1;
	s4 =	sadd.s32 s21, s2  }
0x9d: {  	[timem:s6], [sflag:s22] =	dma.local [hbm:s4], s20  }
0x9e: {  	_ =	swait.ge [sflag:s22], s20  }
0x9f: {  	s3 =	ssub.s32 $0x0, s20;
	[sflag:s22] =	ssyncset.done $0x0  }
0xa0: {  	[sflag:s22] =	ssyncadd.s32 s3;
	_ =	sdelay $0x1  }
0xa1: {  	s23 =	simm.s32 $0x1B8B  }
0xa2: {  	_ =	swait.ge [sflag:s23], $0x1  }
0xa3: {  	[sflag:s23] =	ssyncset.done $0x0  }
0xa4: {  	s25 =	simm.s32 $0x1B8E;
	s24 =	sld [smem:$0x3FFE];
	[sflag:s23] =	ssyncadd.s32 $0xFFFFFFFF  }
0xa5: {  	s26 =	simm.s32 $execute0_lowered;
	[smem:$0x3FD2] =	sst s25  }
0xa6: {  	s4 =	sshll.u32 s26, $0x1;
	_ =	strace $0x8000004F;
	[dreg:$0x1] =	wrdreg $0xFFFFFFFF  }
0xa7: {  	s28 =	simm.s32 $_size_execute0_lowered;
	s2 =	sadd.s32 s2, s4;
	[dreg:$0x0] =	wrdreg $0x0  }
0xa8: {  	s4 =	sshll.u32 s28, $0x1;
	[dreg:$0x2] =	wrdreg s2  }
0xa9: {  	[dreg:$0x3] =	wrdreg s4  }
0xaa: {  	[dreg:$0x4] =	wrdreg $0xC0  }
0xab: {  	_ =	task [dreg:s6], $0x5FFFF  }
0xac: {  	[dreg:$0x1] =	wrdreg $0xFFFFFFFF  }
0xad: {  	[dreg:$0x0] =	wrdreg $0x60  }
0xae: {  	[dreg:$0x2] =	wrdreg s24  }
0xaf: {  	[dreg:$0x3] =	wrdreg $0x90000  }
0xb0: {  	[dreg:$0x4] =	wrdreg $0x9  }
0xb1: {  	_ =	task.clear_ibuf [dreg:s6], $0x5FFFF;
	_ =	strace $0x9000004F  }
0xb2: {  	s29 =	simm.s32 $0x9;
	_ =	strace $0x80000051  }
0xb3: {  	_ =	swait.ge [sflag:s29], $0x1  }
0xb4: {  	[sflag:s29] =	ssyncadd.s32 $0xFFFFFFFF  }
0xb5: {  	_ =	strace $0x90000051  }
0xb6: {  	_ =	sfence  }
0xb7: {  	s30 =	sld [smem:$0x0];
	_ =	sdelay $0x2  }
0xb8: {  	s31 =	sshll.u32 s1, $0xD;
	s1 =	sshrl.u32 s1, $0x2  }
0xb9: {  	s3 =	sand.u32 $0x4000, s31;
	s1 =	sadd.s32 s1, s30  }
0xba: {  	s0 =	sor.u32 s3, s0;
	s1 =	sshll.u32 s1, $0x11  }
0xbb: {  	s0 =	sor.u32 s1, s0  }
0xbc: {  	s0 =	sadd.s32 $0x8F2B, s0  }
0xbd: {  	[sflag:s0] =	ssyncadd.remote.s32 $0x1  }
0xbe: {  	_ =	sfence.sel $0xFFFF  }
0xbf: {  	[dreg:$0x0] =	wrdreg $0xFFFFFFFF;
	(pc) =	sbr.abs _section_cstart, $3  }
0xc0: {  	[dreg:$0x1] =	wrdreg $0xFFFFFFFF  }
0xc1: {  	_ =	task.clear_ibuf [dreg:s6], $0x2FFFF;
	_ =	strace $0x9FFFFFFF  }
0xc2: {  	(tm) =	ssettm $0x7FFFFFFF  }
0xc3: {  	_ =	shalt  }
tec
execute0_lowered:
.L_overlay_start_1:
0x0: {  	(tag) =	ssettag $0x1  }
0x1: {  	s0 =	srdreg.scid  }
0x2: {  	s11 =	stileid.u32;
	s6 =	rddreg [dreg:$0x0]  }
0x3: {  	s2 =	rddreg [dreg:$0x1];
	s3 =	simm.s32 $0x0;
	s12 =	simm.s32 $0x9  }
0x4: {  	s13 =	simm.s32 $0x2800;
	s14 =	simm.s32 $0x80;
	s15 =	simm.s32 $0x5000  }
0x5: {  	s16 =	simm.s32 $0x6000;
	s17 =	simm.s32 $0x1;
	s19 =	simm.s32 $0x7000  }
0x6: {  	s20 =	simm.s32 $0x2;
	s23 =	simm.s32 $0x8000;
	s24 =	simm.s32 $0x3  }
0x7: {  	s26 =	simm.s32 $0x5;
	s29 =	simm.s32 $0x4;
	s31 =	simm.s32 $0x6  }
0x8: {  	s18 =	simm.s32 $0x8;
	s21 =	simm.s32 $0x0;
	s0 =	sand.u32 $0x1, s0  }
0x9: {  	s7 =	smul.u32 $0x5000, s11;
	[smem:$0x7FF] =	sst s3;
	s4 =	sadd.s32 $0x16A00, s6  }
0xa: {  	s28 =	sshll.u32 s11, $0x6;
	s1 =	sshll.u32 s0, $0x4;
	s5 =	smul.u32 $0x50000, s0  }
0xb: {  	_ =	strace $0x80000050;
	s0 =	ssub.s32 $0x2, s0;
	s1 =	sor.u32 s11, s1  }
0xc: {  	s9 =	sshrl.u32 s0, $0x1;
	s30 =	sadd.s32 s7, s2;
	s1 =	smul.u32 $0x500, s1  }
.Ltmp0:
0xd: {  	s8 =	sadd.s32 s7, s5;
	s5 =	sadd.s32 $0x20800, s6;
	(pc) =	sbr.rel .LBB2_1-.Ltmp0, $4  }
0xe: {  	s0 =	ssub.s32 s0, s9;
	s11 =	sshrl.u32 s30, $0x3;
	s8 =	sshrl.u32 s8, $0x3  }
0xf: {  	s1 =	sadd.s32 s1, s6;
	s10 =	sadd.s32 s8, s6;
	s6 =	sor.u32 $0x1C09, s28  }
0x10: {  	s7 =	sadd.s32 $0xCA00, s1;
	s8 =	sadd.s32 $0x2A00, s1;
	s9 =	sadd.s32 $0x21200, s10  }
0x11: {  	s10 =	smax.u32 s0, $0x1;
	s1 =	simm.s32 $0x280;
	s0 =	simm.s32 $0x7  }
.LBB2_4:
0x12: {  	_ =	swait.ge [sflag:s29], $0x1000  }
0x13: {  	[sflag:s29] =	ssyncset.done $0x0  }
0x14: {  	[sflag:s29] =	ssyncadd.s32 $0xFFFFF000  }
0x15: {  	[spmem:s2] =	stream.indirect.scatter.add.f32 [tilespmem:s23], [sflag:$0x8], $0x20, s28, s14, $0xb8;
	[tilespmem:$0xE000] =	vst v63  }
0x16: {  	_ =	swait.ge [sflag:s31], $0x1000  }
0x17: {  	[sflag:s31] =	ssyncset.done $0x0  }
0x18: {  	[sflag:s31] =	ssyncadd.s32 $0xFFFFF000  }
0x19: {  	_ =	swait.ge [sflag:s0], $0x1000  }
0x1a: {  	[sflag:s0] =	ssyncset.done $0x0  }
0x1b: {  	[sflag:s0] =	ssyncadd.s32 $0xFFFFF000  }
0x1c: {  	_ =	swait.ge [sflag:s18], $0x1000  }
0x1d: {  	s21 =	sadd.s32 $0x1, s21;
	[sflag:s18] =	ssyncset.done $0x0  }
0x1e: {  	p0 =	sne.s32 s21, s10;
	[sflag:s18] =	ssyncadd.s32 $0xFFFFF000  }
.Ltmp1:
0x1f: {  	[bflag:$0x0] =	sbarrier.arrive $0xFFFF;
	(pc) =	sbr.rel @!p0 .LBB2_5-.Ltmp1, $4  }
0x20: {  	[hbm:s9], [sflag:s6] =	dma.local [spmem:s11], $0xA00  }
0x21: {  	_ =	swait.ge [sflag:s12], $0xA00  }
0x22: {  	[sflag:s12] =	ssyncset.done $0x0  }
0x23: {  	[sflag:s12] =	ssyncadd.s32 $0xFFFFF600  }
.LBB2_1:
0x24: {  	[spmem:s11], [sflag:s6] =	dma.local [hbm:s5], $0xA00  }
0x25: {  	_ =	swait.ge [sflag:s12], $0xA00  }
0x26: {  	[sflag:s12] =	ssyncset.done $0x0  }
0x27: {  	[sflag:s12] =	ssyncadd.s32 $0xFFFFF600  }
0x28: {  	[tilespmem:s3], [sflag:$0x9] =	stream.linear.gather [hbm4b:s7+s3], $0x2800, $0x38;
	[tilespmem:$0xE000] =	vst v63  }
0x29: {  	_ =	swait.ge [sflag:s12], $0x2800  }
0x2a: {  	[sflag:s12] =	ssyncset.done $0x0  }
0x2b: {  	[sflag:s12] =	ssyncadd.s32 $0xFFFFD800  }
0x2c: {  	[tilespmem:s13], [sflag:$0x9] =	stream.linear.gather [hbm4b:s8+s3], $0x2800, $0x38;
	[tilespmem:$0xE000] =	vst v63  }
0x2d: {  	_ =	swait.ge [sflag:s12], $0x2800  }
0x2e: {  	[sflag:s12] =	ssyncset.done $0x0  }
0x2f: {  	[sflag:s12] =	ssyncadd.s32 $0xFFFFD800  }
0x30: {  	[bflag:$0x0] =	sbarrier.arrive $0xFFFF  }
0x31: {  	[tilespmem:s15], [sflag:$0x1] =	stream.indirect.gather [hbm4b:s4+s14], $0x20, s3, s14, $0xb8;
	[tilespmem:$0xE000] =	vst v63  }
0x32: {  	_ = 	snop  }
0x33: {  	[tilespmem:s16], [sflag:$0x2] =	stream.indirect.gather [hbm4b:s4+s14], $0x20, s14, s14, $0xb8;
	[tilespmem:$0xE000] =	vst v63  }
0x34: {  	_ =	swait.ge [sflag:s17], $0x1000  }
0x35: {  	[sflag:s17] =	ssyncset.done $0x0  }
0x36: {  	[sflag:s17] =	ssyncadd.s32 $0xFFFFF000  }
0x37: {  	[spmem:s2] =	stream.indirect.scatter.add.f32 [tilespmem:s15], [sflag:$0x5], $0x20, s13, s14, $0xb8;
	[tilespmem:$0xE000] =	vst v63  }
0x38: {  	s22 =	simm.s32 $0x100  }
0x39: {  	[tilespmem:s19], [sflag:$0x3] =	stream.indirect.gather [hbm4b:s4+s14], $0x20, s22, s14, $0xb8;
	[tilespmem:$0xE000] =	vst v63  }
0x3a: {  	_ =	swait.ge [sflag:s20], $0x1000  }
0x3b: {  	[sflag:s20] =	ssyncset.done $0x0  }
0x3c: {  	s28 =	simm.s32 $0x2880;
	[sflag:s20] =	ssyncadd.s32 $0xFFFFF000  }
0x3d: {  	[spmem:s2] =	stream.indirect.scatter.add.f32 [tilespmem:s16], [sflag:$0x6], $0x20, s28, s14, $0xb8;
	[tilespmem:$0xE000] =	vst v63  }
0x3e: {  	s30 =	simm.s32 $0x180  }
0x3f: {  	[tilespmem:s23], [sflag:$0x4] =	stream.indirect.gather [hbm4b:s4+s14], $0x20, s30, s14, $0xb8;
	[tilespmem:$0xE000] =	vst v63  }
0x40: {  	_ =	swait.ge [sflag:s24], $0x1000  }
0x41: {  	[sflag:s24] =	ssyncset.done $0x0  }
0x42: {  	s25 =	simm.s32 $0x2900;
	[sflag:s24] =	ssyncadd.s32 $0xFFFFF000  }
0x43: {  	[spmem:s2] =	stream.indirect.scatter.add.f32 [tilespmem:s19], [sflag:$0x7], $0x20, s25, s14, $0xb8;
	[tilespmem:$0xE000] =	vst v63  }
0x44: {  	_ =	swait.ge [sflag:s26], $0x1000  }
0x45: {  	[sflag:s26] =	ssyncset.done $0x0  }
0x46: {  	s28 =	simm.s32 $0x200;
	[sflag:s26] =	ssyncadd.s32 $0xFFFFF000  }
0x47: {  	[tilespmem:s15], [sflag:$0x1] =	stream.indirect.gather [hbm4b:s4+s14], $0x20, s28, s14, $0xb8;
	[tilespmem:$0xE000] =	vst v63  }
0x48: {  	_ =	swait.ge [sflag:s29], $0x1000  }
0x49: {  	[sflag:s29] =	ssyncset.done $0x0  }
0x4a: {  	s30 =	simm.s32 $0x2980;
	[sflag:s29] =	ssyncadd.s32 $0xFFFFF000  }
0x4b: {  	[spmem:s2] =	stream.indirect.scatter.add.f32 [tilespmem:s23], [sflag:$0x8], $0x20, s30, s14, $0xb8;
	[tilespmem:$0xE000] =	vst v63  }
0x4c: {  	_ =	swait.ge [sflag:s31], $0x1000  }
0x4d: {  	[sflag:s31] =	ssyncset.done $0x0  }
0x4e: {  	s22 =	simm.s32 $0x0;
	[sflag:s31] =	ssyncadd.s32 $0xFFFFF000  }
0x4f: {  	[tilespmem:s16], [sflag:$0x2] =	stream.indirect.gather [hbm4b:s4+s14], $0x20, s1, s14, $0xb8;
	[tilespmem:$0xE000] =	vst v63  }
.LBB2_2:
0x50: {  	_ =	swait.ge [sflag:s17], $0x1000  }
0x51: {  	s25 =	sshra.s32 s22, $0x2;
	[sflag:s17] =	ssyncset.done $0x0  }
0x52: {  	s28 =	sadd.s32 $0x2A00, s25;
	[sflag:s17] =	ssyncadd.s32 $0xFFFFF000  }
0x53: {  	[spmem:s2] =	stream.indirect.scatter.add.f32 [tilespmem:s15], [sflag:$0x5], $0x20, s28, s14, $0xb8;
	[tilespmem:$0xE000] =	vst v63  }
0x54: {  	_ =	swait.ge [sflag:s0], $0x1000  }
0x55: {  	[sflag:s0] =	ssyncset.done $0x0  }
0x56: {  	s28 =	sadd.s32 $0x300, s25;
	[sflag:s0] =	ssyncadd.s32 $0xFFFFF000  }
0x57: {  	[tilespmem:s19], [sflag:$0x3] =	stream.indirect.gather [hbm4b:s4+s14], $0x20, s28, s14, $0xb8;
	[tilespmem:$0xE000] =	vst v63  }
0x58: {  	_ =	swait.ge [sflag:s20], $0x1000  }
0x59: {  	[sflag:s20] =	ssyncset.done $0x0  }
0x5a: {  	s28 =	sadd.s32 $0x2A80, s25;
	[sflag:s20] =	ssyncadd.s32 $0xFFFFF000  }
0x5b: {  	[spmem:s2] =	stream.indirect.scatter.add.f32 [tilespmem:s16], [sflag:$0x6], $0x20, s28, s14, $0xb8;
	[tilespmem:$0xE000] =	vst v63  }
0x5c: {  	_ =	swait.ge [sflag:s18], $0x1000  }
0x5d: {  	[sflag:s18] =	ssyncset.done $0x0  }
0x5e: {  	s28 =	sadd.s32 $0x380, s25;
	[sflag:s18] =	ssyncadd.s32 $0xFFFFF000  }
0x5f: {  	[tilespmem:s23], [sflag:$0x4] =	stream.indirect.gather [hbm4b:s4+s14], $0x20, s28, s14, $0xb8;
	[tilespmem:$0xE000] =	vst v63  }
0x60: {  	_ =	swait.ge [sflag:s24], $0x1000  }
0x61: {  	p0 =	seq.s32 s22, $0x9000;
	[sflag:s24] =	ssyncset.done $0x0  }
.Ltmp2:
0x62: {  	s28 =	sadd.s32 $0x2B00, s25;
	[sflag:s24] =	ssyncadd.s32 $0xFFFFF000;
	(pc) =	sbr.rel @p0 .LBB2_4-.Ltmp2, $4  }
0x63: {  	[spmem:s2] =	stream.indirect.scatter.add.f32 [tilespmem:s19], [sflag:$0x7], $0x20, s28, s14, $0xb8;
	[tilespmem:$0xE000] =	vst v63  }
0x64: {  	_ =	swait.ge [sflag:s26], $0x1000  }
0x65: {  	[sflag:s26] =	ssyncset.done $0x0  }
0x66: {  	s28 =	sadd.s32 $0x2B80, s25;
	[sflag:s26] =	ssyncadd.s32 $0xFFFFF000  }
0x67: {  	s30 =	sadd.s32 $0x400, s25  }
0x68: {  	[tilespmem:s15], [sflag:$0x1] =	stream.indirect.gather [hbm4b:s4+s14], $0x20, s30, s14, $0xb8;
	[tilespmem:$0xE000] =	vst v63  }
0x69: {  	_ =	swait.ge [sflag:s29], $0x1000  }
0x6a: {  	[sflag:s29] =	ssyncset.done $0x0  }
0x6b: {  	[sflag:s29] =	ssyncadd.s32 $0xFFFFF000  }
0x6c: {  	[spmem:s2] =	stream.indirect.scatter.add.f32 [tilespmem:s23], [sflag:$0x8], $0x20, s28, s14, $0xb8;
	[tilespmem:$0xE000] =	vst v63  }
.Ltmp3:
0x6d: {  	_ = 	snop;
	(pc) =	sbr.rel .LBB2_2-.Ltmp3, $4  }
0x6e: {  	_ =	swait.ge [sflag:s31], $0x1000  }
0x6f: {  	[sflag:s31] =	ssyncset.done $0x0  }
0x70: {  	s22 =	sadd.s32 $0x800, s22;
	s30 =	sadd.s32 $0x480, s25;
	[sflag:s31] =	ssyncadd.s32 $0xFFFFF000  }
0x71: {  	[tilespmem:s16], [sflag:$0x2] =	stream.indirect.gather [hbm4b:s4+s14], $0x20, s30, s14, $0xb8;
	[tilespmem:$0xE000] =	vst v63  }
.LBB2_5:
0x72: {  	_ =	sfence.sel $0x180000  }
0x73: {  	[bflag:$0x0] =	sbarrier.arrive $0xFFFF  }
0x74: {  	_ =	strace $0x90000050  }
0x75: {  	s0 =	stileid.u32;
	[bflag:$0x2] =	sbarrier.arrive $0xFFFF  }
0x76: {  	p0 =	sne.s32 s0, $0x0;
	s0 =	rddreg [dreg:$0x2]  }
0x77: {  	s0 =	sadd.s32 @!p0 $0x100000, s0  }
0x78: {  	[sflag:s0] =	ssyncadd.tile.s32 @!p0 $0x1;
	_ =	shalt  }
.Lfunc_end2:
_tile_overlayer_lowered:
.L_overlay_start_2:
0x79: {  	(tag) =	ssettag $0x2  }
0x7a: {  	s0 =	rddreg [dreg:$0x0];
	s2 =	stileid.u32  }
0x7b: {  	s1 =	rddreg [dreg:$0x1];
	p0 =	sne.s32 s2, $0x0  }
0x7c: {  	s3 =	rddreg [dreg:$0x2];
	[bflag:$0x3] =	sbarrier.arrive $0xFFFF;
	s2 =	simm.s32 @!p0 $0x1C09  }
0x7d: {  	[timem:s3], [sflag:s2] =	dma.local @!p0 [hbm:s0], s1  }
0x7e: {  	s0 =	simm.s32 @!p0 $0x9  }
0x7f: {  	_ =	swait.ge @!p0 [sflag:s0], s1  }
0x80: {  	s1 =	ssub.s32 @!p0 $0x0, s1;
	[sflag:s0] =	ssyncset.done @!p0 $0x0  }
0x81: {  	[sflag:s0] =	ssyncadd.s32 @!p0 s1  }
0x82: {  	[bflag:$0x3] =	sbarrier.arrive $0xFFFF  }
0x83: {  	_ =	shalt  }

</sc_bundles>
